<compile_context>
chip_gen: v7x
topology: tpu7x:2x2x1
jax: 0.10.2.dev20260603
libtpu: 0.0.44.dev20260713+nightly
codegen_flags: <defaults>
</compile_context>

<pallas_src>
import functools

import jax
import jax.numpy as jnp
import numpy as np
from jax import lax
from jax.experimental import pallas as pl
from jax.experimental.pallas import tpu as pltpu
from jax.experimental.pallas import tpu_sc as plsc

_EMBED = 64
_LANES = 16
_NC, _NS = 2, 16
_NW = _NC * _NS
_BLK = 128
_H = 50
_B = 16384
_NBI = _B // _BLK
_NBLOCK = _H * _NBI
_BPW = _NBLOCK // _NW
_IPW = _BPW * _BLK
_PITCH = 136
_ROWS = _H * 8 * _NBI


@functools.lru_cache(maxsize=None)
def _build(vocab: int, scale: float):
    mesh = plsc.VectorSubcoreMesh(core_axis_name="c", subcore_axis_name="s")

    @functools.partial(
        pl.kernel,
        mesh=mesh,
        out_type=jax.ShapeDtypeStruct((_ROWS, 8, 128), jnp.float32),
        scratch_types=[
            pltpu.VMEM((_BLK,), jnp.int32),
            pltpu.VMEM((_BLK,), jnp.int32),
            pltpu.VMEM((_BLK, _EMBED), jnp.float32),
            pltpu.VMEM((_BLK, _EMBED), jnp.float32),
            pltpu.VMEM((_EMBED, _PITCH), jnp.float32),
            pltpu.VMEM((_EMBED, _PITCH), jnp.float32),
            pltpu.SemaphoreType.DMA,
            pltpu.SemaphoreType.DMA,
            pltpu.SemaphoreType.DMA,
            pltpu.SemaphoreType.DMA,
            pltpu.SemaphoreType.DMA,
            pltpu.SemaphoreType.DMA,
        ],
        compiler_params=pltpu.CompilerParams(
            use_tc_tiling_on_sc=False, needs_layout_passes=False),
    )
    def emb(x_hbm, tab_hbm, out_hbm, idxb0, idxb1, rows0, rows1,
            buft0, buft1, isem0, isem1, gsem0, gsem1, osem0, osem1):
        wid = lax.axis_index("s") * _NC + lax.axis_index("c")
        tid0 = wid * _BPW
        idxbs = (idxb0, idxb1)
        isems = (isem0, isem1)

        def i_desc(k, par):
            return pltpu.make_async_copy(
                x_hbm.at[pl.ds((tid0 + k) * _BLK, _BLK)],
                idxbs[par], isems[par])

        iota = lax.iota(jnp.int32, _LANES)
        ejs = [iota + (j * _LANES) for j in range(_EMBED // _LANES)]

        def g_desc(par, rows, gsem):
            return pltpu.make_async_copy(
                tab_hbm.at[idxbs[par].at[pl.ds(0, _BLK)]], rows, gsem)

        def o_descs(k, buft, osem):
            tid = tid0 + k
            h = tid // _NBI
            bi = lax.rem(tid, _NBI)
            rbase = h * (8 * _NBI) + bi
            return [
                pltpu.make_async_copy(
                    buft.at[pl.ds(g * 8, 8), pl.ds(0, 128)],
                    out_hbm.at[rbase + g * _NBI],
                    osem,
                )
                for g in range(8)
            ]

        def transpose_scale(rows, buft):
            @plsc.parallel_loop(0, _BLK, unroll=8)
            def body(i):
                bvec = iota * 0 + i
                for j in range(_EMBED // _LANES):
                    v = rows[i, pl.ds(j * _LANES, _LANES)]
                    plsc.store_scatter(buft, [ejs[j], bvec], v * scale)

        def section(k, par, rows_cur, rows_nxt, buft, gsem_cur, gsem_nxt,
                    osem, prefetch, drain):
            if prefetch:
                i_desc(k + 1, 1 - par).wait()
                g_desc(1 - par, rows_nxt, gsem_nxt).start()
            g_desc(par, rows_cur, gsem_cur).wait()
            def pf_idx():
                i_desc(k + 2, par).start()
            pl.when(k + 2 < _BPW)(pf_idx)
            if drain is not None:
                def do_drain():
                    for cp in o_descs(k - 2, buft, osem):
                        cp.wait()
                pl.when(drain)(do_drain)
            transpose_scale(rows_cur, buft)
            for cp in o_descs(k, buft, osem):
                cp.start()

        i_desc(0, 0).start()
        i_desc(1, 1).start()
        i_desc(0, 0).wait()
        g_desc(0, rows0, gsem0).start()

        def loop(i, carry):
            k0 = 2 * i
            k1 = k0 + 1
            section(k0, 0, rows0, rows1, buft0, gsem0, gsem1, osem0,
                    prefetch=True, drain=(k0 >= 2))
            section(k1, 1, rows1, rows0, buft1, gsem1, gsem0, osem1,
                    prefetch=False, drain=(k1 >= 3))
            def pf():
                i_desc(k1 + 1, 0).wait()
                g_desc(0, rows0, gsem0).start()
            pl.when(k1 + 1 < _BPW)(pf)
            return carry

        lax.fori_loop(0, _BPW // 2, loop, 0)

        for cp in o_descs(_BPW - 2, buft0, osem0):
            cp.wait()
        for cp in o_descs(_BPW - 1, buft1, osem1):
            cp.wait()

    return emb


def kernel(x, embedding_table):
    b, h = x.shape
    vocab, embed = embedding_table.shape
    assert (b, h, embed) == (_B, _H, _EMBED)
    scale = float(np.sqrt(np.float32(embed)))
    x_flat = x.T.reshape(b * h).astype(jnp.int32)
    emb = _build(vocab, scale)
    out = emb(x_flat, embedding_table).reshape(_H, 8, _B // 128, 8, 128)
    return out.transpose(2, 4, 0, 1, 3).reshape(b, h, embed)

# --- scband reference (transcript-rebuilt; emitter-appended) ---
"""Pipeline reference for scband-embedder-77738908058060 (READ-ONLY COPY).

The authoritative reference and input builder live on the scoring server;
editing this copy changes nothing except your own understanding.
"""

import jax, jax.numpy as jnp
import numpy as np

VOCAB = 1000000
EMBED = 64
BATCH = 16384
HIST = 50


def setup_inputs(seed: int = 0) -> dict:
    key = jax.random.key(seed)
    k_idx, k_tab = jax.random.split(key)
    x = jax.random.randint(k_idx, (BATCH, HIST), 0, VOCAB, dtype=jnp.int64 if jax.config.read('jax_enable_x64') else jnp.int32)
    embedding_table = jax.random.normal(k_tab, (VOCAB, EMBED), dtype=jnp.float32) * 0.01
    return {"x": x, "embedding_table": embedding_table}


def reference(x, embedding_table):
    # Faithful translation of Embedder.encode
    out = jnp.take(embedding_table, x, axis=0, fill_value=0)
    out = jnp.asarray(out, dtype=jnp.float32)
    out = out * jnp.sqrt(jnp.asarray(EMBED, dtype=jnp.float32)).astype(jnp.float32)
    return out

if __name__ == "__main__":
    import jax
    _d = setup_inputs()
    print(jax.jit(kernel)(*tuple(_d.values())))

</pallas_src>

<mosaic_0001>
#map = affine_map<(d0, d1) -> (0)>
#map1 = affine_map<(d0, d1) -> (0, 0)>
#map2 = affine_map<(d0, d1) -> (0, 0, 0)>
module attributes {stable_mosaic.version = 14 : i64} {
  func.func @emb(%arg0: i32, %arg1: i32, %arg2: memref<819200xi32, #tpu.memory_space<hbm>>, %arg3: memref<1000000x64xf32, #tpu.memory_space<hbm>>, %arg4: memref<51200x8x128xf32, #tpu.memory_space<hbm>>, %arg5: memref<128xi32, #tpu.memory_space<vmem>>, %arg6: memref<128xi32, #tpu.memory_space<vmem>>, %arg7: memref<128x64xf32, #tpu.memory_space<vmem>>, %arg8: memref<128x64xf32, #tpu.memory_space<vmem>>, %arg9: memref<64x136xf32, #tpu.memory_space<vmem>>, %arg10: memref<64x136xf32, #tpu.memory_space<vmem>>, %arg11: memref<!tpu.dma_semaphore, #tpu.memory_space<semaphore_mem>>, %arg12: memref<!tpu.dma_semaphore, #tpu.memory_space<semaphore_mem>>, %arg13: memref<!tpu.dma_semaphore, #tpu.memory_space<semaphore_mem>>, %arg14: memref<!tpu.dma_semaphore, #tpu.memory_space<semaphore_mem>>, %arg15: memref<!tpu.dma_semaphore, #tpu.memory_space<semaphore_mem>>, %arg16: memref<!tpu.dma_semaphore, #tpu.memory_space<semaphore_mem>>) attributes {dimension_semantics = [#tpu.dimension_semantics<core_parallel>, #tpu.dimension_semantics<subcore_parallel>], iteration_bounds = array<i64: 2, 16>, scalar_prefetch = 0 : i64, scratch_operands = 12 : i64, tpu.core_type = #tpu.core_type<sc_vector_subcore>, window_params = [{transform_indices = #map}, {transform_indices = #map1}, {transform_indices = #map2}]} {
    %mul3A = arith.constant 2 : i32
    %mul3A_0 = arith.muli %arg1, %mul3A : i32
    %add3A = arith.addi %mul3A_0, %arg0 : i32
    %mul3A_1 = arith.constant 200 : i32
    %mul3A_2 = arith.muli %add3A, %mul3A_1 : i32
    %iota3A = tpu.iota {dimensions = array<i32: 0>} : vector<16xi32>
    %add3A_3 = arith.constant 0 : i32
    %add3A_4 = vector.broadcast %add3A_3 : i32 to vector<16xi32>
    %add3A_5 = arith.addi %iota3A, %add3A_4 : vector<16xi32>
    %add3A_6 = arith.constant 16 : i32
    %add3A_7 = vector.broadcast %add3A_6 : i32 to vector<16xi32>
    %add3A_8 = arith.addi %iota3A, %add3A_7 : vector<16xi32>
    %add3A_9 = arith.constant 32 : i32
    %add3A_10 = vector.broadcast %add3A_9 : i32 to vector<16xi32>
    %add3A_11 = arith.addi %iota3A, %add3A_10 : vector<16xi32>
    %add3A_12 = arith.constant 48 : i32
    %add3A_13 = vector.broadcast %add3A_12 : i32 to vector<16xi32>
    %add3A_14 = arith.addi %iota3A, %add3A_13 : vector<16xi32>
    %add3A_15 = arith.constant 0 : i32
    %add3A_16 = arith.addi %mul3A_2, %add3A_15 : i32
    %mul3A_17 = arith.constant 128 : i32
    %mul3A_18 = arith.muli %add3A_16, %mul3A_17 : i32
    %dma_start3A = tpu.memref_slice %arg2[%mul3A_18] : memref<819200xi32, #tpu.memory_space<hbm>> -> memref<128xi32, #tpu.memory_space<hbm>>
    %dma_start3A_19 = tpu.memref_slice %arg2[%mul3A_18] : memref<819200xi32, #tpu.memory_space<hbm>> -> memref<128xi32, #tpu.memory_space<hbm>>
    tpu.enqueue_dma source(%dma_start3A_19 : memref<128xi32, #tpu.memory_space<hbm>>) target(%arg5 : memref<128xi32, #tpu.memory_space<vmem>>) target_semaphore(%arg11 : memref<!tpu.dma_semaphore, #tpu.memory_space<semaphore_mem>>)
    %add3A_20 = arith.constant 1 : i32
    %add3A_21 = arith.addi %mul3A_2, %add3A_20 : i32
    %mul3A_22 = arith.constant 128 : i32
    %mul3A_23 = arith.muli %add3A_21, %mul3A_22 : i32
    %dma_start3A_24 = tpu.memref_slice %arg2[%mul3A_23] : memref<819200xi32, #tpu.memory_space<hbm>> -> memref<128xi32, #tpu.memory_space<hbm>>
    %dma_start3A_25 = tpu.memref_slice %arg2[%mul3A_23] : memref<819200xi32, #tpu.memory_space<hbm>> -> memref<128xi32, #tpu.memory_space<hbm>>
    tpu.enqueue_dma source(%dma_start3A_25 : memref<128xi32, #tpu.memory_space<hbm>>) target(%arg6 : memref<128xi32, #tpu.memory_space<vmem>>) target_semaphore(%arg12 : memref<!tpu.dma_semaphore, #tpu.memory_space<semaphore_mem>>)
    %add3A_26 = arith.constant 0 : i32
    %add3A_27 = arith.addi %mul3A_2, %add3A_26 : i32
    %mul3A_28 = arith.constant 128 : i32
    %mul3A_29 = arith.muli %add3A_27, %mul3A_28 : i32
    %dma_wait3A = tpu.memref_slice %arg2[%mul3A_29] : memref<819200xi32, #tpu.memory_space<hbm>> -> memref<128xi32, #tpu.memory_space<hbm>>
    %dma_wait3A_30 = tpu.memref_slice %arg2[%mul3A_29] : memref<819200xi32, #tpu.memory_space<hbm>> -> memref<128xi32, #tpu.memory_space<hbm>>
    tpu.wait_dma2 semaphore(%arg11 : memref<!tpu.dma_semaphore, #tpu.memory_space<semaphore_mem>>) src(%dma_wait3A_30 : memref<128xi32, #tpu.memory_space<hbm>>) dst(%arg5 : memref<128xi32, #tpu.memory_space<vmem>>)
    %dma_start3A_31 = arith.constant 0 : i32
    %dma_start3A_32 = tpu.memref_slice %arg5[%dma_start3A_31] : memref<128xi32, #tpu.memory_space<vmem>> -> memref<128xi32, #tpu.memory_space<vmem>>
    %dma_start3A_33 = arith.constant 0 : i32
    %dma_start3A_34 = arith.constant 0 : i32
    %dma_start3A_35 = tpu.memref_slice %arg3[%dma_start3A_33, %dma_start3A_34] : memref<1000000x64xf32, #tpu.memory_space<hbm>> -> memref<1000000x64xf32, #tpu.memory_space<hbm>>
    tpu.enqueue_indirect_dma source(%dma_start3A_35 : memref<1000000x64xf32, #tpu.memory_space<hbm>>) target(%arg7 : memref<128x64xf32, #tpu.memory_space<vmem>>) offsets(%dma_start3A_32 : memref<128xi32, #tpu.memory_space<vmem>>) semaphore(%arg13 : memref<!tpu.dma_semaphore, #tpu.memory_space<semaphore_mem>>)
    %scan3A = arith.constant 0 : i32
    %scan3A_36 = arith.constant 0 : i32
    %scan3A_37 = arith.constant 100 : i32
    %scan3A_38 = arith.addi %scan3A_36, %scan3A_37 : i32
    %scan3A_39 = arith.constant 1 : i32
    scf.for %scan3A_351 = %scan3A_36 to %scan3A_38 step %scan3A_39  : i32 {
      %mul3A_352 = arith.constant 2 : i32
      %mul3A_353 = arith.muli %mul3A_352, %scan3A_351 : i32
      %add3A_354 = arith.constant 1 : i32
      %add3A_355 = arith.addi %mul3A_353, %add3A_354 : i32
      %ge3A = arith.constant 2 : i32
      %ge3A_356 = arith.cmpi sge, %mul3A_353, %ge3A : i32
      %add3A_357 = arith.constant 1 : i32
      %add3A_358 = arith.addi %mul3A_353, %add3A_357 : i32
      %add3A_359 = arith.addi %mul3A_2, %add3A_358 : i32
      %mul3A_360 = arith.constant 128 : i32
      %mul3A_361 = arith.muli %add3A_359, %mul3A_360 : i32
      %dma_wait3A_362 = tpu.memref_slice %arg2[%mul3A_361] : memref<819200xi32, #tpu.memory_space<hbm>> -> memref<128xi32, #tpu.memory_space<hbm>>
      %dma_wait3A_363 = tpu.memref_slice %arg2[%mul3A_361] : memref<819200xi32, #tpu.memory_space<hbm>> -> memref<128xi32, #tpu.memory_space<hbm>>
      tpu.wait_dma2 semaphore(%arg12 : memref<!tpu.dma_semaphore, #tpu.memory_space<semaphore_mem>>) src(%dma_wait3A_363 : memref<128xi32, #tpu.memory_space<hbm>>) dst(%arg6 : memref<128xi32, #tpu.memory_space<vmem>>)
      %dma_start3A_364 = arith.constant 0 : i32
      %dma_start3A_365 = tpu.memref_slice %arg6[%dma_start3A_364] : memref<128xi32, #tpu.memory_space<vmem>> -> memref<128xi32, #tpu.memory_space<vmem>>
      %dma_start3A_366 = arith.constant 0 : i32
      %dma_start3A_367 = arith.constant 0 : i32
      %dma_start3A_368 = tpu.memref_slice %arg3[%dma_start3A_366, %dma_start3A_367] : memref<1000000x64xf32, #tpu.memory_space<hbm>> -> memref<1000000x64xf32, #tpu.memory_space<hbm>>
      tpu.enqueue_indirect_dma source(%dma_start3A_368 : memref<1000000x64xf32, #tpu.memory_space<hbm>>) target(%arg8 : memref<128x64xf32, #tpu.memory_space<vmem>>) offsets(%dma_start3A_365 : memref<128xi32, #tpu.memory_space<vmem>>) semaphore(%arg14 : memref<!tpu.dma_semaphore, #tpu.memory_space<semaphore_mem>>)
      %dma_wait3A_369 = arith.constant 0 : i32
      %dma_wait3A_370 = tpu.memref_slice %arg5[%dma_wait3A_369] : memref<128xi32, #tpu.memory_space<vmem>> -> memref<128xi32, #tpu.memory_space<vmem>>
      %dma_wait3A_371 = arith.constant 0 : i32
      %dma_wait3A_372 = arith.constant 0 : i32
      %dma_wait3A_373 = tpu.memref_slice %arg3[%dma_wait3A_371, %dma_wait3A_372] : memref<1000000x64xf32, #tpu.memory_space<hbm>> -> memref<1000000x64xf32, #tpu.memory_space<hbm>>
      tpu.wait_indirect_dma semaphore(%arg13 : memref<!tpu.dma_semaphore, #tpu.memory_space<semaphore_mem>>) src(%dma_wait3A_373 : memref<1000000x64xf32, #tpu.memory_space<hbm>>) dst(%arg7 : memref<128x64xf32, #tpu.memory_space<vmem>>)
      %add3A_374 = arith.constant 2 : i32
      %add3A_375 = arith.addi %mul3A_353, %add3A_374 : i32
      %lt3A = arith.constant 200 : i32
      %lt3A_376 = arith.cmpi slt, %add3A_375, %lt3A : i32
      %convert_element_type3A = arith.extui %lt3A_376 : i1 to i32
      %cond3A = arith.constant 0 : i32
      %cond3A_377 = arith.cmpi ne, %convert_element_type3A, %cond3A : i32
      scf.if %cond3A_377 {
        %add3A_726 = arith.constant 2 : i32
        %add3A_727 = arith.addi %mul3A_353, %add3A_726 : i32
        %add3A_728 = arith.addi %mul3A_2, %add3A_727 : i32
        %mul3A_729 = arith.constant 128 : i32
        %mul3A_730 = arith.muli %add3A_728, %mul3A_729 : i32
        %dma_start3A_731 = tpu.memref_slice %arg2[%mul3A_730] : memref<819200xi32, #tpu.memory_space<hbm>> -> memref<128xi32, #tpu.memory_space<hbm>>
        %dma_start3A_732 = tpu.memref_slice %arg2[%mul3A_730] : memref<819200xi32, #tpu.memory_space<hbm>> -> memref<128xi32, #tpu.memory_space<hbm>>
        tpu.enqueue_dma source(%dma_start3A_732 : memref<128xi32, #tpu.memory_space<hbm>>) target(%arg5 : memref<128xi32, #tpu.memory_space<vmem>>) target_semaphore(%arg11 : memref<!tpu.dma_semaphore, #tpu.memory_space<semaphore_mem>>)
      } else {
      }
      %convert_element_type3A_378 = arith.extui %ge3A_356 : i1 to i32
      %cond3A_379 = arith.constant 0 : i32
      %cond3A_380 = arith.cmpi ne, %convert_element_type3A_378, %cond3A_379 : i32
      scf.if %cond3A_380 {
        %sub3A_726 = arith.constant 2 : i32
        %sub3A_727 = arith.subi %mul3A_353, %sub3A_726 : i32
        %add3A_728 = arith.addi %mul3A_2, %sub3A_727 : i32
        %jit3A_729 = arith.constant 128 : i32
        %div3A_730 = arith.divsi %add3A_728, %jit3A_729 : i32
        %sign3A_731 = arith.constant 0 : i32
        %sign3A_732 = arith.cmpi sgt, %add3A_728, %sign3A_731 : i32
        %sign3A_733 = arith.extui %sign3A_732 : i1 to i32
        %sign3A_734 = arith.constant 0 : i32
        %sign3A_735 = arith.cmpi slt, %add3A_728, %sign3A_734 : i32
        %sign3A_736 = arith.extui %sign3A_735 : i1 to i32
        %sign3A_737 = arith.subi %sign3A_733, %sign3A_736 : i32
        %sign3A_738 = arith.constant 0 : i32
        %sign3A_739 = arith.cmpi sgt, %jit3A_729, %sign3A_738 : i32
        %sign3A_740 = arith.extui %sign3A_739 : i1 to i32
        %sign3A_741 = arith.constant 0 : i32
        %sign3A_742 = arith.cmpi slt, %jit3A_729, %sign3A_741 : i32
        %sign3A_743 = arith.extui %sign3A_742 : i1 to i32
        %sign3A_744 = arith.subi %sign3A_740, %sign3A_743 : i32
        %ne3A_745 = arith.cmpi ne, %sign3A_737, %sign3A_744 : i32
        %rem3A_746 = arith.remsi %add3A_728, %jit3A_729 : i32
        %ne3A_747 = arith.constant 0 : i32
        %ne3A_748 = arith.cmpi ne, %rem3A_746, %ne3A_747 : i32
        %and3A_749 = arith.andi %ne3A_745, %ne3A_748 : i1
        %sub3A_750 = arith.constant 1 : i32
        %sub3A_751 = arith.subi %div3A_730, %sub3A_750 : i32
        %select_n3A_752 = arith.select %and3A_749, %sub3A_751, %div3A_730 : i32
        %rem3A_753 = arith.constant 128 : i32
        %rem3A_754 = arith.remsi %add3A_728, %rem3A_753 : i32
        %mul3A_755 = arith.constant 1024 : i32
        %mul3A_756 = arith.muli %select_n3A_752, %mul3A_755 : i32
        %add3A_757 = arith.addi %mul3A_756, %rem3A_754 : i32
        %add3A_758 = arith.constant 0 : i32
        %add3A_759 = arith.addi %add3A_757, %add3A_758 : i32
        %add3A_760 = arith.constant 128 : i32
        %add3A_761 = arith.addi %add3A_757, %add3A_760 : i32
        %add3A_762 = arith.constant 256 : i32
        %add3A_763 = arith.addi %add3A_757, %add3A_762 : i32
        %add3A_764 = arith.constant 384 : i32
        %add3A_765 = arith.addi %add3A_757, %add3A_764 : i32
        %add3A_766 = arith.constant 512 : i32
        %add3A_767 = arith.addi %add3A_757, %add3A_766 : i32
        %add3A_768 = arith.constant 640 : i32
        %add3A_769 = arith.addi %add3A_757, %add3A_768 : i32
        %add3A_770 = arith.constant 768 : i32
        %add3A_771 = arith.addi %add3A_757, %add3A_770 : i32
        %add3A_772 = arith.constant 896 : i32
        %add3A_773 = arith.addi %add3A_757, %add3A_772 : i32
        %dma_wait3A_774 = arith.constant 0 : i32
        %dma_wait3A_775 = arith.constant 0 : i32
        %dma_wait3A_776 = tpu.memref_slice %arg9[%dma_wait3A_774, %dma_wait3A_775] : memref<64x136xf32, #tpu.memory_space<vmem>> -> memref<8x128xf32, #tpu.memory_space<vmem>>
        %dma_wait3A_777 = arith.constant 0 : i32
        %dma_wait3A_778 = arith.constant 0 : i32
        %dma_wait3A_779 = tpu.memref_slice %arg4[%add3A_759, %dma_wait3A_777, %dma_wait3A_778] : memref<51200x8x128xf32, #tpu.memory_space<hbm>> -> memref<1x8x128xf32, #tpu.memory_space<hbm>>
        %dma_wait3A_780 = tpu.memref_squeeze %dma_wait3A_779 : memref<1x8x128xf32, #tpu.memory_space<hbm>> -> memref<8x128xf32, #tpu.memory_space<hbm>>
        %dma_wait3A_781 = arith.constant 0 : i32
        %dma_wait3A_782 = arith.constant 0 : i32
        %dma_wait3A_783 = tpu.memref_slice %arg4[%add3A_759, %dma_wait3A_781, %dma_wait3A_782] : memref<51200x8x128xf32, #tpu.memory_space<hbm>> -> memref<1x8x128xf32, #tpu.memory_space<hbm>>
        %dma_wait3A_784 = tpu.memref_squeeze %dma_wait3A_783 : memref<1x8x128xf32, #tpu.memory_space<hbm>> -> memref<8x128xf32, #tpu.memory_space<hbm>>
        %dma_wait3A_785 = arith.constant 0 : i32
        %dma_wait3A_786 = arith.constant 0 : i32
        %dma_wait3A_787 = tpu.memref_slice %arg9[%dma_wait3A_785, %dma_wait3A_786] : memref<64x136xf32, #tpu.memory_space<vmem>> -> memref<8x128xf32, #tpu.memory_space<vmem>>
        tpu.wait_dma2 semaphore(%arg15 : memref<!tpu.dma_semaphore, #tpu.memory_space<semaphore_mem>>) src(%dma_wait3A_787 : memref<8x128xf32, #tpu.memory_space<vmem>>) dst(%dma_wait3A_784 : memref<8x128xf32, #tpu.memory_space<hbm>>)
        %dma_wait3A_788 = arith.constant 8 : i32
        %dma_wait3A_789 = arith.constant 0 : i32
        %dma_wait3A_790 = tpu.memref_slice %arg9[%dma_wait3A_788, %dma_wait3A_789] : memref<64x136xf32, #tpu.memory_space<vmem>> -> memref<8x128xf32, #tpu.memory_space<vmem>>
        %dma_wait3A_791 = arith.constant 0 : i32
        %dma_wait3A_792 = arith.constant 0 : i32
        %dma_wait3A_793 = tpu.memref_slice %arg4[%add3A_761, %dma_wait3A_791, %dma_wait3A_792] : memref<51200x8x128xf32, #tpu.memory_space<hbm>> -> memref<1x8x128xf32, #tpu.memory_space<hbm>>
        %dma_wait3A_794 = tpu.memref_squeeze %dma_wait3A_793 : memref<1x8x128xf32, #tpu.memory_space<hbm>> -> memref<8x128xf32, #tpu.memory_space<hbm>>
        %dma_wait3A_795 = arith.constant 0 : i32
        %dma_wait3A_796 = arith.constant 0 : i32
        %dma_wait3A_797 = tpu.memref_slice %arg4[%add3A_761, %dma_wait3A_795, %dma_wait3A_796] : memref<51200x8x128xf32, #tpu.memory_space<hbm>> -> memref<1x8x128xf32, #tpu.memory_space<hbm>>
        %dma_wait3A_798 = tpu.memref_squeeze %dma_wait3A_797 : memref<1x8x128xf32, #tpu.memory_space<hbm>> -> memref<8x128xf32, #tpu.memory_space<hbm>>
        %dma_wait3A_799 = arith.constant 8 : i32
        %dma_wait3A_800 = arith.constant 0 : i32
        %dma_wait3A_801 = tpu.memref_slice %arg9[%dma_wait3A_799, %dma_wait3A_800] : memref<64x136xf32, #tpu.memory_space<vmem>> -> memref<8x128xf32, #tpu.memory_space<vmem>>
        tpu.wait_dma2 semaphore(%arg15 : memref<!tpu.dma_semaphore, #tpu.memory_space<semaphore_mem>>) src(%dma_wait3A_801 : memref<8x128xf32, #tpu.memory_space<vmem>>) dst(%dma_wait3A_798 : memref<8x128xf32, #tpu.memory_space<hbm>>)
        %dma_wait3A_802 = arith.constant 16 : i32
        %dma_wait3A_803 = arith.constant 0 : i32
        %dma_wait3A_804 = tpu.memref_slice %arg9[%dma_wait3A_802, %dma_wait3A_803] : memref<64x136xf32, #tpu.memory_space<vmem>> -> memref<8x128xf32, #tpu.memory_space<vmem>>
        %dma_wait3A_805 = arith.constant 0 : i32
        %dma_wait3A_806 = arith.constant 0 : i32
        %dma_wait3A_807 = tpu.memref_slice %arg4[%add3A_763, %dma_wait3A_805, %dma_wait3A_806] : memref<51200x8x128xf32, #tpu.memory_space<hbm>> -> memref<1x8x128xf32, #tpu.memory_space<hbm>>
        %dma_wait3A_808 = tpu.memref_squeeze %dma_wait3A_807 : memref<1x8x128xf32, #tpu.memory_space<hbm>> -> memref<8x128xf32, #tpu.memory_space<hbm>>
        %dma_wait3A_809 = arith.constant 0 : i32
        %dma_wait3A_810 = arith.constant 0 : i32
        %dma_wait3A_811 = tpu.memref_slice %arg4[%add3A_763, %dma_wait3A_809, %dma_wait3A_810] : memref<51200x8x128xf32, #tpu.memory_space<hbm>> -> memref<1x8x128xf32, #tpu.memory_space<hbm>>
        %dma_wait3A_812 = tpu.memref_squeeze %dma_wait3A_811 : memref<1x8x128xf32, #tpu.memory_space<hbm>> -> memref<8x128xf32, #tpu.memory_space<hbm>>
        %dma_wait3A_813 = arith.constant 16 : i32
        %dma_wait3A_814 = arith.constant 0 : i32
        %dma_wait3A_815 = tpu.memref_slice %arg9[%dma_wait3A_813, %dma_wait3A_814] : memref<64x136xf32, #tpu.memory_space<vmem>> -> memref<8x128xf32, #tpu.memory_space<vmem>>
        tpu.wait_dma2 semaphore(%arg15 : memref<!tpu.dma_semaphore, #tpu.memory_space<semaphore_mem>>) src(%dma_wait3A_815 : memref<8x128xf32, #tpu.memory_space<vmem>>) dst(%dma_wait3A_812 : memref<8x128xf32, #tpu.memory_space<hbm>>)
        %dma_wait3A_816 = arith.constant 24 : i32
        %dma_wait3A_817 = arith.constant 0 : i32
        %dma_wait3A_818 = tpu.memref_slice %arg9[%dma_wait3A_816, %dma_wait3A_817] : memref<64x136xf32, #tpu.memory_space<vmem>> -> memref<8x128xf32, #tpu.memory_space<vmem>>
        %dma_wait3A_819 = arith.constant 0 : i32
        %dma_wait3A_820 = arith.constant 0 : i32
        %dma_wait3A_821 = tpu.memref_slice %arg4[%add3A_765, %dma_wait3A_819, %dma_wait3A_820] : memref<51200x8x128xf32, #tpu.memory_space<hbm>> -> memref<1x8x128xf32, #tpu.memory_space<hbm>>
        %dma_wait3A_822 = tpu.memref_squeeze %dma_wait3A_821 : memref<1x8x128xf32, #tpu.memory_space<hbm>> -> memref<8x128xf32, #tpu.memory_space<hbm>>
        %dma_wait3A_823 = arith.constant 0 : i32
        %dma_wait3A_824 = arith.constant 0 : i32
        %dma_wait3A_825 = tpu.memref_slice %arg4[%add3A_765, %dma_wait3A_823, %dma_wait3A_824] : memref<51200x8x128xf32, #tpu.memory_space<hbm>> -> memref<1x8x128xf32, #tpu.memory_space<hbm>>
        %dma_wait3A_826 = tpu.memref_squeeze %dma_wait3A_825 : memref<1x8x128xf32, #tpu.memory_space<hbm>> -> memref<8x128xf32, #tpu.memory_space<hbm>>
        %dma_wait3A_827 = arith.constant 24 : i32
        %dma_wait3A_828 = arith.constant 0 : i32
        %dma_wait3A_829 = tpu.memref_slice %arg9[%dma_wait3A_827, %dma_wait3A_828] : memref<64x136xf32, #tpu.memory_space<vmem>> -> memref<8x128xf32, #tpu.memory_space<vmem>>
        tpu.wait_dma2 semaphore(%arg15 : memref<!tpu.dma_semaphore, #tpu.memory_space<semaphore_mem>>) src(%dma_wait3A_829 : memref<8x128xf32, #tpu.memory_space<vmem>>) dst(%dma_wait3A_826 : memref<8x128xf32, #tpu.memory_space<hbm>>)
        %dma_wait3A_830 = arith.constant 32 : i32
        %dma_wait3A_831 = arith.constant 0 : i32
        %dma_wait3A_832 = tpu.memref_slice %arg9[%dma_wait3A_830, %dma_wait3A_831] : memref<64x136xf32, #tpu.memory_space<vmem>> -> memref<8x128xf32, #tpu.memory_space<vmem>>
        %dma_wait3A_833 = arith.constant 0 : i32
        %dma_wait3A_834 = arith.constant 0 : i32
        %dma_wait3A_835 = tpu.memref_slice %arg4[%add3A_767, %dma_wait3A_833, %dma_wait3A_834] : memref<51200x8x128xf32, #tpu.memory_space<hbm>> -> memref<1x8x128xf32, #tpu.memory_space<hbm>>
        %dma_wait3A_836 = tpu.memref_squeeze %dma_wait3A_835 : memref<1x8x128xf32, #tpu.memory_space<hbm>> -> memref<8x128xf32, #tpu.memory_space<hbm>>
        %dma_wait3A_837 = arith.constant 0 : i32
        %dma_wait3A_838 = arith.constant 0 : i32
        %dma_wait3A_839 = tpu.memref_slice %arg4[%add3A_767, %dma_wait3A_837, %dma_wait3A_838] : memref<51200x8x128xf32, #tpu.memory_space<hbm>> -> memref<1x8x128xf32, #tpu.memory_space<hbm>>
        %dma_wait3A_840 = tpu.memref_squeeze %dma_wait3A_839 : memref<1x8x128xf32, #tpu.memory_space<hbm>> -> memref<8x128xf32, #tpu.memory_space<hbm>>
        %dma_wait3A_841 = arith.constant 32 : i32
        %dma_wait3A_842 = arith.constant 0 : i32
        %dma_wait3A_843 = tpu.memref_slice %arg9[%dma_wait3A_841, %dma_wait3A_842] : memref<64x136xf32, #tpu.memory_space<vmem>> -> memref<8x128xf32, #tpu.memory_space<vmem>>
        tpu.wait_dma2 semaphore(%arg15 : memref<!tpu.dma_semaphore, #tpu.memory_space<semaphore_mem>>) src(%dma_wait3A_843 : memref<8x128xf32, #tpu.memory_space<vmem>>) dst(%dma_wait3A_840 : memref<8x128xf32, #tpu.memory_space<hbm>>)
        %dma_wait3A_844 = arith.constant 40 : i32
        %dma_wait3A_845 = arith.constant 0 : i32
        %dma_wait3A_846 = tpu.memref_slice %arg9[%dma_wait3A_844, %dma_wait3A_845] : memref<64x136xf32, #tpu.memory_space<vmem>> -> memref<8x128xf32, #tpu.memory_space<vmem>>
        %dma_wait3A_847 = arith.constant 0 : i32
        %dma_wait3A_848 = arith.constant 0 : i32
        %dma_wait3A_849 = tpu.memref_slice %arg4[%add3A_769, %dma_wait3A_847, %dma_wait3A_848] : memref<51200x8x128xf32, #tpu.memory_space<hbm>> -> memref<1x8x128xf32, #tpu.memory_space<hbm>>
        %dma_wait3A_850 = tpu.memref_squeeze %dma_wait3A_849 : memref<1x8x128xf32, #tpu.memory_space<hbm>> -> memref<8x128xf32, #tpu.memory_space<hbm>>
        %dma_wait3A_851 = arith.constant 0 : i32
        %dma_wait3A_852 = arith.constant 0 : i32
        %dma_wait3A_853 = tpu.memref_slice %arg4[%add3A_769, %dma_wait3A_851, %dma_wait3A_852] : memref<51200x8x128xf32, #tpu.memory_space<hbm>> -> memref<1x8x128xf32, #tpu.memory_space<hbm>>
        %dma_wait3A_854 = tpu.memref_squeeze %dma_wait3A_853 : memref<1x8x128xf32, #tpu.memory_space<hbm>> -> memref<8x128xf32, #tpu.memory_space<hbm>>
        %dma_wait3A_855 = arith.constant 40 : i32
        %dma_wait3A_856 = arith.constant 0 : i32
        %dma_wait3A_857 = tpu.memref_slice %arg9[%dma_wait3A_855, %dma_wait3A_856] : memref<64x136xf32, #tpu.memory_space<vmem>> -> memref<8x128xf32, #tpu.memory_space<vmem>>
        tpu.wait_dma2 semaphore(%arg15 : memref<!tpu.dma_semaphore, #tpu.memory_space<semaphore_mem>>) src(%dma_wait3A_857 : memref<8x128xf32, #tpu.memory_space<vmem>>) dst(%dma_wait3A_854 : memref<8x128xf32, #tpu.memory_space<hbm>>)
        %dma_wait3A_858 = arith.constant 48 : i32
        %dma_wait3A_859 = arith.constant 0 : i32
        %dma_wait3A_860 = tpu.memref_slice %arg9[%dma_wait3A_858, %dma_wait3A_859] : memref<64x136xf32, #tpu.memory_space<vmem>> -> memref<8x128xf32, #tpu.memory_space<vmem>>
        %dma_wait3A_861 = arith.constant 0 : i32
        %dma_wait3A_862 = arith.constant 0 : i32
        %dma_wait3A_863 = tpu.memref_slice %arg4[%add3A_771, %dma_wait3A_861, %dma_wait3A_862] : memref<51200x8x128xf32, #tpu.memory_space<hbm>> -> memref<1x8x128xf32, #tpu.memory_space<hbm>>
        %dma_wait3A_864 = tpu.memref_squeeze %dma_wait3A_863 : memref<1x8x128xf32, #tpu.memory_space<hbm>> -> memref<8x128xf32, #tpu.memory_space<hbm>>
        %dma_wait3A_865 = arith.constant 0 : i32
        %dma_wait3A_866 = arith.constant 0 : i32
        %dma_wait3A_867 = tpu.memref_slice %arg4[%add3A_771, %dma_wait3A_865, %dma_wait3A_866] : memref<51200x8x128xf32, #tpu.memory_space<hbm>> -> memref<1x8x128xf32, #tpu.memory_space<hbm>>
        %dma_wait3A_868 = tpu.memref_squeeze %dma_wait3A_867 : memref<1x8x128xf32, #tpu.memory_space<hbm>> -> memref<8x128xf32, #tpu.memory_space<hbm>>
        %dma_wait3A_869 = arith.constant 48 : i32
        %dma_wait3A_870 = arith.constant 0 : i32
        %dma_wait3A_871 = tpu.memref_slice %arg9[%dma_wait3A_869, %dma_wait3A_870] : memref<64x136xf32, #tpu.memory_space<vmem>> -> memref<8x128xf32, #tpu.memory_space<vmem>>
        tpu.wait_dma2 semaphore(%arg15 : memref<!tpu.dma_semaphore, #tpu.memory_space<semaphore_mem>>) src(%dma_wait3A_871 : memref<8x128xf32, #tpu.memory_space<vmem>>) dst(%dma_wait3A_868 : memref<8x128xf32, #tpu.memory_space<hbm>>)
        %dma_wait3A_872 = arith.constant 56 : i32
        %dma_wait3A_873 = arith.constant 0 : i32
        %dma_wait3A_874 = tpu.memref_slice %arg9[%dma_wait3A_872, %dma_wait3A_873] : memref<64x136xf32, #tpu.memory_space<vmem>> -> memref<8x128xf32, #tpu.memory_space<vmem>>
        %dma_wait3A_875 = arith.constant 0 : i32
        %dma_wait3A_876 = arith.constant 0 : i32
        %dma_wait3A_877 = tpu.memref_slice %arg4[%add3A_773, %dma_wait3A_875, %dma_wait3A_876] : memref<51200x8x128xf32, #tpu.memory_space<hbm>> -> memref<1x8x128xf32, #tpu.memory_space<hbm>>
        %dma_wait3A_878 = tpu.memref_squeeze %dma_wait3A_877 : memref<1x8x128xf32, #tpu.memory_space<hbm>> -> memref<8x128xf32, #tpu.memory_space<hbm>>
        %dma_wait3A_879 = arith.constant 0 : i32
        %dma_wait3A_880 = arith.constant 0 : i32
        %dma_wait3A_881 = tpu.memref_slice %arg4[%add3A_773, %dma_wait3A_879, %dma_wait3A_880] : memref<51200x8x128xf32, #tpu.memory_space<hbm>> -> memref<1x8x128xf32, #tpu.memory_space<hbm>>
        %dma_wait3A_882 = tpu.memref_squeeze %dma_wait3A_881 : memref<1x8x128xf32, #tpu.memory_space<hbm>> -> memref<8x128xf32, #tpu.memory_space<hbm>>
        %dma_wait3A_883 = arith.constant 56 : i32
        %dma_wait3A_884 = arith.constant 0 : i32
        %dma_wait3A_885 = tpu.memref_slice %arg9[%dma_wait3A_883, %dma_wait3A_884] : memref<64x136xf32, #tpu.memory_space<vmem>> -> memref<8x128xf32, #tpu.memory_space<vmem>>
        tpu.wait_dma2 semaphore(%arg15 : memref<!tpu.dma_semaphore, #tpu.memory_space<semaphore_mem>>) src(%dma_wait3A_885 : memref<8x128xf32, #tpu.memory_space<vmem>>) dst(%dma_wait3A_882 : memref<8x128xf32, #tpu.memory_space<hbm>>)
      } else {
      }
      %parallel_loop3A = arith.constant 0 : i32
      %parallel_loop3A_381 = arith.constant 128 : i32
      %parallel_loop3A_382 = arith.constant 1 : i32
      scf.for %parallel_loop3A_726 = %parallel_loop3A to %parallel_loop3A_381 step %parallel_loop3A_382  : i32 {
        %parallel_loop3A_727 = arith.constant 0 : i32
        %parallel_loop3A_728 = vector.broadcast %parallel_loop3A_727 : i32 to vector<16xi32>
        %parallel_loop3A_729 = arith.muli %iota3A, %parallel_loop3A_728 : vector<16xi32>
        %parallel_loop3A_730 = vector.broadcast %parallel_loop3A_726 : i32 to vector<16xi32>
        %parallel_loop3A_731 = arith.addi %parallel_loop3A_729, %parallel_loop3A_730 : vector<16xi32>
        %parallel_loop3A_732 = arith.index_cast %parallel_loop3A_726 : i32 to index
        %parallel_loop3A_733 = arith.constant 0 : index
        %parallel_loop3A_734 = tpu.vector_load %arg7[%parallel_loop3A_732, %parallel_loop3A_733] {strides = array<i32>} : memref<128x64xf32, #tpu.memory_space<vmem>>, vector<16xf32>,
        %parallel_loop3A_735 = arith.constant 8.000000e+00 : f32
        %parallel_loop3A_736 = vector.broadcast %parallel_loop3A_735 : f32 to vector<16xf32>
        %parallel_loop3A_737 = arith.mulf %parallel_loop3A_734, %parallel_loop3A_736 : vector<16xf32>
        tpu.vector_store_idx %arg9[%add3A_5, %parallel_loop3A_731], %parallel_loop3A_737 : memref<64x136xf32, #tpu.memory_space<vmem>>[vector<16xi32>, vector<16xi32>], vector<16xf32>,
        %parallel_loop3A_738 = arith.index_cast %parallel_loop3A_726 : i32 to index
        %parallel_loop3A_739 = arith.constant 16 : index
        %parallel_loop3A_740 = tpu.vector_load %arg7[%parallel_loop3A_738, %parallel_loop3A_739] {strides = array<i32>} : memref<128x64xf32, #tpu.memory_space<vmem>>, vector<16xf32>,
        %parallel_loop3A_741 = arith.constant 8.000000e+00 : f32
        %parallel_loop3A_742 = vector.broadcast %parallel_loop3A_741 : f32 to vector<16xf32>
        %parallel_loop3A_743 = arith.mulf %parallel_loop3A_740, %parallel_loop3A_742 : vector<16xf32>
        tpu.vector_store_idx %arg9[%add3A_8, %parallel_loop3A_731], %parallel_loop3A_743 : memref<64x136xf32, #tpu.memory_space<vmem>>[vector<16xi32>, vector<16xi32>], vector<16xf32>,
        %parallel_loop3A_744 = arith.index_cast %parallel_loop3A_726 : i32 to index
        %parallel_loop3A_745 = arith.constant 32 : index
        %parallel_loop3A_746 = tpu.vector_load %arg7[%parallel_loop3A_744, %parallel_loop3A_745] {strides = array<i32>} : memref<128x64xf32, #tpu.memory_space<vmem>>, vector<16xf32>,
        %parallel_loop3A_747 = arith.constant 8.000000e+00 : f32
        %parallel_loop3A_748 = vector.broadcast %parallel_loop3A_747 : f32 to vector<16xf32>
        %parallel_loop3A_749 = arith.mulf %parallel_loop3A_746, %parallel_loop3A_748 : vector<16xf32>
        tpu.vector_store_idx %arg9[%add3A_11, %parallel_loop3A_731], %parallel_loop3A_749 : memref<64x136xf32, #tpu.memory_space<vmem>>[vector<16xi32>, vector<16xi32>], vector<16xf32>,
        %parallel_loop3A_750 = arith.index_cast %parallel_loop3A_726 : i32 to index
        %parallel_loop3A_751 = arith.constant 48 : index
        %parallel_loop3A_752 = tpu.vector_load %arg7[%parallel_loop3A_750, %parallel_loop3A_751] {strides = array<i32>} : memref<128x64xf32, #tpu.memory_space<vmem>>, vector<16xf32>,
        %parallel_loop3A_753 = arith.constant 8.000000e+00 : f32
        %parallel_loop3A_754 = vector.broadcast %parallel_loop3A_753 : f32 to vector<16xf32>
        %parallel_loop3A_755 = arith.mulf %parallel_loop3A_752, %parallel_loop3A_754 : vector<16xf32>
        tpu.vector_store_idx %arg9[%add3A_14, %parallel_loop3A_731], %parallel_loop3A_755 : memref<64x136xf32, #tpu.memory_space<vmem>>[vector<16xi32>, vector<16xi32>], vector<16xf32>,
      } {sc.loop_unroll_factor = 8 : i64, sc.parallel_access}
      %add3A_383 = arith.addi %mul3A_2, %mul3A_353 : i32
      %jit3A_384 = arith.constant 128 : i32
      %div3A_385 = arith.divsi %add3A_383, %jit3A_384 : i32
      %sign3A_386 = arith.constant 0 : i32
      %sign3A_387 = arith.cmpi sgt, %add3A_383, %sign3A_386 : i32
      %sign3A_388 = arith.extui %sign3A_387 : i1 to i32
      %sign3A_389 = arith.constant 0 : i32
      %sign3A_390 = arith.cmpi slt, %add3A_383, %sign3A_389 : i32
      %sign3A_391 = arith.extui %sign3A_390 : i1 to i32
      %sign3A_392 = arith.subi %sign3A_388, %sign3A_391 : i32
      %sign3A_393 = arith.constant 0 : i32
      %sign3A_394 = arith.cmpi sgt, %jit3A_384, %sign3A_393 : i32
      %sign3A_395 = arith.extui %sign3A_394 : i1 to i32
      %sign3A_396 = arith.constant 0 : i32
      %sign3A_397 = arith.cmpi slt, %jit3A_384, %sign3A_396 : i32
      %sign3A_398 = arith.extui %sign3A_397 : i1 to i32
      %sign3A_399 = arith.subi %sign3A_395, %sign3A_398 : i32
      %ne3A_400 = arith.cmpi ne, %sign3A_392, %sign3A_399 : i32
      %rem3A_401 = arith.remsi %add3A_383, %jit3A_384 : i32
      %ne3A_402 = arith.constant 0 : i32
      %ne3A_403 = arith.cmpi ne, %rem3A_401, %ne3A_402 : i32
      %and3A_404 = arith.andi %ne3A_400, %ne3A_403 : i1
      %sub3A_405 = arith.constant 1 : i32
      %sub3A_406 = arith.subi %div3A_385, %sub3A_405 : i32
      %select_n3A_407 = arith.select %and3A_404, %sub3A_406, %div3A_385 : i32
      %rem3A_408 = arith.constant 128 : i32
      %rem3A_409 = arith.remsi %add3A_383, %rem3A_408 : i32
      %mul3A_410 = arith.constant 1024 : i32
      %mul3A_411 = arith.muli %select_n3A_407, %mul3A_410 : i32
      %add3A_412 = arith.addi %mul3A_411, %rem3A_409 : i32
      %add3A_413 = arith.constant 0 : i32
      %add3A_414 = arith.addi %add3A_412, %add3A_413 : i32
      %add3A_415 = arith.constant 128 : i32
      %add3A_416 = arith.addi %add3A_412, %add3A_415 : i32
      %add3A_417 = arith.constant 256 : i32
      %add3A_418 = arith.addi %add3A_412, %add3A_417 : i32
      %add3A_419 = arith.constant 384 : i32
      %add3A_420 = arith.addi %add3A_412, %add3A_419 : i32
      %add3A_421 = arith.constant 512 : i32
      %add3A_422 = arith.addi %add3A_412, %add3A_421 : i32
      %add3A_423 = arith.constant 640 : i32
      %add3A_424 = arith.addi %add3A_412, %add3A_423 : i32
      %add3A_425 = arith.constant 768 : i32
      %add3A_426 = arith.addi %add3A_412, %add3A_425 : i32
      %add3A_427 = arith.constant 896 : i32
      %add3A_428 = arith.addi %add3A_412, %add3A_427 : i32
      %dma_start3A_429 = arith.constant 0 : i32
      %dma_start3A_430 = arith.constant 0 : i32
      %dma_start3A_431 = tpu.memref_slice %arg9[%dma_start3A_429, %dma_start3A_430] : memref<64x136xf32, #tpu.memory_space<vmem>> -> memref<8x128xf32, #tpu.memory_space<vmem>>
      %dma_start3A_432 = arith.constant 0 : i32
      %dma_start3A_433 = arith.constant 0 : i32
      %dma_start3A_434 = tpu.memref_slice %arg4[%add3A_414, %dma_start3A_432, %dma_start3A_433] : memref<51200x8x128xf32, #tpu.memory_space<hbm>> -> memref<1x8x128xf32, #tpu.memory_space<hbm>>
      %dma_start3A_435 = tpu.memref_squeeze %dma_start3A_434 : memref<1x8x128xf32, #tpu.memory_space<hbm>> -> memref<8x128xf32, #tpu.memory_space<hbm>>
      %dma_start3A_436 = arith.constant 0 : i32
      %dma_start3A_437 = arith.constant 0 : i32
      %dma_start3A_438 = tpu.memref_slice %arg4[%add3A_414, %dma_start3A_436, %dma_start3A_437] : memref<51200x8x128xf32, #tpu.memory_space<hbm>> -> memref<1x8x128xf32, #tpu.memory_space<hbm>>
      %dma_start3A_439 = tpu.memref_squeeze %dma_start3A_438 : memref<1x8x128xf32, #tpu.memory_space<hbm>> -> memref<8x128xf32, #tpu.memory_space<hbm>>
      %dma_start3A_440 = arith.constant 0 : i32
      %dma_start3A_441 = arith.constant 0 : i32
      %dma_start3A_442 = tpu.memref_slice %arg9[%dma_start3A_440, %dma_start3A_441] : memref<64x136xf32, #tpu.memory_space<vmem>> -> memref<8x128xf32, #tpu.memory_space<vmem>>
      tpu.enqueue_dma source(%dma_start3A_442 : memref<8x128xf32, #tpu.memory_space<vmem>>) target(%dma_start3A_439 : memref<8x128xf32, #tpu.memory_space<hbm>>) target_semaphore(%arg15 : memref<!tpu.dma_semaphore, #tpu.memory_space<semaphore_mem>>)
      %dma_start3A_443 = arith.constant 8 : i32
      %dma_start3A_444 = arith.constant 0 : i32
      %dma_start3A_445 = tpu.memref_slice %arg9[%dma_start3A_443, %dma_start3A_444] : memref<64x136xf32, #tpu.memory_space<vmem>> -> memref<8x128xf32, #tpu.memory_space<vmem>>
      %dma_start3A_446 = arith.constant 0 : i32
      %dma_start3A_447 = arith.constant 0 : i32
      %dma_start3A_448 = tpu.memref_slice %arg4[%add3A_416, %dma_start3A_446, %dma_start3A_447] : memref<51200x8x128xf32, #tpu.memory_space<hbm>> -> memref<1x8x128xf32, #tpu.memory_space<hbm>>
      %dma_start3A_449 = tpu.memref_squeeze %dma_start3A_448 : memref<1x8x128xf32, #tpu.memory_space<hbm>> -> memref<8x128xf32, #tpu.memory_space<hbm>>
      %dma_start3A_450 = arith.constant 0 : i32
      %dma_start3A_451 = arith.constant 0 : i32
      %dma_start3A_452 = tpu.memref_slice %arg4[%add3A_416, %dma_start3A_450, %dma_start3A_451] : memref<51200x8x128xf32, #tpu.memory_space<hbm>> -> memref<1x8x128xf32, #tpu.memory_space<hbm>>
      %dma_start3A_453 = tpu.memref_squeeze %dma_start3A_452 : memref<1x8x128xf32, #tpu.memory_space<hbm>> -> memref<8x128xf32, #tpu.memory_space<hbm>>
      %dma_start3A_454 = arith.constant 8 : i32
      %dma_start3A_455 = arith.constant 0 : i32
      %dma_start3A_456 = tpu.memref_slice %arg9[%dma_start3A_454, %dma_start3A_455] : memref<64x136xf32, #tpu.memory_space<vmem>> -> memref<8x128xf32, #tpu.memory_space<vmem>>
      tpu.enqueue_dma source(%dma_start3A_456 : memref<8x128xf32, #tpu.memory_space<vmem>>) target(%dma_start3A_453 : memref<8x128xf32, #tpu.memory_space<hbm>>) target_semaphore(%arg15 : memref<!tpu.dma_semaphore, #tpu.memory_space<semaphore_mem>>)
      %dma_start3A_457 = arith.constant 16 : i32
      %dma_start3A_458 = arith.constant 0 : i32
      %dma_start3A_459 = tpu.memref_slice %arg9[%dma_start3A_457, %dma_start3A_458] : memref<64x136xf32, #tpu.memory_space<vmem>> -> memref<8x128xf32, #tpu.memory_space<vmem>>
      %dma_start3A_460 = arith.constant 0 : i32
      %dma_start3A_461 = arith.constant 0 : i32
      %dma_start3A_462 = tpu.memref_slice %arg4[%add3A_418, %dma_start3A_460, %dma_start3A_461] : memref<51200x8x128xf32, #tpu.memory_space<hbm>> -> memref<1x8x128xf32, #tpu.memory_space<hbm>>
      %dma_start3A_463 = tpu.memref_squeeze %dma_start3A_462 : memref<1x8x128xf32, #tpu.memory_space<hbm>> -> memref<8x128xf32, #tpu.memory_space<hbm>>
      %dma_start3A_464 = arith.constant 0 : i32
      %dma_start3A_465 = arith.constant 0 : i32
      %dma_start3A_466 = tpu.memref_slice %arg4[%add3A_418, %dma_start3A_464, %dma_start3A_465] : memref<51200x8x128xf32, #tpu.memory_space<hbm>> -> memref<1x8x128xf32, #tpu.memory_space<hbm>>
      %dma_start3A_467 = tpu.memref_squeeze %dma_start3A_466 : memref<1x8x128xf32, #tpu.memory_space<hbm>> -> memref<8x128xf32, #tpu.memory_space<hbm>>
      %dma_start3A_468 = arith.constant 16 : i32
      %dma_start3A_469 = arith.constant 0 : i32
      %dma_start3A_470 = tpu.memref_slice %arg9[%dma_start3A_468, %dma_start3A_469] : memref<64x136xf32, #tpu.memory_space<vmem>> -> memref<8x128xf32, #tpu.memory_space<vmem>>
      tpu.enqueue_dma source(%dma_start3A_470 : memref<8x128xf32, #tpu.memory_space<vmem>>) target(%dma_start3A_467 : memref<8x128xf32, #tpu.memory_space<hbm>>) target_semaphore(%arg15 : memref<!tpu.dma_semaphore, #tpu.memory_space<semaphore_mem>>)
      %dma_start3A_471 = arith.constant 24 : i32
      %dma_start3A_472 = arith.constant 0 : i32
      %dma_start3A_473 = tpu.memref_slice %arg9[%dma_start3A_471, %dma_start3A_472] : memref<64x136xf32, #tpu.memory_space<vmem>> -> memref<8x128xf32, #tpu.memory_space<vmem>>
      %dma_start3A_474 = arith.constant 0 : i32
      %dma_start3A_475 = arith.constant 0 : i32
      %dma_start3A_476 = tpu.memref_slice %arg4[%add3A_420, %dma_start3A_474, %dma_start3A_475] : memref<51200x8x128xf32, #tpu.memory_space<hbm>> -> memref<1x8x128xf32, #tpu.memory_space<hbm>>
      %dma_start3A_477 = tpu.memref_squeeze %dma_start3A_476 : memref<1x8x128xf32, #tpu.memory_space<hbm>> -> memref<8x128xf32, #tpu.memory_space<hbm>>
      %dma_start3A_478 = arith.constant 0 : i32
      %dma_start3A_479 = arith.constant 0 : i32
      %dma_start3A_480 = tpu.memref_slice %arg4[%add3A_420, %dma_start3A_478, %dma_start3A_479] : memref<51200x8x128xf32, #tpu.memory_space<hbm>> -> memref<1x8x128xf32, #tpu.memory_space<hbm>>
      %dma_start3A_481 = tpu.memref_squeeze %dma_start3A_480 : memref<1x8x128xf32, #tpu.memory_space<hbm>> -> memref<8x128xf32, #tpu.memory_space<hbm>>
      %dma_start3A_482 = arith.constant 24 : i32
      %dma_start3A_483 = arith.constant 0 : i32
      %dma_start3A_484 = tpu.memref_slice %arg9[%dma_start3A_482, %dma_start3A_483] : memref<64x136xf32, #tpu.memory_space<vmem>> -> memref<8x128xf32, #tpu.memory_space<vmem>>
      tpu.enqueue_dma source(%dma_start3A_484 : memref<8x128xf32, #tpu.memory_space<vmem>>) target(%dma_start3A_481 : memref<8x128xf32, #tpu.memory_space<hbm>>) target_semaphore(%arg15 : memref<!tpu.dma_semaphore, #tpu.memory_space<semaphore_mem>>)
      %dma_start3A_485 = arith.constant 32 : i32
      %dma_start3A_486 = arith.constant 0 : i32
      %dma_start3A_487 = tpu.memref_slice %arg9[%dma_start3A_485, %dma_start3A_486] : memref<64x136xf32, #tpu.memory_space<vmem>> -> memref<8x128xf32, #tpu.memory_space<vmem>>
      %dma_start3A_488 = arith.constant 0 : i32
      %dma_start3A_489 = arith.constant 0 : i32
      %dma_start3A_490 = tpu.memref_slice %arg4[%add3A_422, %dma_start3A_488, %dma_start3A_489] : memref<51200x8x128xf32, #tpu.memory_space<hbm>> -> memref<1x8x128xf32, #tpu.memory_space<hbm>>
      %dma_start3A_491 = tpu.memref_squeeze %dma_start3A_490 : memref<1x8x128xf32, #tpu.memory_space<hbm>> -> memref<8x128xf32, #tpu.memory_space<hbm>>
      %dma_start3A_492 = arith.constant 0 : i32
      %dma_start3A_493 = arith.constant 0 : i32
      %dma_start3A_494 = tpu.memref_slice %arg4[%add3A_422, %dma_start3A_492, %dma_start3A_493] : memref<51200x8x128xf32, #tpu.memory_space<hbm>> -> memref<1x8x128xf32, #tpu.memory_space<hbm>>
      %dma_start3A_495 = tpu.memref_squeeze %dma_start3A_494 : memref<1x8x128xf32, #tpu.memory_space<hbm>> -> memref<8x128xf32, #tpu.memory_space<hbm>>
      %dma_start3A_496 = arith.constant 32 : i32
      %dma_start3A_497 = arith.constant 0 : i32
      %dma_start3A_498 = tpu.memref_slice %arg9[%dma_start3A_496, %dma_start3A_497] : memref<64x136xf32, #tpu.memory_space<vmem>> -> memref<8x128xf32, #tpu.memory_space<vmem>>
      tpu.enqueue_dma source(%dma_start3A_498 : memref<8x128xf32, #tpu.memory_space<vmem>>) target(%dma_start3A_495 : memref<8x128xf32, #tpu.memory_space<hbm>>) target_semaphore(%arg15 : memref<!tpu.dma_semaphore, #tpu.memory_space<semaphore_mem>>)
      %dma_start3A_499 = arith.constant 40 : i32
      %dma_start3A_500 = arith.constant 0 : i32
      %dma_start3A_501 = tpu.memref_slice %arg9[%dma_start3A_499, %dma_start3A_500] : memref<64x136xf32, #tpu.memory_space<vmem>> -> memref<8x128xf32, #tpu.memory_space<vmem>>
      %dma_start3A_502 = arith.constant 0 : i32
      %dma_start3A_503 = arith.constant 0 : i32
      %dma_start3A_504 = tpu.memref_slice %arg4[%add3A_424, %dma_start3A_502, %dma_start3A_503] : memref<51200x8x128xf32, #tpu.memory_space<hbm>> -> memref<1x8x128xf32, #tpu.memory_space<hbm>>
      %dma_start3A_505 = tpu.memref_squeeze %dma_start3A_504 : memref<1x8x128xf32, #tpu.memory_space<hbm>> -> memref<8x128xf32, #tpu.memory_space<hbm>>
      %dma_start3A_506 = arith.constant 0 : i32
      %dma_start3A_507 = arith.constant 0 : i32
      %dma_start3A_508 = tpu.memref_slice %arg4[%add3A_424, %dma_start3A_506, %dma_start3A_507] : memref<51200x8x128xf32, #tpu.memory_space<hbm>> -> memref<1x8x128xf32, #tpu.memory_space<hbm>>
      %dma_start3A_509 = tpu.memref_squeeze %dma_start3A_508 : memref<1x8x128xf32, #tpu.memory_space<hbm>> -> memref<8x128xf32, #tpu.memory_space<hbm>>
      %dma_start3A_510 = arith.constant 40 : i32
      %dma_start3A_511 = arith.constant 0 : i32
      %dma_start3A_512 = tpu.memref_slice %arg9[%dma_start3A_510, %dma_start3A_511] : memref<64x136xf32, #tpu.memory_space<vmem>> -> memref<8x128xf32, #tpu.memory_space<vmem>>
      tpu.enqueue_dma source(%dma_start3A_512 : memref<8x128xf32, #tpu.memory_space<vmem>>) target(%dma_start3A_509 : memref<8x128xf32, #tpu.memory_space<hbm>>) target_semaphore(%arg15 : memref<!tpu.dma_semaphore, #tpu.memory_space<semaphore_mem>>)
      %dma_start3A_513 = arith.constant 48 : i32
      %dma_start3A_514 = arith.constant 0 : i32
      %dma_start3A_515 = tpu.memref_slice %arg9[%dma_start3A_513, %dma_start3A_514] : memref<64x136xf32, #tpu.memory_space<vmem>> -> memref<8x128xf32, #tpu.memory_space<vmem>>
      %dma_start3A_516 = arith.constant 0 : i32
      %dma_start3A_517 = arith.constant 0 : i32
      %dma_start3A_518 = tpu.memref_slice %arg4[%add3A_426, %dma_start3A_516, %dma_start3A_517] : memref<51200x8x128xf32, #tpu.memory_space<hbm>> -> memref<1x8x128xf32, #tpu.memory_space<hbm>>
      %dma_start3A_519 = tpu.memref_squeeze %dma_start3A_518 : memref<1x8x128xf32, #tpu.memory_space<hbm>> -> memref<8x128xf32, #tpu.memory_space<hbm>>
      %dma_start3A_520 = arith.constant 0 : i32
      %dma_start3A_521 = arith.constant 0 : i32
      %dma_start3A_522 = tpu.memref_slice %arg4[%add3A_426, %dma_start3A_520, %dma_start3A_521] : memref<51200x8x128xf32, #tpu.memory_space<hbm>> -> memref<1x8x128xf32, #tpu.memory_space<hbm>>
      %dma_start3A_523 = tpu.memref_squeeze %dma_start3A_522 : memref<1x8x128xf32, #tpu.memory_space<hbm>> -> memref<8x128xf32, #tpu.memory_space<hbm>>
      %dma_start3A_524 = arith.constant 48 : i32
      %dma_start3A_525 = arith.constant 0 : i32
      %dma_start3A_526 = tpu.memref_slice %arg9[%dma_start3A_524, %dma_start3A_525] : memref<64x136xf32, #tpu.memory_space<vmem>> -> memref<8x128xf32, #tpu.memory_space<vmem>>
      tpu.enqueue_dma source(%dma_start3A_526 : memref<8x128xf32, #tpu.memory_space<vmem>>) target(%dma_start3A_523 : memref<8x128xf32, #tpu.memory_space<hbm>>) target_semaphore(%arg15 : memref<!tpu.dma_semaphore, #tpu.memory_space<semaphore_mem>>)
      %dma_start3A_527 = arith.constant 56 : i32
      %dma_start3A_528 = arith.constant 0 : i32
      %dma_start3A_529 = tpu.memref_slice %arg9[%dma_start3A_527, %dma_start3A_528] : memref<64x136xf32, #tpu.memory_space<vmem>> -> memref<8x128xf32, #tpu.memory_space<vmem>>
      %dma_start3A_530 = arith.constant 0 : i32
      %dma_start3A_531 = arith.constant 0 : i32
      %dma_start3A_532 = tpu.memref_slice %arg4[%add3A_428, %dma_start3A_530, %dma_start3A_531] : memref<51200x8x128xf32, #tpu.memory_space<hbm>> -> memref<1x8x128xf32, #tpu.memory_space<hbm>>
      %dma_start3A_533 = tpu.memref_squeeze %dma_start3A_532 : memref<1x8x128xf32, #tpu.memory_space<hbm>> -> memref<8x128xf32, #tpu.memory_space<hbm>>
      %dma_start3A_534 = arith.constant 0 : i32
      %dma_start3A_535 = arith.constant 0 : i32
      %dma_start3A_536 = tpu.memref_slice %arg4[%add3A_428, %dma_start3A_534, %dma_start3A_535] : memref<51200x8x128xf32, #tpu.memory_space<hbm>> -> memref<1x8x128xf32, #tpu.memory_space<hbm>>
      %dma_start3A_537 = tpu.memref_squeeze %dma_start3A_536 : memref<1x8x128xf32, #tpu.memory_space<hbm>> -> memref<8x128xf32, #tpu.memory_space<hbm>>
      %dma_start3A_538 = arith.constant 56 : i32
      %dma_start3A_539 = arith.constant 0 : i32
      %dma_start3A_540 = tpu.memref_slice %arg9[%dma_start3A_538, %dma_start3A_539] : memref<64x136xf32, #tpu.memory_space<vmem>> -> memref<8x128xf32, #tpu.memory_space<vmem>>
      tpu.enqueue_dma source(%dma_start3A_540 : memref<8x128xf32, #tpu.memory_space<vmem>>) target(%dma_start3A_537 : memref<8x128xf32, #tpu.memory_space<hbm>>) target_semaphore(%arg15 : memref<!tpu.dma_semaphore, #tpu.memory_space<semaphore_mem>>)
      %ge3A_541 = arith.constant 3 : i32
      %ge3A_542 = arith.cmpi sge, %add3A_355, %ge3A_541 : i32
      %dma_wait3A_543 = arith.constant 0 : i32
      %dma_wait3A_544 = tpu.memref_slice %arg6[%dma_wait3A_543] : memref<128xi32, #tpu.memory_space<vmem>> -> memref<128xi32, #tpu.memory_space<vmem>>
      %dma_wait3A_545 = arith.constant 0 : i32
      %dma_wait3A_546 = arith.constant 0 : i32
      %dma_wait3A_547 = tpu.memref_slice %arg3[%dma_wait3A_545, %dma_wait3A_546] : memref<1000000x64xf32, #tpu.memory_space<hbm>> -> memref<1000000x64xf32, #tpu.memory_space<hbm>>
      tpu.wait_indirect_dma semaphore(%arg14 : memref<!tpu.dma_semaphore, #tpu.memory_space<semaphore_mem>>) src(%dma_wait3A_547 : memref<1000000x64xf32, #tpu.memory_space<hbm>>) dst(%arg8 : memref<128x64xf32, #tpu.memory_space<vmem>>)
      %add3A_548 = arith.constant 2 : i32
      %add3A_549 = arith.addi %add3A_355, %add3A_548 : i32
      %lt3A_550 = arith.constant 200 : i32
      %lt3A_551 = arith.cmpi slt, %add3A_549, %lt3A_550 : i32
      %convert_element_type3A_552 = arith.extui %lt3A_551 : i1 to i32
      %cond3A_553 = arith.constant 0 : i32
      %cond3A_554 = arith.cmpi ne, %convert_element_type3A_552, %cond3A_553 : i32
      scf.if %cond3A_554 {
        %add3A_726 = arith.constant 2 : i32
        %add3A_727 = arith.addi %add3A_355, %add3A_726 : i32
        %add3A_728 = arith.addi %mul3A_2, %add3A_727 : i32
        %mul3A_729 = arith.constant 128 : i32
        %mul3A_730 = arith.muli %add3A_728, %mul3A_729 : i32
        %dma_start3A_731 = tpu.memref_slice %arg2[%mul3A_730] : memref<819200xi32, #tpu.memory_space<hbm>> -> memref<128xi32, #tpu.memory_space<hbm>>
        %dma_start3A_732 = tpu.memref_slice %arg2[%mul3A_730] : memref<819200xi32, #tpu.memory_space<hbm>> -> memref<128xi32, #tpu.memory_space<hbm>>
        tpu.enqueue_dma source(%dma_start3A_732 : memref<128xi32, #tpu.memory_space<hbm>>) target(%arg6 : memref<128xi32, #tpu.memory_space<vmem>>) target_semaphore(%arg12 : memref<!tpu.dma_semaphore, #tpu.memory_space<semaphore_mem>>)
      } else {
      }
      %convert_element_type3A_555 = arith.extui %ge3A_542 : i1 to i32
      %cond3A_556 = arith.constant 0 : i32
      %cond3A_557 = arith.cmpi ne, %convert_element_type3A_555, %cond3A_556 : i32
      scf.if %cond3A_557 {
        %sub3A_726 = arith.constant 2 : i32
        %sub3A_727 = arith.subi %add3A_355, %sub3A_726 : i32
        %add3A_728 = arith.addi %mul3A_2, %sub3A_727 : i32
        %jit3A_729 = arith.constant 128 : i32
        %div3A_730 = arith.divsi %add3A_728, %jit3A_729 : i32
        %sign3A_731 = arith.constant 0 : i32
        %sign3A_732 = arith.cmpi sgt, %add3A_728, %sign3A_731 : i32
        %sign3A_733 = arith.extui %sign3A_732 : i1 to i32
        %sign3A_734 = arith.constant 0 : i32
        %sign3A_735 = arith.cmpi slt, %add3A_728, %sign3A_734 : i32
        %sign3A_736 = arith.extui %sign3A_735 : i1 to i32
        %sign3A_737 = arith.subi %sign3A_733, %sign3A_736 : i32
        %sign3A_738 = arith.constant 0 : i32
        %sign3A_739 = arith.cmpi sgt, %jit3A_729, %sign3A_738 : i32
        %sign3A_740 = arith.extui %sign3A_739 : i1 to i32
        %sign3A_741 = arith.constant 0 : i32
        %sign3A_742 = arith.cmpi slt, %jit3A_729, %sign3A_741 : i32
        %sign3A_743 = arith.extui %sign3A_742 : i1 to i32
        %sign3A_744 = arith.subi %sign3A_740, %sign3A_743 : i32
        %ne3A_745 = arith.cmpi ne, %sign3A_737, %sign3A_744 : i32
        %rem3A_746 = arith.remsi %add3A_728, %jit3A_729 : i32
        %ne3A_747 = arith.constant 0 : i32
        %ne3A_748 = arith.cmpi ne, %rem3A_746, %ne3A_747 : i32
        %and3A_749 = arith.andi %ne3A_745, %ne3A_748 : i1
        %sub3A_750 = arith.constant 1 : i32
        %sub3A_751 = arith.subi %div3A_730, %sub3A_750 : i32
        %select_n3A_752 = arith.select %and3A_749, %sub3A_751, %div3A_730 : i32
        %rem3A_753 = arith.constant 128 : i32
        %rem3A_754 = arith.remsi %add3A_728, %rem3A_753 : i32
        %mul3A_755 = arith.constant 1024 : i32
        %mul3A_756 = arith.muli %select_n3A_752, %mul3A_755 : i32
        %add3A_757 = arith.addi %mul3A_756, %rem3A_754 : i32
        %add3A_758 = arith.constant 0 : i32
        %add3A_759 = arith.addi %add3A_757, %add3A_758 : i32
        %add3A_760 = arith.constant 128 : i32
        %add3A_761 = arith.addi %add3A_757, %add3A_760 : i32
        %add3A_762 = arith.constant 256 : i32
        %add3A_763 = arith.addi %add3A_757, %add3A_762 : i32
        %add3A_764 = arith.constant 384 : i32
        %add3A_765 = arith.addi %add3A_757, %add3A_764 : i32
        %add3A_766 = arith.constant 512 : i32
        %add3A_767 = arith.addi %add3A_757, %add3A_766 : i32
        %add3A_768 = arith.constant 640 : i32
        %add3A_769 = arith.addi %add3A_757, %add3A_768 : i32
        %add3A_770 = arith.constant 768 : i32
        %add3A_771 = arith.addi %add3A_757, %add3A_770 : i32
        %add3A_772 = arith.constant 896 : i32
        %add3A_773 = arith.addi %add3A_757, %add3A_772 : i32
        %dma_wait3A_774 = arith.constant 0 : i32
        %dma_wait3A_775 = arith.constant 0 : i32
        %dma_wait3A_776 = tpu.memref_slice %arg10[%dma_wait3A_774, %dma_wait3A_775] : memref<64x136xf32, #tpu.memory_space<vmem>> -> memref<8x128xf32, #tpu.memory_space<vmem>>
        %dma_wait3A_777 = arith.constant 0 : i32
        %dma_wait3A_778 = arith.constant 0 : i32
        %dma_wait3A_779 = tpu.memref_slice %arg4[%add3A_759, %dma_wait3A_777, %dma_wait3A_778] : memref<51200x8x128xf32, #tpu.memory_space<hbm>> -> memref<1x8x128xf32, #tpu.memory_space<hbm>>
        %dma_wait3A_780 = tpu.memref_squeeze %dma_wait3A_779 : memref<1x8x128xf32, #tpu.memory_space<hbm>> -> memref<8x128xf32, #tpu.memory_space<hbm>>
        %dma_wait3A_781 = arith.constant 0 : i32
        %dma_wait3A_782 = arith.constant 0 : i32
        %dma_wait3A_783 = tpu.memref_slice %arg4[%add3A_759, %dma_wait3A_781, %dma_wait3A_782] : memref<51200x8x128xf32, #tpu.memory_space<hbm>> -> memref<1x8x128xf32, #tpu.memory_space<hbm>>
        %dma_wait3A_784 = tpu.memref_squeeze %dma_wait3A_783 : memref<1x8x128xf32, #tpu.memory_space<hbm>> -> memref<8x128xf32, #tpu.memory_space<hbm>>
        %dma_wait3A_785 = arith.constant 0 : i32
        %dma_wait3A_786 = arith.constant 0 : i32
        %dma_wait3A_787 = tpu.memref_slice %arg10[%dma_wait3A_785, %dma_wait3A_786] : memref<64x136xf32, #tpu.memory_space<vmem>> -> memref<8x128xf32, #tpu.memory_space<vmem>>
        tpu.wait_dma2 semaphore(%arg16 : memref<!tpu.dma_semaphore, #tpu.memory_space<semaphore_mem>>) src(%dma_wait3A_787 : memref<8x128xf32, #tpu.memory_space<vmem>>) dst(%dma_wait3A_784 : memref<8x128xf32, #tpu.memory_space<hbm>>)
        %dma_wait3A_788 = arith.constant 8 : i32
        %dma_wait3A_789 = arith.constant 0 : i32
        %dma_wait3A_790 = tpu.memref_slice %arg10[%dma_wait3A_788, %dma_wait3A_789] : memref<64x136xf32, #tpu.memory_space<vmem>> -> memref<8x128xf32, #tpu.memory_space<vmem>>
        %dma_wait3A_791 = arith.constant 0 : i32
        %dma_wait3A_792 = arith.constant 0 : i32
        %dma_wait3A_793 = tpu.memref_slice %arg4[%add3A_761, %dma_wait3A_791, %dma_wait3A_792] : memref<51200x8x128xf32, #tpu.memory_space<hbm>> -> memref<1x8x128xf32, #tpu.memory_space<hbm>>
        %dma_wait3A_794 = tpu.memref_squeeze %dma_wait3A_793 : memref<1x8x128xf32, #tpu.memory_space<hbm>> -> memref<8x128xf32, #tpu.memory_space<hbm>>
        %dma_wait3A_795 = arith.constant 0 : i32
        %dma_wait3A_796 = arith.constant 0 : i32
        %dma_wait3A_797 = tpu.memref_slice %arg4[%add3A_761, %dma_wait3A_795, %dma_wait3A_796] : memref<51200x8x128xf32, #tpu.memory_space<hbm>> -> memref<1x8x128xf32, #tpu.memory_space<hbm>>
        %dma_wait3A_798 = tpu.memref_squeeze %dma_wait3A_797 : memref<1x8x128xf32, #tpu.memory_space<hbm>> -> memref<8x128xf32, #tpu.memory_space<hbm>>
        %dma_wait3A_799 = arith.constant 8 : i32
        %dma_wait3A_800 = arith.constant 0 : i32
        %dma_wait3A_801 = tpu.memref_slice %arg10[%dma_wait3A_799, %dma_wait3A_800] : memref<64x136xf32, #tpu.memory_space<vmem>> -> memref<8x128xf32, #tpu.memory_space<vmem>>
        tpu.wait_dma2 semaphore(%arg16 : memref<!tpu.dma_semaphore, #tpu.memory_space<semaphore_mem>>) src(%dma_wait3A_801 : memref<8x128xf32, #tpu.memory_space<vmem>>) dst(%dma_wait3A_798 : memref<8x128xf32, #tpu.memory_space<hbm>>)
        %dma_wait3A_802 = arith.constant 16 : i32
        %dma_wait3A_803 = arith.constant 0 : i32
        %dma_wait3A_804 = tpu.memref_slice %arg10[%dma_wait3A_802, %dma_wait3A_803] : memref<64x136xf32, #tpu.memory_space<vmem>> -> memref<8x128xf32, #tpu.memory_space<vmem>>
        %dma_wait3A_805 = arith.constant 0 : i32
        %dma_wait3A_806 = arith.constant 0 : i32
        %dma_wait3A_807 = tpu.memref_slice %arg4[%add3A_763, %dma_wait3A_805, %dma_wait3A_806] : memref<51200x8x128xf32, #tpu.memory_space<hbm>> -> memref<1x8x128xf32, #tpu.memory_space<hbm>>
        %dma_wait3A_808 = tpu.memref_squeeze %dma_wait3A_807 : memref<1x8x128xf32, #tpu.memory_space<hbm>> -> memref<8x128xf32, #tpu.memory_space<hbm>>
        %dma_wait3A_809 = arith.constant 0 : i32
        %dma_wait3A_810 = arith.constant 0 : i32
        %dma_wait3A_811 = tpu.memref_slice %arg4[%add3A_763, %dma_wait3A_809, %dma_wait3A_810] : memref<51200x8x128xf32, #tpu.memory_space<hbm>> -> memref<1x8x128xf32, #tpu.memory_space<hbm>>
        %dma_wait3A_812 = tpu.memref_squeeze %dma_wait3A_811 : memref<1x8x128xf32, #tpu.memory_space<hbm>> -> memref<8x128xf32, #tpu.memory_space<hbm>>
        %dma_wait3A_813 = arith.constant 16 : i32
        %dma_wait3A_814 = arith.constant 0 : i32
        %dma_wait3A_815 = tpu.memref_slice %arg10[%dma_wait3A_813, %dma_wait3A_814] : memref<64x136xf32, #tpu.memory_space<vmem>> -> memref<8x128xf32, #tpu.memory_space<vmem>>
        tpu.wait_dma2 semaphore(%arg16 : memref<!tpu.dma_semaphore, #tpu.memory_space<semaphore_mem>>) src(%dma_wait3A_815 : memref<8x128xf32, #tpu.memory_space<vmem>>) dst(%dma_wait3A_812 : memref<8x128xf32, #tpu.memory_space<hbm>>)
        %dma_wait3A_816 = arith.constant 24 : i32
        %dma_wait3A_817 = arith.constant 0 : i32
        %dma_wait3A_818 = tpu.memref_slice %arg10[%dma_wait3A_816, %dma_wait3A_817] : memref<64x136xf32, #tpu.memory_space<vmem>> -> memref<8x128xf32, #tpu.memory_space<vmem>>
        %dma_wait3A_819 = arith.constant 0 : i32
        %dma_wait3A_820 = arith.constant 0 : i32
        %dma_wait3A_821 = tpu.memref_slice %arg4[%add3A_765, %dma_wait3A_819, %dma_wait3A_820] : memref<51200x8x128xf32, #tpu.memory_space<hbm>> -> memref<1x8x128xf32, #tpu.memory_space<hbm>>
        %dma_wait3A_822 = tpu.memref_squeeze %dma_wait3A_821 : memref<1x8x128xf32, #tpu.memory_space<hbm>> -> memref<8x128xf32, #tpu.memory_space<hbm>>
        %dma_wait3A_823 = arith.constant 0 : i32
        %dma_wait3A_824 = arith.constant 0 : i32
        %dma_wait3A_825 = tpu.memref_slice %arg4[%add3A_765, %dma_wait3A_823, %dma_wait3A_824] : memref<51200x8x128xf32, #tpu.memory_space<hbm>> -> memref<1x8x128xf32, #tpu.memory_space<hbm>>
        %dma_wait3A_826 = tpu.memref_squeeze %dma_wait3A_825 : memref<1x8x128xf32, #tpu.memory_space<hbm>> -> memref<8x128xf32, #tpu.memory_space<hbm>>
        %dma_wait3A_827 = arith.constant 24 : i32
        %dma_wait3A_828 = arith.constant 0 : i32
        %dma_wait3A_829 = tpu.memref_slice %arg10[%dma_wait3A_827, %dma_wait3A_828] : memref<64x136xf32, #tpu.memory_space<vmem>> -> memref<8x128xf32, #tpu.memory_space<vmem>>
        tpu.wait_dma2 semaphore(%arg16 : memref<!tpu.dma_semaphore, #tpu.memory_space<semaphore_mem>>) src(%dma_wait3A_829 : memref<8x128xf32, #tpu.memory_space<vmem>>) dst(%dma_wait3A_826 : memref<8x128xf32, #tpu.memory_space<hbm>>)
        %dma_wait3A_830 = arith.constant 32 : i32
        %dma_wait3A_831 = arith.constant 0 : i32
        %dma_wait3A_832 = tpu.memref_slice %arg10[%dma_wait3A_830, %dma_wait3A_831] : memref<64x136xf32, #tpu.memory_space<vmem>> -> memref<8x128xf32, #tpu.memory_space<vmem>>
        %dma_wait3A_833 = arith.constant 0 : i32
        %dma_wait3A_834 = arith.constant 0 : i32
        %dma_wait3A_835 = tpu.memref_slice %arg4[%add3A_767, %dma_wait3A_833, %dma_wait3A_834] : memref<51200x8x128xf32, #tpu.memory_space<hbm>> -> memref<1x8x128xf32, #tpu.memory_space<hbm>>
        %dma_wait3A_836 = tpu.memref_squeeze %dma_wait3A_835 : memref<1x8x128xf32, #tpu.memory_space<hbm>> -> memref<8x128xf32, #tpu.memory_space<hbm>>
        %dma_wait3A_837 = arith.constant 0 : i32
        %dma_wait3A_838 = arith.constant 0 : i32
        %dma_wait3A_839 = tpu.memref_slice %arg4[%add3A_767, %dma_wait3A_837, %dma_wait3A_838] : memref<51200x8x128xf32, #tpu.memory_space<hbm>> -> memref<1x8x128xf32, #tpu.memory_space<hbm>>
        %dma_wait3A_840 = tpu.memref_squeeze %dma_wait3A_839 : memref<1x8x128xf32, #tpu.memory_space<hbm>> -> memref<8x128xf32, #tpu.memory_space<hbm>>
        %dma_wait3A_841 = arith.constant 32 : i32
        %dma_wait3A_842 = arith.constant 0 : i32
        %dma_wait3A_843 = tpu.memref_slice %arg10[%dma_wait3A_841, %dma_wait3A_842] : memref<64x136xf32, #tpu.memory_space<vmem>> -> memref<8x128xf32, #tpu.memory_space<vmem>>
        tpu.wait_dma2 semaphore(%arg16 : memref<!tpu.dma_semaphore, #tpu.memory_space<semaphore_mem>>) src(%dma_wait3A_843 : memref<8x128xf32, #tpu.memory_space<vmem>>) dst(%dma_wait3A_840 : memref<8x128xf32, #tpu.memory_space<hbm>>)
        %dma_wait3A_844 = arith.constant 40 : i32
        %dma_wait3A_845 = arith.constant 0 : i32
        %dma_wait3A_846 = tpu.memref_slice %arg10[%dma_wait3A_844, %dma_wait3A_845] : memref<64x136xf32, #tpu.memory_space<vmem>> -> memref<8x128xf32, #tpu.memory_space<vmem>>
        %dma_wait3A_847 = arith.constant 0 : i32
        %dma_wait3A_848 = arith.constant 0 : i32
        %dma_wait3A_849 = tpu.memref_slice %arg4[%add3A_769, %dma_wait3A_847, %dma_wait3A_848] : memref<51200x8x128xf32, #tpu.memory_space<hbm>> -> memref<1x8x128xf32, #tpu.memory_space<hbm>>
        %dma_wait3A_850 = tpu.memref_squeeze %dma_wait3A_849 : memref<1x8x128xf32, #tpu.memory_space<hbm>> -> memref<8x128xf32, #tpu.memory_space<hbm>>
        %dma_wait3A_851 = arith.constant 0 : i32
        %dma_wait3A_852 = arith.constant 0 : i32
        %dma_wait3A_853 = tpu.memref_slice %arg4[%add3A_769, %dma_wait3A_851, %dma_wait3A_852] : memref<51200x8x128xf32, #tpu.memory_space<hbm>> -> memref<1x8x128xf32, #tpu.memory_space<hbm>>
        %dma_wait3A_854 = tpu.memref_squeeze %dma_wait3A_853 : memref<1x8x128xf32, #tpu.memory_space<hbm>> -> memref<8x128xf32, #tpu.memory_space<hbm>>
        %dma_wait3A_855 = arith.constant 40 : i32
        %dma_wait3A_856 = arith.constant 0 : i32
        %dma_wait3A_857 = tpu.memref_slice %arg10[%dma_wait3A_855, %dma_wait3A_856] : memref<64x136xf32, #tpu.memory_space<vmem>> -> memref<8x128xf32, #tpu.memory_space<vmem>>
        tpu.wait_dma2 semaphore(%arg16 : memref<!tpu.dma_semaphore, #tpu.memory_space<semaphore_mem>>) src(%dma_wait3A_857 : memref<8x128xf32, #tpu.memory_space<vmem>>) dst(%dma_wait3A_854 : memref<8x128xf32, #tpu.memory_space<hbm>>)
        %dma_wait3A_858 = arith.constant 48 : i32
        %dma_wait3A_859 = arith.constant 0 : i32
        %dma_wait3A_860 = tpu.memref_slice %arg10[%dma_wait3A_858, %dma_wait3A_859] : memref<64x136xf32, #tpu.memory_space<vmem>> -> memref<8x128xf32, #tpu.memory_space<vmem>>
        %dma_wait3A_861 = arith.constant 0 : i32
        %dma_wait3A_862 = arith.constant 0 : i32
        %dma_wait3A_863 = tpu.memref_slice %arg4[%add3A_771, %dma_wait3A_861, %dma_wait3A_862] : memref<51200x8x128xf32, #tpu.memory_space<hbm>> -> memref<1x8x128xf32, #tpu.memory_space<hbm>>
        %dma_wait3A_864 = tpu.memref_squeeze %dma_wait3A_863 : memref<1x8x128xf32, #tpu.memory_space<hbm>> -> memref<8x128xf32, #tpu.memory_space<hbm>>
        %dma_wait3A_865 = arith.constant 0 : i32
        %dma_wait3A_866 = arith.constant 0 : i32
        %dma_wait3A_867 = tpu.memref_slice %arg4[%add3A_771, %dma_wait3A_865, %dma_wait3A_866] : memref<51200x8x128xf32, #tpu.memory_space<hbm>> -> memref<1x8x128xf32, #tpu.memory_space<hbm>>
        %dma_wait3A_868 = tpu.memref_squeeze %dma_wait3A_867 : memref<1x8x128xf32, #tpu.memory_space<hbm>> -> memref<8x128xf32, #tpu.memory_space<hbm>>
        %dma_wait3A_869 = arith.constant 48 : i32
        %dma_wait3A_870 = arith.constant 0 : i32
        %dma_wait3A_871 = tpu.memref_slice %arg10[%dma_wait3A_869, %dma_wait3A_870] : memref<64x136xf32, #tpu.memory_space<vmem>> -> memref<8x128xf32, #tpu.memory_space<vmem>>
        tpu.wait_dma2 semaphore(%arg16 : memref<!tpu.dma_semaphore, #tpu.memory_space<semaphore_mem>>) src(%dma_wait3A_871 : memref<8x128xf32, #tpu.memory_space<vmem>>) dst(%dma_wait3A_868 : memref<8x128xf32, #tpu.memory_space<hbm>>)
        %dma_wait3A_872 = arith.constant 56 : i32
        %dma_wait3A_873 = arith.constant 0 : i32
        %dma_wait3A_874 = tpu.memref_slice %arg10[%dma_wait3A_872, %dma_wait3A_873] : memref<64x136xf32, #tpu.memory_space<vmem>> -> memref<8x128xf32, #tpu.memory_space<vmem>>
        %dma_wait3A_875 = arith.constant 0 : i32
        %dma_wait3A_876 = arith.constant 0 : i32
        %dma_wait3A_877 = tpu.memref_slice %arg4[%add3A_773, %dma_wait3A_875, %dma_wait3A_876] : memref<51200x8x128xf32, #tpu.memory_space<hbm>> -> memref<1x8x128xf32, #tpu.memory_space<hbm>>
        %dma_wait3A_878 = tpu.memref_squeeze %dma_wait3A_877 : memref<1x8x128xf32, #tpu.memory_space<hbm>> -> memref<8x128xf32, #tpu.memory_space<hbm>>
        %dma_wait3A_879 = arith.constant 0 : i32
        %dma_wait3A_880 = arith.constant 0 : i32
        %dma_wait3A_881 = tpu.memref_slice %arg4[%add3A_773, %dma_wait3A_879, %dma_wait3A_880] : memref<51200x8x128xf32, #tpu.memory_space<hbm>> -> memref<1x8x128xf32, #tpu.memory_space<hbm>>
        %dma_wait3A_882 = tpu.memref_squeeze %dma_wait3A_881 : memref<1x8x128xf32, #tpu.memory_space<hbm>> -> memref<8x128xf32, #tpu.memory_space<hbm>>
        %dma_wait3A_883 = arith.constant 56 : i32
        %dma_wait3A_884 = arith.constant 0 : i32
        %dma_wait3A_885 = tpu.memref_slice %arg10[%dma_wait3A_883, %dma_wait3A_884] : memref<64x136xf32, #tpu.memory_space<vmem>> -> memref<8x128xf32, #tpu.memory_space<vmem>>
        tpu.wait_dma2 semaphore(%arg16 : memref<!tpu.dma_semaphore, #tpu.memory_space<semaphore_mem>>) src(%dma_wait3A_885 : memref<8x128xf32, #tpu.memory_space<vmem>>) dst(%dma_wait3A_882 : memref<8x128xf32, #tpu.memory_space<hbm>>)
      } else {
      }
      %parallel_loop3A_558 = arith.constant 0 : i32
      %parallel_loop3A_559 = arith.constant 128 : i32
      %parallel_loop3A_560 = arith.constant 1 : i32
      scf.for %parallel_loop3A_726 = %parallel_loop3A_558 to %parallel_loop3A_559 step %parallel_loop3A_560  : i32 {
        %parallel_loop3A_727 = arith.constant 0 : i32
        %parallel_loop3A_728 = vector.broadcast %parallel_loop3A_727 : i32 to vector<16xi32>
        %parallel_loop3A_729 = arith.muli %iota3A, %parallel_loop3A_728 : vector<16xi32>
        %parallel_loop3A_730 = vector.broadcast %parallel_loop3A_726 : i32 to vector<16xi32>
        %parallel_loop3A_731 = arith.addi %parallel_loop3A_729, %parallel_loop3A_730 : vector<16xi32>
        %parallel_loop3A_732 = arith.index_cast %parallel_loop3A_726 : i32 to index
        %parallel_loop3A_733 = arith.constant 0 : index
        %parallel_loop3A_734 = tpu.vector_load %arg8[%parallel_loop3A_732, %parallel_loop3A_733] {strides = array<i32>} : memref<128x64xf32, #tpu.memory_space<vmem>>, vector<16xf32>,
        %parallel_loop3A_735 = arith.constant 8.000000e+00 : f32
        %parallel_loop3A_736 = vector.broadcast %parallel_loop3A_735 : f32 to vector<16xf32>
        %parallel_loop3A_737 = arith.mulf %parallel_loop3A_734, %parallel_loop3A_736 : vector<16xf32>
        tpu.vector_store_idx %arg10[%add3A_5, %parallel_loop3A_731], %parallel_loop3A_737 : memref<64x136xf32, #tpu.memory_space<vmem>>[vector<16xi32>, vector<16xi32>], vector<16xf32>,
        %parallel_loop3A_738 = arith.index_cast %parallel_loop3A_726 : i32 to index
        %parallel_loop3A_739 = arith.constant 16 : index
        %parallel_loop3A_740 = tpu.vector_load %arg8[%parallel_loop3A_738, %parallel_loop3A_739] {strides = array<i32>} : memref<128x64xf32, #tpu.memory_space<vmem>>, vector<16xf32>,
        %parallel_loop3A_741 = arith.constant 8.000000e+00 : f32
        %parallel_loop3A_742 = vector.broadcast %parallel_loop3A_741 : f32 to vector<16xf32>
        %parallel_loop3A_743 = arith.mulf %parallel_loop3A_740, %parallel_loop3A_742 : vector<16xf32>
        tpu.vector_store_idx %arg10[%add3A_8, %parallel_loop3A_731], %parallel_loop3A_743 : memref<64x136xf32, #tpu.memory_space<vmem>>[vector<16xi32>, vector<16xi32>], vector<16xf32>,
        %parallel_loop3A_744 = arith.index_cast %parallel_loop3A_726 : i32 to index
        %parallel_loop3A_745 = arith.constant 32 : index
        %parallel_loop3A_746 = tpu.vector_load %arg8[%parallel_loop3A_744, %parallel_loop3A_745] {strides = array<i32>} : memref<128x64xf32, #tpu.memory_space<vmem>>, vector<16xf32>,
        %parallel_loop3A_747 = arith.constant 8.000000e+00 : f32
        %parallel_loop3A_748 = vector.broadcast %parallel_loop3A_747 : f32 to vector<16xf32>
        %parallel_loop3A_749 = arith.mulf %parallel_loop3A_746, %parallel_loop3A_748 : vector<16xf32>
        tpu.vector_store_idx %arg10[%add3A_11, %parallel_loop3A_731], %parallel_loop3A_749 : memref<64x136xf32, #tpu.memory_space<vmem>>[vector<16xi32>, vector<16xi32>], vector<16xf32>,
        %parallel_loop3A_750 = arith.index_cast %parallel_loop3A_726 : i32 to index
        %parallel_loop3A_751 = arith.constant 48 : index
        %parallel_loop3A_752 = tpu.vector_load %arg8[%parallel_loop3A_750, %parallel_loop3A_751] {strides = array<i32>} : memref<128x64xf32, #tpu.memory_space<vmem>>, vector<16xf32>,
        %parallel_loop3A_753 = arith.constant 8.000000e+00 : f32
        %parallel_loop3A_754 = vector.broadcast %parallel_loop3A_753 : f32 to vector<16xf32>
        %parallel_loop3A_755 = arith.mulf %parallel_loop3A_752, %parallel_loop3A_754 : vector<16xf32>
        tpu.vector_store_idx %arg10[%add3A_14, %parallel_loop3A_731], %parallel_loop3A_755 : memref<64x136xf32, #tpu.memory_space<vmem>>[vector<16xi32>, vector<16xi32>], vector<16xf32>,
      } {sc.loop_unroll_factor = 8 : i64, sc.parallel_access}
      %add3A_561 = arith.addi %mul3A_2, %add3A_355 : i32
      %jit3A_562 = arith.constant 128 : i32
      %div3A_563 = arith.divsi %add3A_561, %jit3A_562 : i32
      %sign3A_564 = arith.constant 0 : i32
      %sign3A_565 = arith.cmpi sgt, %add3A_561, %sign3A_564 : i32
      %sign3A_566 = arith.extui %sign3A_565 : i1 to i32
      %sign3A_567 = arith.constant 0 : i32
      %sign3A_568 = arith.cmpi slt, %add3A_561, %sign3A_567 : i32
      %sign3A_569 = arith.extui %sign3A_568 : i1 to i32
      %sign3A_570 = arith.subi %sign3A_566, %sign3A_569 : i32
      %sign3A_571 = arith.constant 0 : i32
      %sign3A_572 = arith.cmpi sgt, %jit3A_562, %sign3A_571 : i32
      %sign3A_573 = arith.extui %sign3A_572 : i1 to i32
      %sign3A_574 = arith.constant 0 : i32
      %sign3A_575 = arith.cmpi slt, %jit3A_562, %sign3A_574 : i32
      %sign3A_576 = arith.extui %sign3A_575 : i1 to i32
      %sign3A_577 = arith.subi %sign3A_573, %sign3A_576 : i32
      %ne3A_578 = arith.cmpi ne, %sign3A_570, %sign3A_577 : i32
      %rem3A_579 = arith.remsi %add3A_561, %jit3A_562 : i32
      %ne3A_580 = arith.constant 0 : i32
      %ne3A_581 = arith.cmpi ne, %rem3A_579, %ne3A_580 : i32
      %and3A_582 = arith.andi %ne3A_578, %ne3A_581 : i1
      %sub3A_583 = arith.constant 1 : i32
      %sub3A_584 = arith.subi %div3A_563, %sub3A_583 : i32
      %select_n3A_585 = arith.select %and3A_582, %sub3A_584, %div3A_563 : i32
      %rem3A_586 = arith.constant 128 : i32
      %rem3A_587 = arith.remsi %add3A_561, %rem3A_586 : i32
      %mul3A_588 = arith.constant 1024 : i32
      %mul3A_589 = arith.muli %select_n3A_585, %mul3A_588 : i32
      %add3A_590 = arith.addi %mul3A_589, %rem3A_587 : i32
      %add3A_591 = arith.constant 0 : i32
      %add3A_592 = arith.addi %add3A_590, %add3A_591 : i32
      %add3A_593 = arith.constant 128 : i32
      %add3A_594 = arith.addi %add3A_590, %add3A_593 : i32
      %add3A_595 = arith.constant 256 : i32
      %add3A_596 = arith.addi %add3A_590, %add3A_595 : i32
      %add3A_597 = arith.constant 384 : i32
      %add3A_598 = arith.addi %add3A_590, %add3A_597 : i32
      %add3A_599 = arith.constant 512 : i32
      %add3A_600 = arith.addi %add3A_590, %add3A_599 : i32
      %add3A_601 = arith.constant 640 : i32
      %add3A_602 = arith.addi %add3A_590, %add3A_601 : i32
      %add3A_603 = arith.constant 768 : i32
      %add3A_604 = arith.addi %add3A_590, %add3A_603 : i32
      %add3A_605 = arith.constant 896 : i32
      %add3A_606 = arith.addi %add3A_590, %add3A_605 : i32
      %dma_start3A_607 = arith.constant 0 : i32
      %dma_start3A_608 = arith.constant 0 : i32
      %dma_start3A_609 = tpu.memref_slice %arg10[%dma_start3A_607, %dma_start3A_608] : memref<64x136xf32, #tpu.memory_space<vmem>> -> memref<8x128xf32, #tpu.memory_space<vmem>>
      %dma_start3A_610 = arith.constant 0 : i32
      %dma_start3A_611 = arith.constant 0 : i32
      %dma_start3A_612 = tpu.memref_slice %arg4[%add3A_592, %dma_start3A_610, %dma_start3A_611] : memref<51200x8x128xf32, #tpu.memory_space<hbm>> -> memref<1x8x128xf32, #tpu.memory_space<hbm>>
      %dma_start3A_613 = tpu.memref_squeeze %dma_start3A_612 : memref<1x8x128xf32, #tpu.memory_space<hbm>> -> memref<8x128xf32, #tpu.memory_space<hbm>>
      %dma_start3A_614 = arith.constant 0 : i32
      %dma_start3A_615 = arith.constant 0 : i32
      %dma_start3A_616 = tpu.memref_slice %arg4[%add3A_592, %dma_start3A_614, %dma_start3A_615] : memref<51200x8x128xf32, #tpu.memory_space<hbm>> -> memref<1x8x128xf32, #tpu.memory_space<hbm>>
      %dma_start3A_617 = tpu.memref_squeeze %dma_start3A_616 : memref<1x8x128xf32, #tpu.memory_space<hbm>> -> memref<8x128xf32, #tpu.memory_space<hbm>>
      %dma_start3A_618 = arith.constant 0 : i32
      %dma_start3A_619 = arith.constant 0 : i32
      %dma_start3A_620 = tpu.memref_slice %arg10[%dma_start3A_618, %dma_start3A_619] : memref<64x136xf32, #tpu.memory_space<vmem>> -> memref<8x128xf32, #tpu.memory_space<vmem>>
      tpu.enqueue_dma source(%dma_start3A_620 : memref<8x128xf32, #tpu.memory_space<vmem>>) target(%dma_start3A_617 : memref<8x128xf32, #tpu.memory_space<hbm>>) target_semaphore(%arg16 : memref<!tpu.dma_semaphore, #tpu.memory_space<semaphore_mem>>)
      %dma_start3A_621 = arith.constant 8 : i32
      %dma_start3A_622 = arith.constant 0 : i32
      %dma_start3A_623 = tpu.memref_slice %arg10[%dma_start3A_621, %dma_start3A_622] : memref<64x136xf32, #tpu.memory_space<vmem>> -> memref<8x128xf32, #tpu.memory_space<vmem>>
      %dma_start3A_624 = arith.constant 0 : i32
      %dma_start3A_625 = arith.constant 0 : i32
      %dma_start3A_626 = tpu.memref_slice %arg4[%add3A_594, %dma_start3A_624, %dma_start3A_625] : memref<51200x8x128xf32, #tpu.memory_space<hbm>> -> memref<1x8x128xf32, #tpu.memory_space<hbm>>
      %dma_start3A_627 = tpu.memref_squeeze %dma_start3A_626 : memref<1x8x128xf32, #tpu.memory_space<hbm>> -> memref<8x128xf32, #tpu.memory_space<hbm>>
      %dma_start3A_628 = arith.constant 0 : i32
      %dma_start3A_629 = arith.constant 0 : i32
      %dma_start3A_630 = tpu.memref_slice %arg4[%add3A_594, %dma_start3A_628, %dma_start3A_629] : memref<51200x8x128xf32, #tpu.memory_space<hbm>> -> memref<1x8x128xf32, #tpu.memory_space<hbm>>
      %dma_start3A_631 = tpu.memref_squeeze %dma_start3A_630 : memref<1x8x128xf32, #tpu.memory_space<hbm>> -> memref<8x128xf32, #tpu.memory_space<hbm>>
      %dma_start3A_632 = arith.constant 8 : i32
      %dma_start3A_633 = arith.constant 0 : i32
      %dma_start3A_634 = tpu.memref_slice %arg10[%dma_start3A_632, %dma_start3A_633] : memref<64x136xf32, #tpu.memory_space<vmem>> -> memref<8x128xf32, #tpu.memory_space<vmem>>
      tpu.enqueue_dma source(%dma_start3A_634 : memref<8x128xf32, #tpu.memory_space<vmem>>) target(%dma_start3A_631 : memref<8x128xf32, #tpu.memory_space<hbm>>) target_semaphore(%arg16 : memref<!tpu.dma_semaphore, #tpu.memory_space<semaphore_mem>>)
      %dma_start3A_635 = arith.constant 16 : i32
      %dma_start3A_636 = arith.constant 0 : i32
      %dma_start3A_637 = tpu.memref_slice %arg10[%dma_start3A_635, %dma_start3A_636] : memref<64x136xf32, #tpu.memory_space<vmem>> -> memref<8x128xf32, #tpu.memory_space<vmem>>
      %dma_start3A_638 = arith.constant 0 : i32
      %dma_start3A_639 = arith.constant 0 : i32
      %dma_start3A_640 = tpu.memref_slice %arg4[%add3A_596, %dma_start3A_638, %dma_start3A_639] : memref<51200x8x128xf32, #tpu.memory_space<hbm>> -> memref<1x8x128xf32, #tpu.memory_space<hbm>>
      %dma_start3A_641 = tpu.memref_squeeze %dma_start3A_640 : memref<1x8x128xf32, #tpu.memory_space<hbm>> -> memref<8x128xf32, #tpu.memory_space<hbm>>
      %dma_start3A_642 = arith.constant 0 : i32
      %dma_start3A_643 = arith.constant 0 : i32
      %dma_start3A_644 = tpu.memref_slice %arg4[%add3A_596, %dma_start3A_642, %dma_start3A_643] : memref<51200x8x128xf32, #tpu.memory_space<hbm>> -> memref<1x8x128xf32, #tpu.memory_space<hbm>>
      %dma_start3A_645 = tpu.memref_squeeze %dma_start3A_644 : memref<1x8x128xf32, #tpu.memory_space<hbm>> -> memref<8x128xf32, #tpu.memory_space<hbm>>
      %dma_start3A_646 = arith.constant 16 : i32
      %dma_start3A_647 = arith.constant 0 : i32
      %dma_start3A_648 = tpu.memref_slice %arg10[%dma_start3A_646, %dma_start3A_647] : memref<64x136xf32, #tpu.memory_space<vmem>> -> memref<8x128xf32, #tpu.memory_space<vmem>>
      tpu.enqueue_dma source(%dma_start3A_648 : memref<8x128xf32, #tpu.memory_space<vmem>>) target(%dma_start3A_645 : memref<8x128xf32, #tpu.memory_space<hbm>>) target_semaphore(%arg16 : memref<!tpu.dma_semaphore, #tpu.memory_space<semaphore_mem>>)
      %dma_start3A_649 = arith.constant 24 : i32
      %dma_start3A_650 = arith.constant 0 : i32
      %dma_start3A_651 = tpu.memref_slice %arg10[%dma_start3A_649, %dma_start3A_650] : memref<64x136xf32, #tpu.memory_space<vmem>> -> memref<8x128xf32, #tpu.memory_space<vmem>>
      %dma_start3A_652 = arith.constant 0 : i32
      %dma_start3A_653 = arith.constant 0 : i32
      %dma_start3A_654 = tpu.memref_slice %arg4[%add3A_598, %dma_start3A_652, %dma_start3A_653] : memref<51200x8x128xf32, #tpu.memory_space<hbm>> -> memref<1x8x128xf32, #tpu.memory_space<hbm>>
      %dma_start3A_655 = tpu.memref_squeeze %dma_start3A_654 : memref<1x8x128xf32, #tpu.memory_space<hbm>> -> memref<8x128xf32, #tpu.memory_space<hbm>>
      %dma_start3A_656 = arith.constant 0 : i32
      %dma_start3A_657 = arith.constant 0 : i32
      %dma_start3A_658 = tpu.memref_slice %arg4[%add3A_598, %dma_start3A_656, %dma_start3A_657] : memref<51200x8x128xf32, #tpu.memory_space<hbm>> -> memref<1x8x128xf32, #tpu.memory_space<hbm>>
      %dma_start3A_659 = tpu.memref_squeeze %dma_start3A_658 : memref<1x8x128xf32, #tpu.memory_space<hbm>> -> memref<8x128xf32, #tpu.memory_space<hbm>>
      %dma_start3A_660 = arith.constant 24 : i32
      %dma_start3A_661 = arith.constant 0 : i32
      %dma_start3A_662 = tpu.memref_slice %arg10[%dma_start3A_660, %dma_start3A_661] : memref<64x136xf32, #tpu.memory_space<vmem>> -> memref<8x128xf32, #tpu.memory_space<vmem>>
      tpu.enqueue_dma source(%dma_start3A_662 : memref<8x128xf32, #tpu.memory_space<vmem>>) target(%dma_start3A_659 : memref<8x128xf32, #tpu.memory_space<hbm>>) target_semaphore(%arg16 : memref<!tpu.dma_semaphore, #tpu.memory_space<semaphore_mem>>)
      %dma_start3A_663 = arith.constant 32 : i32
      %dma_start3A_664 = arith.constant 0 : i32
      %dma_start3A_665 = tpu.memref_slice %arg10[%dma_start3A_663, %dma_start3A_664] : memref<64x136xf32, #tpu.memory_space<vmem>> -> memref<8x128xf32, #tpu.memory_space<vmem>>
      %dma_start3A_666 = arith.constant 0 : i32
      %dma_start3A_667 = arith.constant 0 : i32
      %dma_start3A_668 = tpu.memref_slice %arg4[%add3A_600, %dma_start3A_666, %dma_start3A_667] : memref<51200x8x128xf32, #tpu.memory_space<hbm>> -> memref<1x8x128xf32, #tpu.memory_space<hbm>>
      %dma_start3A_669 = tpu.memref_squeeze %dma_start3A_668 : memref<1x8x128xf32, #tpu.memory_space<hbm>> -> memref<8x128xf32, #tpu.memory_space<hbm>>
      %dma_start3A_670 = arith.constant 0 : i32
      %dma_start3A_671 = arith.constant 0 : i32
      %dma_start3A_672 = tpu.memref_slice %arg4[%add3A_600, %dma_start3A_670, %dma_start3A_671] : memref<51200x8x128xf32, #tpu.memory_space<hbm>> -> memref<1x8x128xf32, #tpu.memory_space<hbm>>
      %dma_start3A_673 = tpu.memref_squeeze %dma_start3A_672 : memref<1x8x128xf32, #tpu.memory_space<hbm>> -> memref<8x128xf32, #tpu.memory_space<hbm>>
      %dma_start3A_674 = arith.constant 32 : i32
      %dma_start3A_675 = arith.constant 0 : i32
      %dma_start3A_676 = tpu.memref_slice %arg10[%dma_start3A_674, %dma_start3A_675] : memref<64x136xf32, #tpu.memory_space<vmem>> -> memref<8x128xf32, #tpu.memory_space<vmem>>
      tpu.enqueue_dma source(%dma_start3A_676 : memref<8x128xf32, #tpu.memory_space<vmem>>) target(%dma_start3A_673 : memref<8x128xf32, #tpu.memory_space<hbm>>) target_semaphore(%arg16 : memref<!tpu.dma_semaphore, #tpu.memory_space<semaphore_mem>>)
      %dma_start3A_677 = arith.constant 40 : i32
      %dma_start3A_678 = arith.constant 0 : i32
      %dma_start3A_679 = tpu.memref_slice %arg10[%dma_start3A_677, %dma_start3A_678] : memref<64x136xf32, #tpu.memory_space<vmem>> -> memref<8x128xf32, #tpu.memory_space<vmem>>
      %dma_start3A_680 = arith.constant 0 : i32
      %dma_start3A_681 = arith.constant 0 : i32
      %dma_start3A_682 = tpu.memref_slice %arg4[%add3A_602, %dma_start3A_680, %dma_start3A_681] : memref<51200x8x128xf32, #tpu.memory_space<hbm>> -> memref<1x8x128xf32, #tpu.memory_space<hbm>>
      %dma_start3A_683 = tpu.memref_squeeze %dma_start3A_682 : memref<1x8x128xf32, #tpu.memory_space<hbm>> -> memref<8x128xf32, #tpu.memory_space<hbm>>
      %dma_start3A_684 = arith.constant 0 : i32
      %dma_start3A_685 = arith.constant 0 : i32
      %dma_start3A_686 = tpu.memref_slice %arg4[%add3A_602, %dma_start3A_684, %dma_start3A_685] : memref<51200x8x128xf32, #tpu.memory_space<hbm>> -> memref<1x8x128xf32, #tpu.memory_space<hbm>>
      %dma_start3A_687 = tpu.memref_squeeze %dma_start3A_686 : memref<1x8x128xf32, #tpu.memory_space<hbm>> -> memref<8x128xf32, #tpu.memory_space<hbm>>
      %dma_start3A_688 = arith.constant 40 : i32
      %dma_start3A_689 = arith.constant 0 : i32
      %dma_start3A_690 = tpu.memref_slice %arg10[%dma_start3A_688, %dma_start3A_689] : memref<64x136xf32, #tpu.memory_space<vmem>> -> memref<8x128xf32, #tpu.memory_space<vmem>>
      tpu.enqueue_dma source(%dma_start3A_690 : memref<8x128xf32, #tpu.memory_space<vmem>>) target(%dma_start3A_687 : memref<8x128xf32, #tpu.memory_space<hbm>>) target_semaphore(%arg16 : memref<!tpu.dma_semaphore, #tpu.memory_space<semaphore_mem>>)
      %dma_start3A_691 = arith.constant 48 : i32
      %dma_start3A_692 = arith.constant 0 : i32
      %dma_start3A_693 = tpu.memref_slice %arg10[%dma_start3A_691, %dma_start3A_692] : memref<64x136xf32, #tpu.memory_space<vmem>> -> memref<8x128xf32, #tpu.memory_space<vmem>>
      %dma_start3A_694 = arith.constant 0 : i32
      %dma_start3A_695 = arith.constant 0 : i32
      %dma_start3A_696 = tpu.memref_slice %arg4[%add3A_604, %dma_start3A_694, %dma_start3A_695] : memref<51200x8x128xf32, #tpu.memory_space<hbm>> -> memref<1x8x128xf32, #tpu.memory_space<hbm>>
      %dma_start3A_697 = tpu.memref_squeeze %dma_start3A_696 : memref<1x8x128xf32, #tpu.memory_space<hbm>> -> memref<8x128xf32, #tpu.memory_space<hbm>>
      %dma_start3A_698 = arith.constant 0 : i32
      %dma_start3A_699 = arith.constant 0 : i32
      %dma_start3A_700 = tpu.memref_slice %arg4[%add3A_604, %dma_start3A_698, %dma_start3A_699] : memref<51200x8x128xf32, #tpu.memory_space<hbm>> -> memref<1x8x128xf32, #tpu.memory_space<hbm>>
      %dma_start3A_701 = tpu.memref_squeeze %dma_start3A_700 : memref<1x8x128xf32, #tpu.memory_space<hbm>> -> memref<8x128xf32, #tpu.memory_space<hbm>>
      %dma_start3A_702 = arith.constant 48 : i32
      %dma_start3A_703 = arith.constant 0 : i32
      %dma_start3A_704 = tpu.memref_slice %arg10[%dma_start3A_702, %dma_start3A_703] : memref<64x136xf32, #tpu.memory_space<vmem>> -> memref<8x128xf32, #tpu.memory_space<vmem>>
      tpu.enqueue_dma source(%dma_start3A_704 : memref<8x128xf32, #tpu.memory_space<vmem>>) target(%dma_start3A_701 : memref<8x128xf32, #tpu.memory_space<hbm>>) target_semaphore(%arg16 : memref<!tpu.dma_semaphore, #tpu.memory_space<semaphore_mem>>)
      %dma_start3A_705 = arith.constant 56 : i32
      %dma_start3A_706 = arith.constant 0 : i32
      %dma_start3A_707 = tpu.memref_slice %arg10[%dma_start3A_705, %dma_start3A_706] : memref<64x136xf32, #tpu.memory_space<vmem>> -> memref<8x128xf32, #tpu.memory_space<vmem>>
      %dma_start3A_708 = arith.constant 0 : i32
      %dma_start3A_709 = arith.constant 0 : i32
      %dma_start3A_710 = tpu.memref_slice %arg4[%add3A_606, %dma_start3A_708, %dma_start3A_709] : memref<51200x8x128xf32, #tpu.memory_space<hbm>> -> memref<1x8x128xf32, #tpu.memory_space<hbm>>
      %dma_start3A_711 = tpu.memref_squeeze %dma_start3A_710 : memref<1x8x128xf32, #tpu.memory_space<hbm>> -> memref<8x128xf32, #tpu.memory_space<hbm>>
      %dma_start3A_712 = arith.constant 0 : i32
      %dma_start3A_713 = arith.constant 0 : i32
      %dma_start3A_714 = tpu.memref_slice %arg4[%add3A_606, %dma_start3A_712, %dma_start3A_713] : memref<51200x8x128xf32, #tpu.memory_space<hbm>> -> memref<1x8x128xf32, #tpu.memory_space<hbm>>
      %dma_start3A_715 = tpu.memref_squeeze %dma_start3A_714 : memref<1x8x128xf32, #tpu.memory_space<hbm>> -> memref<8x128xf32, #tpu.memory_space<hbm>>
      %dma_start3A_716 = arith.constant 56 : i32
      %dma_start3A_717 = arith.constant 0 : i32
      %dma_start3A_718 = tpu.memref_slice %arg10[%dma_start3A_716, %dma_start3A_717] : memref<64x136xf32, #tpu.memory_space<vmem>> -> memref<8x128xf32, #tpu.memory_space<vmem>>
      tpu.enqueue_dma source(%dma_start3A_718 : memref<8x128xf32, #tpu.memory_space<vmem>>) target(%dma_start3A_715 : memref<8x128xf32, #tpu.memory_space<hbm>>) target_semaphore(%arg16 : memref<!tpu.dma_semaphore, #tpu.memory_space<semaphore_mem>>)
      %add3A_719 = arith.constant 1 : i32
      %add3A_720 = arith.addi %add3A_355, %add3A_719 : i32
      %lt3A_721 = arith.constant 200 : i32
      %lt3A_722 = arith.cmpi slt, %add3A_720, %lt3A_721 : i32
      %convert_element_type3A_723 = arith.extui %lt3A_722 : i1 to i32
      %cond3A_724 = arith.constant 0 : i32
      %cond3A_725 = arith.cmpi ne, %convert_element_type3A_723, %cond3A_724 : i32
      scf.if %cond3A_725 {
        %add3A_726 = arith.constant 1 : i32
        %add3A_727 = arith.addi %add3A_355, %add3A_726 : i32
        %add3A_728 = arith.addi %mul3A_2, %add3A_727 : i32
        %mul3A_729 = arith.constant 128 : i32
        %mul3A_730 = arith.muli %add3A_728, %mul3A_729 : i32
        %dma_wait3A_731 = tpu.memref_slice %arg2[%mul3A_730] : memref<819200xi32, #tpu.memory_space<hbm>> -> memref<128xi32, #tpu.memory_space<hbm>>
        %dma_wait3A_732 = tpu.memref_slice %arg2[%mul3A_730] : memref<819200xi32, #tpu.memory_space<hbm>> -> memref<128xi32, #tpu.memory_space<hbm>>
        tpu.wait_dma2 semaphore(%arg11 : memref<!tpu.dma_semaphore, #tpu.memory_space<semaphore_mem>>) src(%dma_wait3A_732 : memref<128xi32, #tpu.memory_space<hbm>>) dst(%arg5 : memref<128xi32, #tpu.memory_space<vmem>>)
        %dma_start3A_733 = arith.constant 0 : i32
        %dma_start3A_734 = tpu.memref_slice %arg5[%dma_start3A_733] : memref<128xi32, #tpu.memory_space<vmem>> -> memref<128xi32, #tpu.memory_space<vmem>>
        %dma_start3A_735 = arith.constant 0 : i32
        %dma_start3A_736 = arith.constant 0 : i32
        %dma_start3A_737 = tpu.memref_slice %arg3[%dma_start3A_735, %dma_start3A_736] : memref<1000000x64xf32, #tpu.memory_space<hbm>> -> memref<1000000x64xf32, #tpu.memory_space<hbm>>
        tpu.enqueue_indirect_dma source(%dma_start3A_737 : memref<1000000x64xf32, #tpu.memory_space<hbm>>) target(%arg7 : memref<128x64xf32, #tpu.memory_space<vmem>>) offsets(%dma_start3A_734 : memref<128xi32, #tpu.memory_space<vmem>>) semaphore(%arg13 : memref<!tpu.dma_semaphore, #tpu.memory_space<semaphore_mem>>)
      } else {
      }
    }
    %scan3A_40 = arith.constant 100 : i32
    %add3A_41 = arith.constant 198 : i32
    %add3A_42 = arith.addi %mul3A_2, %add3A_41 : i32
    %jit3A = arith.constant 128 : i32
    %div3A = arith.divsi %add3A_42, %jit3A : i32
    %sign3A = arith.constant 0 : i32
    %sign3A_43 = arith.cmpi sgt, %add3A_42, %sign3A : i32
    %sign3A_44 = arith.extui %sign3A_43 : i1 to i32
    %sign3A_45 = arith.constant 0 : i32
    %sign3A_46 = arith.cmpi slt, %add3A_42, %sign3A_45 : i32
    %sign3A_47 = arith.extui %sign3A_46 : i1 to i32
    %sign3A_48 = arith.subi %sign3A_44, %sign3A_47 : i32
    %sign3A_49 = arith.constant 0 : i32
    %sign3A_50 = arith.cmpi sgt, %jit3A, %sign3A_49 : i32
    %sign3A_51 = arith.extui %sign3A_50 : i1 to i32
    %sign3A_52 = arith.constant 0 : i32
    %sign3A_53 = arith.cmpi slt, %jit3A, %sign3A_52 : i32
    %sign3A_54 = arith.extui %sign3A_53 : i1 to i32
    %sign3A_55 = arith.subi %sign3A_51, %sign3A_54 : i32
    %ne3A = arith.cmpi ne, %sign3A_48, %sign3A_55 : i32
    %rem3A = arith.remsi %add3A_42, %jit3A : i32
    %ne3A_56 = arith.constant 0 : i32
    %ne3A_57 = arith.cmpi ne, %rem3A, %ne3A_56 : i32
    %and3A = arith.andi %ne3A, %ne3A_57 : i1
    %sub3A = arith.constant 1 : i32
    %sub3A_58 = arith.subi %div3A, %sub3A : i32
    %select_n3A = arith.select %and3A, %sub3A_58, %div3A : i32
    %rem3A_59 = arith.constant 128 : i32
    %rem3A_60 = arith.remsi %add3A_42, %rem3A_59 : i32
    %mul3A_61 = arith.constant 1024 : i32
    %mul3A_62 = arith.muli %select_n3A, %mul3A_61 : i32
    %add3A_63 = arith.addi %mul3A_62, %rem3A_60 : i32
    %add3A_64 = arith.constant 0 : i32
    %add3A_65 = arith.addi %add3A_63, %add3A_64 : i32
    %add3A_66 = arith.constant 128 : i32
    %add3A_67 = arith.addi %add3A_63, %add3A_66 : i32
    %add3A_68 = arith.constant 256 : i32
    %add3A_69 = arith.addi %add3A_63, %add3A_68 : i32
    %add3A_70 = arith.constant 384 : i32
    %add3A_71 = arith.addi %add3A_63, %add3A_70 : i32
    %add3A_72 = arith.constant 512 : i32
    %add3A_73 = arith.addi %add3A_63, %add3A_72 : i32
    %add3A_74 = arith.constant 640 : i32
    %add3A_75 = arith.addi %add3A_63, %add3A_74 : i32
    %add3A_76 = arith.constant 768 : i32
    %add3A_77 = arith.addi %add3A_63, %add3A_76 : i32
    %add3A_78 = arith.constant 896 : i32
    %add3A_79 = arith.addi %add3A_63, %add3A_78 : i32
    %dma_wait3A_80 = arith.constant 0 : i32
    %dma_wait3A_81 = arith.constant 0 : i32
    %dma_wait3A_82 = tpu.memref_slice %arg9[%dma_wait3A_80, %dma_wait3A_81] : memref<64x136xf32, #tpu.memory_space<vmem>> -> memref<8x128xf32, #tpu.memory_space<vmem>>
    %dma_wait3A_83 = arith.constant 0 : i32
    %dma_wait3A_84 = arith.constant 0 : i32
    %dma_wait3A_85 = tpu.memref_slice %arg4[%add3A_65, %dma_wait3A_83, %dma_wait3A_84] : memref<51200x8x128xf32, #tpu.memory_space<hbm>> -> memref<1x8x128xf32, #tpu.memory_space<hbm>>
    %dma_wait3A_86 = tpu.memref_squeeze %dma_wait3A_85 : memref<1x8x128xf32, #tpu.memory_space<hbm>> -> memref<8x128xf32, #tpu.memory_space<hbm>>
    %dma_wait3A_87 = arith.constant 0 : i32
    %dma_wait3A_88 = arith.constant 0 : i32
    %dma_wait3A_89 = tpu.memref_slice %arg4[%add3A_65, %dma_wait3A_87, %dma_wait3A_88] : memref<51200x8x128xf32, #tpu.memory_space<hbm>> -> memref<1x8x128xf32, #tpu.memory_space<hbm>>
    %dma_wait3A_90 = tpu.memref_squeeze %dma_wait3A_89 : memref<1x8x128xf32, #tpu.memory_space<hbm>> -> memref<8x128xf32, #tpu.memory_space<hbm>>
    %dma_wait3A_91 = arith.constant 0 : i32
    %dma_wait3A_92 = arith.constant 0 : i32
    %dma_wait3A_93 = tpu.memref_slice %arg9[%dma_wait3A_91, %dma_wait3A_92] : memref<64x136xf32, #tpu.memory_space<vmem>> -> memref<8x128xf32, #tpu.memory_space<vmem>>
    tpu.wait_dma2 semaphore(%arg15 : memref<!tpu.dma_semaphore, #tpu.memory_space<semaphore_mem>>) src(%dma_wait3A_93 : memref<8x128xf32, #tpu.memory_space<vmem>>) dst(%dma_wait3A_90 : memref<8x128xf32, #tpu.memory_space<hbm>>)
    %dma_wait3A_94 = arith.constant 8 : i32
    %dma_wait3A_95 = arith.constant 0 : i32
    %dma_wait3A_96 = tpu.memref_slice %arg9[%dma_wait3A_94, %dma_wait3A_95] : memref<64x136xf32, #tpu.memory_space<vmem>> -> memref<8x128xf32, #tpu.memory_space<vmem>>
    %dma_wait3A_97 = arith.constant 0 : i32
    %dma_wait3A_98 = arith.constant 0 : i32
    %dma_wait3A_99 = tpu.memref_slice %arg4[%add3A_67, %dma_wait3A_97, %dma_wait3A_98] : memref<51200x8x128xf32, #tpu.memory_space<hbm>> -> memref<1x8x128xf32, #tpu.memory_space<hbm>>
    %dma_wait3A_100 = tpu.memref_squeeze %dma_wait3A_99 : memref<1x8x128xf32, #tpu.memory_space<hbm>> -> memref<8x128xf32, #tpu.memory_space<hbm>>
    %dma_wait3A_101 = arith.constant 0 : i32
    %dma_wait3A_102 = arith.constant 0 : i32
    %dma_wait3A_103 = tpu.memref_slice %arg4[%add3A_67, %dma_wait3A_101, %dma_wait3A_102] : memref<51200x8x128xf32, #tpu.memory_space<hbm>> -> memref<1x8x128xf32, #tpu.memory_space<hbm>>
    %dma_wait3A_104 = tpu.memref_squeeze %dma_wait3A_103 : memref<1x8x128xf32, #tpu.memory_space<hbm>> -> memref<8x128xf32, #tpu.memory_space<hbm>>
    %dma_wait3A_105 = arith.constant 8 : i32
    %dma_wait3A_106 = arith.constant 0 : i32
    %dma_wait3A_107 = tpu.memref_slice %arg9[%dma_wait3A_105, %dma_wait3A_106] : memref<64x136xf32, #tpu.memory_space<vmem>> -> memref<8x128xf32, #tpu.memory_space<vmem>>
    tpu.wait_dma2 semaphore(%arg15 : memref<!tpu.dma_semaphore, #tpu.memory_space<semaphore_mem>>) src(%dma_wait3A_107 : memref<8x128xf32, #tpu.memory_space<vmem>>) dst(%dma_wait3A_104 : memref<8x128xf32, #tpu.memory_space<hbm>>)
    %dma_wait3A_108 = arith.constant 16 : i32
    %dma_wait3A_109 = arith.constant 0 : i32
    %dma_wait3A_110 = tpu.memref_slice %arg9[%dma_wait3A_108, %dma_wait3A_109] : memref<64x136xf32, #tpu.memory_space<vmem>> -> memref<8x128xf32, #tpu.memory_space<vmem>>
    %dma_wait3A_111 = arith.constant 0 : i32
    %dma_wait3A_112 = arith.constant 0 : i32
    %dma_wait3A_113 = tpu.memref_slice %arg4[%add3A_69, %dma_wait3A_111, %dma_wait3A_112] : memref<51200x8x128xf32, #tpu.memory_space<hbm>> -> memref<1x8x128xf32, #tpu.memory_space<hbm>>
    %dma_wait3A_114 = tpu.memref_squeeze %dma_wait3A_113 : memref<1x8x128xf32, #tpu.memory_space<hbm>> -> memref<8x128xf32, #tpu.memory_space<hbm>>
    %dma_wait3A_115 = arith.constant 0 : i32
    %dma_wait3A_116 = arith.constant 0 : i32
    %dma_wait3A_117 = tpu.memref_slice %arg4[%add3A_69, %dma_wait3A_115, %dma_wait3A_116] : memref<51200x8x128xf32, #tpu.memory_space<hbm>> -> memref<1x8x128xf32, #tpu.memory_space<hbm>>
    %dma_wait3A_118 = tpu.memref_squeeze %dma_wait3A_117 : memref<1x8x128xf32, #tpu.memory_space<hbm>> -> memref<8x128xf32, #tpu.memory_space<hbm>>
    %dma_wait3A_119 = arith.constant 16 : i32
    %dma_wait3A_120 = arith.constant 0 : i32
    %dma_wait3A_121 = tpu.memref_slice %arg9[%dma_wait3A_119, %dma_wait3A_120] : memref<64x136xf32, #tpu.memory_space<vmem>> -> memref<8x128xf32, #tpu.memory_space<vmem>>
    tpu.wait_dma2 semaphore(%arg15 : memref<!tpu.dma_semaphore, #tpu.memory_space<semaphore_mem>>) src(%dma_wait3A_121 : memref<8x128xf32, #tpu.memory_space<vmem>>) dst(%dma_wait3A_118 : memref<8x128xf32, #tpu.memory_space<hbm>>)
    %dma_wait3A_122 = arith.constant 24 : i32
    %dma_wait3A_123 = arith.constant 0 : i32
    %dma_wait3A_124 = tpu.memref_slice %arg9[%dma_wait3A_122, %dma_wait3A_123] : memref<64x136xf32, #tpu.memory_space<vmem>> -> memref<8x128xf32, #tpu.memory_space<vmem>>
    %dma_wait3A_125 = arith.constant 0 : i32
    %dma_wait3A_126 = arith.constant 0 : i32
    %dma_wait3A_127 = tpu.memref_slice %arg4[%add3A_71, %dma_wait3A_125, %dma_wait3A_126] : memref<51200x8x128xf32, #tpu.memory_space<hbm>> -> memref<1x8x128xf32, #tpu.memory_space<hbm>>
    %dma_wait3A_128 = tpu.memref_squeeze %dma_wait3A_127 : memref<1x8x128xf32, #tpu.memory_space<hbm>> -> memref<8x128xf32, #tpu.memory_space<hbm>>
    %dma_wait3A_129 = arith.constant 0 : i32
    %dma_wait3A_130 = arith.constant 0 : i32
    %dma_wait3A_131 = tpu.memref_slice %arg4[%add3A_71, %dma_wait3A_129, %dma_wait3A_130] : memref<51200x8x128xf32, #tpu.memory_space<hbm>> -> memref<1x8x128xf32, #tpu.memory_space<hbm>>
    %dma_wait3A_132 = tpu.memref_squeeze %dma_wait3A_131 : memref<1x8x128xf32, #tpu.memory_space<hbm>> -> memref<8x128xf32, #tpu.memory_space<hbm>>
    %dma_wait3A_133 = arith.constant 24 : i32
    %dma_wait3A_134 = arith.constant 0 : i32
    %dma_wait3A_135 = tpu.memref_slice %arg9[%dma_wait3A_133, %dma_wait3A_134] : memref<64x136xf32, #tpu.memory_space<vmem>> -> memref<8x128xf32, #tpu.memory_space<vmem>>
    tpu.wait_dma2 semaphore(%arg15 : memref<!tpu.dma_semaphore, #tpu.memory_space<semaphore_mem>>) src(%dma_wait3A_135 : memref<8x128xf32, #tpu.memory_space<vmem>>) dst(%dma_wait3A_132 : memref<8x128xf32, #tpu.memory_space<hbm>>)
    %dma_wait3A_136 = arith.constant 32 : i32
    %dma_wait3A_137 = arith.constant 0 : i32
    %dma_wait3A_138 = tpu.memref_slice %arg9[%dma_wait3A_136, %dma_wait3A_137] : memref<64x136xf32, #tpu.memory_space<vmem>> -> memref<8x128xf32, #tpu.memory_space<vmem>>
    %dma_wait3A_139 = arith.constant 0 : i32
    %dma_wait3A_140 = arith.constant 0 : i32
    %dma_wait3A_141 = tpu.memref_slice %arg4[%add3A_73, %dma_wait3A_139, %dma_wait3A_140] : memref<51200x8x128xf32, #tpu.memory_space<hbm>> -> memref<1x8x128xf32, #tpu.memory_space<hbm>>
    %dma_wait3A_142 = tpu.memref_squeeze %dma_wait3A_141 : memref<1x8x128xf32, #tpu.memory_space<hbm>> -> memref<8x128xf32, #tpu.memory_space<hbm>>
    %dma_wait3A_143 = arith.constant 0 : i32
    %dma_wait3A_144 = arith.constant 0 : i32
    %dma_wait3A_145 = tpu.memref_slice %arg4[%add3A_73, %dma_wait3A_143, %dma_wait3A_144] : memref<51200x8x128xf32, #tpu.memory_space<hbm>> -> memref<1x8x128xf32, #tpu.memory_space<hbm>>
    %dma_wait3A_146 = tpu.memref_squeeze %dma_wait3A_145 : memref<1x8x128xf32, #tpu.memory_space<hbm>> -> memref<8x128xf32, #tpu.memory_space<hbm>>
    %dma_wait3A_147 = arith.constant 32 : i32
    %dma_wait3A_148 = arith.constant 0 : i32
    %dma_wait3A_149 = tpu.memref_slice %arg9[%dma_wait3A_147, %dma_wait3A_148] : memref<64x136xf32, #tpu.memory_space<vmem>> -> memref<8x128xf32, #tpu.memory_space<vmem>>
    tpu.wait_dma2 semaphore(%arg15 : memref<!tpu.dma_semaphore, #tpu.memory_space<semaphore_mem>>) src(%dma_wait3A_149 : memref<8x128xf32, #tpu.memory_space<vmem>>) dst(%dma_wait3A_146 : memref<8x128xf32, #tpu.memory_space<hbm>>)
    %dma_wait3A_150 = arith.constant 40 : i32
    %dma_wait3A_151 = arith.constant 0 : i32
    %dma_wait3A_152 = tpu.memref_slice %arg9[%dma_wait3A_150, %dma_wait3A_151] : memref<64x136xf32, #tpu.memory_space<vmem>> -> memref<8x128xf32, #tpu.memory_space<vmem>>
    %dma_wait3A_153 = arith.constant 0 : i32
    %dma_wait3A_154 = arith.constant 0 : i32
    %dma_wait3A_155 = tpu.memref_slice %arg4[%add3A_75, %dma_wait3A_153, %dma_wait3A_154] : memref<51200x8x128xf32, #tpu.memory_space<hbm>> -> memref<1x8x128xf32, #tpu.memory_space<hbm>>
    %dma_wait3A_156 = tpu.memref_squeeze %dma_wait3A_155 : memref<1x8x128xf32, #tpu.memory_space<hbm>> -> memref<8x128xf32, #tpu.memory_space<hbm>>
    %dma_wait3A_157 = arith.constant 0 : i32
    %dma_wait3A_158 = arith.constant 0 : i32
    %dma_wait3A_159 = tpu.memref_slice %arg4[%add3A_75, %dma_wait3A_157, %dma_wait3A_158] : memref<51200x8x128xf32, #tpu.memory_space<hbm>> -> memref<1x8x128xf32, #tpu.memory_space<hbm>>
    %dma_wait3A_160 = tpu.memref_squeeze %dma_wait3A_159 : memref<1x8x128xf32, #tpu.memory_space<hbm>> -> memref<8x128xf32, #tpu.memory_space<hbm>>
    %dma_wait3A_161 = arith.constant 40 : i32
    %dma_wait3A_162 = arith.constant 0 : i32
    %dma_wait3A_163 = tpu.memref_slice %arg9[%dma_wait3A_161, %dma_wait3A_162] : memref<64x136xf32, #tpu.memory_space<vmem>> -> memref<8x128xf32, #tpu.memory_space<vmem>>
    tpu.wait_dma2 semaphore(%arg15 : memref<!tpu.dma_semaphore, #tpu.memory_space<semaphore_mem>>) src(%dma_wait3A_163 : memref<8x128xf32, #tpu.memory_space<vmem>>) dst(%dma_wait3A_160 : memref<8x128xf32, #tpu.memory_space<hbm>>)
    %dma_wait3A_164 = arith.constant 48 : i32
    %dma_wait3A_165 = arith.constant 0 : i32
    %dma_wait3A_166 = tpu.memref_slice %arg9[%dma_wait3A_164, %dma_wait3A_165] : memref<64x136xf32, #tpu.memory_space<vmem>> -> memref<8x128xf32, #tpu.memory_space<vmem>>
    %dma_wait3A_167 = arith.constant 0 : i32
    %dma_wait3A_168 = arith.constant 0 : i32
    %dma_wait3A_169 = tpu.memref_slice %arg4[%add3A_77, %dma_wait3A_167, %dma_wait3A_168] : memref<51200x8x128xf32, #tpu.memory_space<hbm>> -> memref<1x8x128xf32, #tpu.memory_space<hbm>>
    %dma_wait3A_170 = tpu.memref_squeeze %dma_wait3A_169 : memref<1x8x128xf32, #tpu.memory_space<hbm>> -> memref<8x128xf32, #tpu.memory_space<hbm>>
    %dma_wait3A_171 = arith.constant 0 : i32
    %dma_wait3A_172 = arith.constant 0 : i32
    %dma_wait3A_173 = tpu.memref_slice %arg4[%add3A_77, %dma_wait3A_171, %dma_wait3A_172] : memref<51200x8x128xf32, #tpu.memory_space<hbm>> -> memref<1x8x128xf32, #tpu.memory_space<hbm>>
    %dma_wait3A_174 = tpu.memref_squeeze %dma_wait3A_173 : memref<1x8x128xf32, #tpu.memory_space<hbm>> -> memref<8x128xf32, #tpu.memory_space<hbm>>
    %dma_wait3A_175 = arith.constant 48 : i32
    %dma_wait3A_176 = arith.constant 0 : i32
    %dma_wait3A_177 = tpu.memref_slice %arg9[%dma_wait3A_175, %dma_wait3A_176] : memref<64x136xf32, #tpu.memory_space<vmem>> -> memref<8x128xf32, #tpu.memory_space<vmem>>
    tpu.wait_dma2 semaphore(%arg15 : memref<!tpu.dma_semaphore, #tpu.memory_space<semaphore_mem>>) src(%dma_wait3A_177 : memref<8x128xf32, #tpu.memory_space<vmem>>) dst(%dma_wait3A_174 : memref<8x128xf32, #tpu.memory_space<hbm>>)
    %dma_wait3A_178 = arith.constant 56 : i32
    %dma_wait3A_179 = arith.constant 0 : i32
    %dma_wait3A_180 = tpu.memref_slice %arg9[%dma_wait3A_178, %dma_wait3A_179] : memref<64x136xf32, #tpu.memory_space<vmem>> -> memref<8x128xf32, #tpu.memory_space<vmem>>
    %dma_wait3A_181 = arith.constant 0 : i32
    %dma_wait3A_182 = arith.constant 0 : i32
    %dma_wait3A_183 = tpu.memref_slice %arg4[%add3A_79, %dma_wait3A_181, %dma_wait3A_182] : memref<51200x8x128xf32, #tpu.memory_space<hbm>> -> memref<1x8x128xf32, #tpu.memory_space<hbm>>
    %dma_wait3A_184 = tpu.memref_squeeze %dma_wait3A_183 : memref<1x8x128xf32, #tpu.memory_space<hbm>> -> memref<8x128xf32, #tpu.memory_space<hbm>>
    %dma_wait3A_185 = arith.constant 0 : i32
    %dma_wait3A_186 = arith.constant 0 : i32
    %dma_wait3A_187 = tpu.memref_slice %arg4[%add3A_79, %dma_wait3A_185, %dma_wait3A_186] : memref<51200x8x128xf32, #tpu.memory_space<hbm>> -> memref<1x8x128xf32, #tpu.memory_space<hbm>>
    %dma_wait3A_188 = tpu.memref_squeeze %dma_wait3A_187 : memref<1x8x128xf32, #tpu.memory_space<hbm>> -> memref<8x128xf32, #tpu.memory_space<hbm>>
    %dma_wait3A_189 = arith.constant 56 : i32
    %dma_wait3A_190 = arith.constant 0 : i32
    %dma_wait3A_191 = tpu.memref_slice %arg9[%dma_wait3A_189, %dma_wait3A_190] : memref<64x136xf32, #tpu.memory_space<vmem>> -> memref<8x128xf32, #tpu.memory_space<vmem>>
    tpu.wait_dma2 semaphore(%arg15 : memref<!tpu.dma_semaphore, #tpu.memory_space<semaphore_mem>>) src(%dma_wait3A_191 : memref<8x128xf32, #tpu.memory_space<vmem>>) dst(%dma_wait3A_188 : memref<8x128xf32, #tpu.memory_space<hbm>>)
    %add3A_192 = arith.constant 199 : i32
    %add3A_193 = arith.addi %mul3A_2, %add3A_192 : i32
    %jit3A_194 = arith.constant 128 : i32
    %div3A_195 = arith.divsi %add3A_193, %jit3A_194 : i32
    %sign3A_196 = arith.constant 0 : i32
    %sign3A_197 = arith.cmpi sgt, %add3A_193, %sign3A_196 : i32
    %sign3A_198 = arith.extui %sign3A_197 : i1 to i32
    %sign3A_199 = arith.constant 0 : i32
    %sign3A_200 = arith.cmpi slt, %add3A_193, %sign3A_199 : i32
    %sign3A_201 = arith.extui %sign3A_200 : i1 to i32
    %sign3A_202 = arith.subi %sign3A_198, %sign3A_201 : i32
    %sign3A_203 = arith.constant 0 : i32
    %sign3A_204 = arith.cmpi sgt, %jit3A_194, %sign3A_203 : i32
    %sign3A_205 = arith.extui %sign3A_204 : i1 to i32
    %sign3A_206 = arith.constant 0 : i32
    %sign3A_207 = arith.cmpi slt, %jit3A_194, %sign3A_206 : i32
    %sign3A_208 = arith.extui %sign3A_207 : i1 to i32
    %sign3A_209 = arith.subi %sign3A_205, %sign3A_208 : i32
    %ne3A_210 = arith.cmpi ne, %sign3A_202, %sign3A_209 : i32
    %rem3A_211 = arith.remsi %add3A_193, %jit3A_194 : i32
    %ne3A_212 = arith.constant 0 : i32
    %ne3A_213 = arith.cmpi ne, %rem3A_211, %ne3A_212 : i32
    %and3A_214 = arith.andi %ne3A_210, %ne3A_213 : i1
    %sub3A_215 = arith.constant 1 : i32
    %sub3A_216 = arith.subi %div3A_195, %sub3A_215 : i32
    %select_n3A_217 = arith.select %and3A_214, %sub3A_216, %div3A_195 : i32
    %rem3A_218 = arith.constant 128 : i32
    %rem3A_219 = arith.remsi %add3A_193, %rem3A_218 : i32
    %mul3A_220 = arith.constant 1024 : i32
    %mul3A_221 = arith.muli %select_n3A_217, %mul3A_220 : i32
    %add3A_222 = arith.addi %mul3A_221, %rem3A_219 : i32
    %add3A_223 = arith.constant 0 : i32
    %add3A_224 = arith.addi %add3A_222, %add3A_223 : i32
    %add3A_225 = arith.constant 128 : i32
    %add3A_226 = arith.addi %add3A_222, %add3A_225 : i32
    %add3A_227 = arith.constant 256 : i32
    %add3A_228 = arith.addi %add3A_222, %add3A_227 : i32
    %add3A_229 = arith.constant 384 : i32
    %add3A_230 = arith.addi %add3A_222, %add3A_229 : i32
    %add3A_231 = arith.constant 512 : i32
    %add3A_232 = arith.addi %add3A_222, %add3A_231 : i32
    %add3A_233 = arith.constant 640 : i32
    %add3A_234 = arith.addi %add3A_222, %add3A_233 : i32
    %add3A_235 = arith.constant 768 : i32
    %add3A_236 = arith.addi %add3A_222, %add3A_235 : i32
    %add3A_237 = arith.constant 896 : i32
    %add3A_238 = arith.addi %add3A_222, %add3A_237 : i32
    %dma_wait3A_239 = arith.constant 0 : i32
    %dma_wait3A_240 = arith.constant 0 : i32
    %dma_wait3A_241 = tpu.memref_slice %arg10[%dma_wait3A_239, %dma_wait3A_240] : memref<64x136xf32, #tpu.memory_space<vmem>> -> memref<8x128xf32, #tpu.memory_space<vmem>>
    %dma_wait3A_242 = arith.constant 0 : i32
    %dma_wait3A_243 = arith.constant 0 : i32
    %dma_wait3A_244 = tpu.memref_slice %arg4[%add3A_224, %dma_wait3A_242, %dma_wait3A_243] : memref<51200x8x128xf32, #tpu.memory_space<hbm>> -> memref<1x8x128xf32, #tpu.memory_space<hbm>>
    %dma_wait3A_245 = tpu.memref_squeeze %dma_wait3A_244 : memref<1x8x128xf32, #tpu.memory_space<hbm>> -> memref<8x128xf32, #tpu.memory_space<hbm>>
    %dma_wait3A_246 = arith.constant 0 : i32
    %dma_wait3A_247 = arith.constant 0 : i32
    %dma_wait3A_248 = tpu.memref_slice %arg4[%add3A_224, %dma_wait3A_246, %dma_wait3A_247] : memref<51200x8x128xf32, #tpu.memory_space<hbm>> -> memref<1x8x128xf32, #tpu.memory_space<hbm>>
    %dma_wait3A_249 = tpu.memref_squeeze %dma_wait3A_248 : memref<1x8x128xf32, #tpu.memory_space<hbm>> -> memref<8x128xf32, #tpu.memory_space<hbm>>
    %dma_wait3A_250 = arith.constant 0 : i32
    %dma_wait3A_251 = arith.constant 0 : i32
    %dma_wait3A_252 = tpu.memref_slice %arg10[%dma_wait3A_250, %dma_wait3A_251] : memref<64x136xf32, #tpu.memory_space<vmem>> -> memref<8x128xf32, #tpu.memory_space<vmem>>
    tpu.wait_dma2 semaphore(%arg16 : memref<!tpu.dma_semaphore, #tpu.memory_space<semaphore_mem>>) src(%dma_wait3A_252 : memref<8x128xf32, #tpu.memory_space<vmem>>) dst(%dma_wait3A_249 : memref<8x128xf32, #tpu.memory_space<hbm>>)
    %dma_wait3A_253 = arith.constant 8 : i32
    %dma_wait3A_254 = arith.constant 0 : i32
    %dma_wait3A_255 = tpu.memref_slice %arg10[%dma_wait3A_253, %dma_wait3A_254] : memref<64x136xf32, #tpu.memory_space<vmem>> -> memref<8x128xf32, #tpu.memory_space<vmem>>
    %dma_wait3A_256 = arith.constant 0 : i32
    %dma_wait3A_257 = arith.constant 0 : i32
    %dma_wait3A_258 = tpu.memref_slice %arg4[%add3A_226, %dma_wait3A_256, %dma_wait3A_257] : memref<51200x8x128xf32, #tpu.memory_space<hbm>> -> memref<1x8x128xf32, #tpu.memory_space<hbm>>
    %dma_wait3A_259 = tpu.memref_squeeze %dma_wait3A_258 : memref<1x8x128xf32, #tpu.memory_space<hbm>> -> memref<8x128xf32, #tpu.memory_space<hbm>>
    %dma_wait3A_260 = arith.constant 0 : i32
    %dma_wait3A_261 = arith.constant 0 : i32
    %dma_wait3A_262 = tpu.memref_slice %arg4[%add3A_226, %dma_wait3A_260, %dma_wait3A_261] : memref<51200x8x128xf32, #tpu.memory_space<hbm>> -> memref<1x8x128xf32, #tpu.memory_space<hbm>>
    %dma_wait3A_263 = tpu.memref_squeeze %dma_wait3A_262 : memref<1x8x128xf32, #tpu.memory_space<hbm>> -> memref<8x128xf32, #tpu.memory_space<hbm>>
    %dma_wait3A_264 = arith.constant 8 : i32
    %dma_wait3A_265 = arith.constant 0 : i32
    %dma_wait3A_266 = tpu.memref_slice %arg10[%dma_wait3A_264, %dma_wait3A_265] : memref<64x136xf32, #tpu.memory_space<vmem>> -> memref<8x128xf32, #tpu.memory_space<vmem>>
    tpu.wait_dma2 semaphore(%arg16 : memref<!tpu.dma_semaphore, #tpu.memory_space<semaphore_mem>>) src(%dma_wait3A_266 : memref<8x128xf32, #tpu.memory_space<vmem>>) dst(%dma_wait3A_263 : memref<8x128xf32, #tpu.memory_space<hbm>>)
    %dma_wait3A_267 = arith.constant 16 : i32
    %dma_wait3A_268 = arith.constant 0 : i32
    %dma_wait3A_269 = tpu.memref_slice %arg10[%dma_wait3A_267, %dma_wait3A_268] : memref<64x136xf32, #tpu.memory_space<vmem>> -> memref<8x128xf32, #tpu.memory_space<vmem>>
    %dma_wait3A_270 = arith.constant 0 : i32
    %dma_wait3A_271 = arith.constant 0 : i32
    %dma_wait3A_272 = tpu.memref_slice %arg4[%add3A_228, %dma_wait3A_270, %dma_wait3A_271] : memref<51200x8x128xf32, #tpu.memory_space<hbm>> -> memref<1x8x128xf32, #tpu.memory_space<hbm>>
    %dma_wait3A_273 = tpu.memref_squeeze %dma_wait3A_272 : memref<1x8x128xf32, #tpu.memory_space<hbm>> -> memref<8x128xf32, #tpu.memory_space<hbm>>
    %dma_wait3A_274 = arith.constant 0 : i32
    %dma_wait3A_275 = arith.constant 0 : i32
    %dma_wait3A_276 = tpu.memref_slice %arg4[%add3A_228, %dma_wait3A_274, %dma_wait3A_275] : memref<51200x8x128xf32, #tpu.memory_space<hbm>> -> memref<1x8x128xf32, #tpu.memory_space<hbm>>
    %dma_wait3A_277 = tpu.memref_squeeze %dma_wait3A_276 : memref<1x8x128xf32, #tpu.memory_space<hbm>> -> memref<8x128xf32, #tpu.memory_space<hbm>>
    %dma_wait3A_278 = arith.constant 16 : i32
    %dma_wait3A_279 = arith.constant 0 : i32
    %dma_wait3A_280 = tpu.memref_slice %arg10[%dma_wait3A_278, %dma_wait3A_279] : memref<64x136xf32, #tpu.memory_space<vmem>> -> memref<8x128xf32, #tpu.memory_space<vmem>>
    tpu.wait_dma2 semaphore(%arg16 : memref<!tpu.dma_semaphore, #tpu.memory_space<semaphore_mem>>) src(%dma_wait3A_280 : memref<8x128xf32, #tpu.memory_space<vmem>>) dst(%dma_wait3A_277 : memref<8x128xf32, #tpu.memory_space<hbm>>)
    %dma_wait3A_281 = arith.constant 24 : i32
    %dma_wait3A_282 = arith.constant 0 : i32
    %dma_wait3A_283 = tpu.memref_slice %arg10[%dma_wait3A_281, %dma_wait3A_282] : memref<64x136xf32, #tpu.memory_space<vmem>> -> memref<8x128xf32, #tpu.memory_space<vmem>>
    %dma_wait3A_284 = arith.constant 0 : i32
    %dma_wait3A_285 = arith.constant 0 : i32
    %dma_wait3A_286 = tpu.memref_slice %arg4[%add3A_230, %dma_wait3A_284, %dma_wait3A_285] : memref<51200x8x128xf32, #tpu.memory_space<hbm>> -> memref<1x8x128xf32, #tpu.memory_space<hbm>>
    %dma_wait3A_287 = tpu.memref_squeeze %dma_wait3A_286 : memref<1x8x128xf32, #tpu.memory_space<hbm>> -> memref<8x128xf32, #tpu.memory_space<hbm>>
    %dma_wait3A_288 = arith.constant 0 : i32
    %dma_wait3A_289 = arith.constant 0 : i32
    %dma_wait3A_290 = tpu.memref_slice %arg4[%add3A_230, %dma_wait3A_288, %dma_wait3A_289] : memref<51200x8x128xf32, #tpu.memory_space<hbm>> -> memref<1x8x128xf32, #tpu.memory_space<hbm>>
    %dma_wait3A_291 = tpu.memref_squeeze %dma_wait3A_290 : memref<1x8x128xf32, #tpu.memory_space<hbm>> -> memref<8x128xf32, #tpu.memory_space<hbm>>
    %dma_wait3A_292 = arith.constant 24 : i32
    %dma_wait3A_293 = arith.constant 0 : i32
    %dma_wait3A_294 = tpu.memref_slice %arg10[%dma_wait3A_292, %dma_wait3A_293] : memref<64x136xf32, #tpu.memory_space<vmem>> -> memref<8x128xf32, #tpu.memory_space<vmem>>
    tpu.wait_dma2 semaphore(%arg16 : memref<!tpu.dma_semaphore, #tpu.memory_space<semaphore_mem>>) src(%dma_wait3A_294 : memref<8x128xf32, #tpu.memory_space<vmem>>) dst(%dma_wait3A_291 : memref<8x128xf32, #tpu.memory_space<hbm>>)
    %dma_wait3A_295 = arith.constant 32 : i32
    %dma_wait3A_296 = arith.constant 0 : i32
    %dma_wait3A_297 = tpu.memref_slice %arg10[%dma_wait3A_295, %dma_wait3A_296] : memref<64x136xf32, #tpu.memory_space<vmem>> -> memref<8x128xf32, #tpu.memory_space<vmem>>
    %dma_wait3A_298 = arith.constant 0 : i32
    %dma_wait3A_299 = arith.constant 0 : i32
    %dma_wait3A_300 = tpu.memref_slice %arg4[%add3A_232, %dma_wait3A_298, %dma_wait3A_299] : memref<51200x8x128xf32, #tpu.memory_space<hbm>> -> memref<1x8x128xf32, #tpu.memory_space<hbm>>
    %dma_wait3A_301 = tpu.memref_squeeze %dma_wait3A_300 : memref<1x8x128xf32, #tpu.memory_space<hbm>> -> memref<8x128xf32, #tpu.memory_space<hbm>>
    %dma_wait3A_302 = arith.constant 0 : i32
    %dma_wait3A_303 = arith.constant 0 : i32
    %dma_wait3A_304 = tpu.memref_slice %arg4[%add3A_232, %dma_wait3A_302, %dma_wait3A_303] : memref<51200x8x128xf32, #tpu.memory_space<hbm>> -> memref<1x8x128xf32, #tpu.memory_space<hbm>>
    %dma_wait3A_305 = tpu.memref_squeeze %dma_wait3A_304 : memref<1x8x128xf32, #tpu.memory_space<hbm>> -> memref<8x128xf32, #tpu.memory_space<hbm>>
    %dma_wait3A_306 = arith.constant 32 : i32
    %dma_wait3A_307 = arith.constant 0 : i32
    %dma_wait3A_308 = tpu.memref_slice %arg10[%dma_wait3A_306, %dma_wait3A_307] : memref<64x136xf32, #tpu.memory_space<vmem>> -> memref<8x128xf32, #tpu.memory_space<vmem>>
    tpu.wait_dma2 semaphore(%arg16 : memref<!tpu.dma_semaphore, #tpu.memory_space<semaphore_mem>>) src(%dma_wait3A_308 : memref<8x128xf32, #tpu.memory_space<vmem>>) dst(%dma_wait3A_305 : memref<8x128xf32, #tpu.memory_space<hbm>>)
    %dma_wait3A_309 = arith.constant 40 : i32
    %dma_wait3A_310 = arith.constant 0 : i32
    %dma_wait3A_311 = tpu.memref_slice %arg10[%dma_wait3A_309, %dma_wait3A_310] : memref<64x136xf32, #tpu.memory_space<vmem>> -> memref<8x128xf32, #tpu.memory_space<vmem>>
    %dma_wait3A_312 = arith.constant 0 : i32
    %dma_wait3A_313 = arith.constant 0 : i32
    %dma_wait3A_314 = tpu.memref_slice %arg4[%add3A_234, %dma_wait3A_312, %dma_wait3A_313] : memref<51200x8x128xf32, #tpu.memory_space<hbm>> -> memref<1x8x128xf32, #tpu.memory_space<hbm>>
    %dma_wait3A_315 = tpu.memref_squeeze %dma_wait3A_314 : memref<1x8x128xf32, #tpu.memory_space<hbm>> -> memref<8x128xf32, #tpu.memory_space<hbm>>
    %dma_wait3A_316 = arith.constant 0 : i32
    %dma_wait3A_317 = arith.constant 0 : i32
    %dma_wait3A_318 = tpu.memref_slice %arg4[%add3A_234, %dma_wait3A_316, %dma_wait3A_317] : memref<51200x8x128xf32, #tpu.memory_space<hbm>> -> memref<1x8x128xf32, #tpu.memory_space<hbm>>
    %dma_wait3A_319 = tpu.memref_squeeze %dma_wait3A_318 : memref<1x8x128xf32, #tpu.memory_space<hbm>> -> memref<8x128xf32, #tpu.memory_space<hbm>>
    %dma_wait3A_320 = arith.constant 40 : i32
    %dma_wait3A_321 = arith.constant 0 : i32
    %dma_wait3A_322 = tpu.memref_slice %arg10[%dma_wait3A_320, %dma_wait3A_321] : memref<64x136xf32, #tpu.memory_space<vmem>> -> memref<8x128xf32, #tpu.memory_space<vmem>>
    tpu.wait_dma2 semaphore(%arg16 : memref<!tpu.dma_semaphore, #tpu.memory_space<semaphore_mem>>) src(%dma_wait3A_322 : memref<8x128xf32, #tpu.memory_space<vmem>>) dst(%dma_wait3A_319 : memref<8x128xf32, #tpu.memory_space<hbm>>)
    %dma_wait3A_323 = arith.constant 48 : i32
    %dma_wait3A_324 = arith.constant 0 : i32
    %dma_wait3A_325 = tpu.memref_slice %arg10[%dma_wait3A_323, %dma_wait3A_324] : memref<64x136xf32, #tpu.memory_space<vmem>> -> memref<8x128xf32, #tpu.memory_space<vmem>>
    %dma_wait3A_326 = arith.constant 0 : i32
    %dma_wait3A_327 = arith.constant 0 : i32
    %dma_wait3A_328 = tpu.memref_slice %arg4[%add3A_236, %dma_wait3A_326, %dma_wait3A_327] : memref<51200x8x128xf32, #tpu.memory_space<hbm>> -> memref<1x8x128xf32, #tpu.memory_space<hbm>>
    %dma_wait3A_329 = tpu.memref_squeeze %dma_wait3A_328 : memref<1x8x128xf32, #tpu.memory_space<hbm>> -> memref<8x128xf32, #tpu.memory_space<hbm>>
    %dma_wait3A_330 = arith.constant 0 : i32
    %dma_wait3A_331 = arith.constant 0 : i32
    %dma_wait3A_332 = tpu.memref_slice %arg4[%add3A_236, %dma_wait3A_330, %dma_wait3A_331] : memref<51200x8x128xf32, #tpu.memory_space<hbm>> -> memref<1x8x128xf32, #tpu.memory_space<hbm>>
    %dma_wait3A_333 = tpu.memref_squeeze %dma_wait3A_332 : memref<1x8x128xf32, #tpu.memory_space<hbm>> -> memref<8x128xf32, #tpu.memory_space<hbm>>
    %dma_wait3A_334 = arith.constant 48 : i32
    %dma_wait3A_335 = arith.constant 0 : i32
    %dma_wait3A_336 = tpu.memref_slice %arg10[%dma_wait3A_334, %dma_wait3A_335] : memref<64x136xf32, #tpu.memory_space<vmem>> -> memref<8x128xf32, #tpu.memory_space<vmem>>
    tpu.wait_dma2 semaphore(%arg16 : memref<!tpu.dma_semaphore, #tpu.memory_space<semaphore_mem>>) src(%dma_wait3A_336 : memref<8x128xf32, #tpu.memory_space<vmem>>) dst(%dma_wait3A_333 : memref<8x128xf32, #tpu.memory_space<hbm>>)
    %dma_wait3A_337 = arith.constant 56 : i32
    %dma_wait3A_338 = arith.constant 0 : i32
    %dma_wait3A_339 = tpu.memref_slice %arg10[%dma_wait3A_337, %dma_wait3A_338] : memref<64x136xf32, #tpu.memory_space<vmem>> -> memref<8x128xf32, #tpu.memory_space<vmem>>
    %dma_wait3A_340 = arith.constant 0 : i32
    %dma_wait3A_341 = arith.constant 0 : i32
    %dma_wait3A_342 = tpu.memref_slice %arg4[%add3A_238, %dma_wait3A_340, %dma_wait3A_341] : memref<51200x8x128xf32, #tpu.memory_space<hbm>> -> memref<1x8x128xf32, #tpu.memory_space<hbm>>
    %dma_wait3A_343 = tpu.memref_squeeze %dma_wait3A_342 : memref<1x8x128xf32, #tpu.memory_space<hbm>> -> memref<8x128xf32, #tpu.memory_space<hbm>>
    %dma_wait3A_344 = arith.constant 0 : i32
    %dma_wait3A_345 = arith.constant 0 : i32
    %dma_wait3A_346 = tpu.memref_slice %arg4[%add3A_238, %dma_wait3A_344, %dma_wait3A_345] : memref<51200x8x128xf32, #tpu.memory_space<hbm>> -> memref<1x8x128xf32, #tpu.memory_space<hbm>>
    %dma_wait3A_347 = tpu.memref_squeeze %dma_wait3A_346 : memref<1x8x128xf32, #tpu.memory_space<hbm>> -> memref<8x128xf32, #tpu.memory_space<hbm>>
    %dma_wait3A_348 = arith.constant 56 : i32
    %dma_wait3A_349 = arith.constant 0 : i32
    %dma_wait3A_350 = tpu.memref_slice %arg10[%dma_wait3A_348, %dma_wait3A_349] : memref<64x136xf32, #tpu.memory_space<vmem>> -> memref<8x128xf32, #tpu.memory_space<vmem>>
    tpu.wait_dma2 semaphore(%arg16 : memref<!tpu.dma_semaphore, #tpu.memory_space<semaphore_mem>>) src(%dma_wait3A_350 : memref<8x128xf32, #tpu.memory_space<vmem>>) dst(%dma_wait3A_347 : memref<8x128xf32, #tpu.memory_space<hbm>>)
    return
  }
}

</mosaic_0001>

<sc_bundles>
// kernel: kernel.3.cloned.1.call-start
scs
__scs_entry_jumppad:
0x0: {  	(pc) =	sbr.rel $0x88, $3  }
0x1: {  	(tag) =	ssettag $0x0;
	lr =	simm.s32 $0x1  }
0x2: {  	[smem:$0x3F9F] =	sst lr;
	_ =	strace $0xD0000000  }
0x3: {  	_ = 	snop  }
0x4: {  	_ = 	snop  }
0x5: {  	_ = 	snop  }
0x6: {  	_ = 	snop  }
0x7: {  	_ = 	snop  }
__scs_overlays_trampoline_lowered:
0x8: {  	[smem:$0x3FAE] =	sst s0  }
0x9: {  	[smem:$0x3FAF] =	sst s1  }
0xa: {  	[smem:$0x3FB0] =	sst s2  }
0xb: {  	[smem:$0x3FB1] =	sst s3  }
0xc: {  	[smem:$0x3FB2] =	sst s4  }
0xd: {  	[smem:$0x3FB3] =	sst s5  }
0xe: {  	[smem:$0x3FB4] =	sst s6  }
0xf: {  	[smem:$0x3FB5] =	sst s7  }
0x10: {  	[smem:$0x3FB6] =	sst s8  }
0x11: {  	[smem:$0x3FB7] =	sst s9;
	s0 =	simm.s32 @!p0 $0x0  }
0x12: {  	s1 =	sld [smem:$0x3F9D];
	s0 =	simm.s32 @p0 $0x1  }
0x13: {  	[smem:$0x3FB8] =	sst s0;
	s0 =	simm.s32 @!p1 $0x0  }
0x14: {  	s2 =	sld [smem:$0x3F9C];
	s0 =	simm.s32 @p1 $0x1  }
0x15: {  	[smem:$0x3FB9] =	sst s0;
	s0 =	simm.s32 @!p2 $0x0  }
0x16: {  	s3 =	sld [smem:$0x3FDB];
	s0 =	simm.s32 @p2 $0x1  }
0x17: {  	s4 =	simm.s32 $0x1BF5;
	[smem:$0x3FBB] =	sst s0  }
0x18: {  	s0 =	sld [smem:$0x3F9E];
	_ =	swait.ge [sflag:s4], $0x0  }
0x19: {  	s7 =	sld [smem:$0x3F9F]  }
0x1a: {  	s8 =	sadd.s32 $0xFFFFE003, lr  }
0x1b: {  	s9 =	sadd.s32 $0xFFFFFEF7, lr;
	s5 =	simm.s32 $0xFFFFFFFF;
	p2 =	slt.u32 s8, $0xFFFFF086  }
0x1c: {  	p1 =	slt.u32 s9, $0xF7A;
	s5 =	simm.s32 @!p2 $0x0  }
0x1d: {  	s5 =	simm.s32 @p1 $0x1;
	p0 =	seq.s32 s7, s2  }
0x1e: {  	s7 =	smul.u32 @!p0 $0xF7A, s2;
	p2 =	seq.s32 @!p0 s5, $0x0  }
0x1f: {  	s9 =	smul.u32 $0xF7A, s1;
	s8 =	simm.s32 @!p0 $0x1BF5;
	p2 =	por !p2, p0  }
0x20: {  	[sflag:s8] =	ssyncset.s32 @!p0 $0xFFFFF086;
	s6 =	sadd.s32 @!p0 s3, s7;
	s7 =	simm.s32 @!p0 $0x108  }
0x21: {  	s3 =	sadd.s32 s3, s9;
	s6 =	sadd.s32 @!p0 $0x88, s6;
	s7 =	simm.s32 @p2 $0x1082  }
0x22: {  	[simem:s7], [sflag:s8] =	dma.local @!p0 [hbm:s6], $0xF7A  }
0x23: {  	s9 =	sor.u32 $0xD0000000, s2;
	s6 =	simm.s32 $0x108;
	_ =	swait.ge @!p0 [sflag:s8], $0x0  }
0x24: {  	s3 =	sadd.s32 $0x88, s3;
	s6 =	simm.s32 @!p1 $0x1082;
	[sflag:s4] =	ssyncset.s32 $0xFFFFF086  }
0x25: {  	[simem:s6], [sflag:s4] =	dma.local [hbm:s3], $0xF7A  }
0x26: {  	[smem:$0x3F9F] =	sst s1;
	(tag) =	ssettag s2;
	_ =	strace s9  }
0x27: {  	s1 =	sld [smem:$0x3FAF]  }
0x28: {  	s2 =	sld [smem:$0x3FB0]  }
0x29: {  	s4 =	sld [smem:$0x3FB2]  }
0x2a: {  	p0 =	seq.s32 s5, $0x0;
	s5 =	sld [smem:$0x3FB3]  }
0x2b: {  	s6 =	sld [smem:$0x3FB4]  }
0x2c: {  	s7 =	sld [smem:$0x3FB5]  }
0x2d: {  	s3 =	simm.s32 $0x108;
	s8 =	sld [smem:$0x3FB6]  }
0x2e: {  	s3 =	simm.s32 @!p0 $0x1082;
	s9 =	sld [smem:$0x3FB7]  }
0x2f: {  	lr =	sadd.s32 s0, s3;
	s0 =	sld [smem:$0x3FAE]  }
0x30: {  	s3 =	sld [smem:$0x3FB1]  }
0x31: {  	[smem:$0x3FBA] =	sst s10  }
0x32: {  	s10 =	sld [smem:$0x3FB8];
	_ =	sdelay $0x3  }
0x33: {  	p0 =	seq.s32 s10, $0x1;
	s10 =	sld [smem:$0x3FBA];
	_ =	sdelay $0x3  }
0x34: {  	[smem:$0x3FBA] =	sst s10  }
0x35: {  	s10 =	sld [smem:$0x3FB9];
	_ =	sdelay $0x3  }
0x36: {  	p1 =	seq.s32 s10, $0x1;
	s10 =	sld [smem:$0x3FBA];
	_ =	sdelay $0x3  }
0x37: {  	[smem:$0x3FBA] =	sst s10  }
0x38: {  	s10 =	sld [smem:$0x3FBB]  }
0x39: {  	_ = 	snop;
	(pc) =	sbr.ind lr, $3  }
0x3a: {  	_ = 	snop  }
0x3b: {  	_ = 	snop  }
0x3c: {  	p2 =	seq.s32 s10, $0x1;
	s10 =	sld [smem:$0x3FBA]  }
0x3d: {  	_ =	shalt  }
0x3e: {  	_ =	shalt  }
0x3f: {  	_ =	shalt  }
0x40: {  	_ =	shalt  }
0x41: {  	_ =	shalt  }
0x42: {  	_ =	shalt  }
0x43: {  	_ =	shalt  }
0x44: {  	_ =	shalt  }
0x45: {  	_ =	shalt  }
0x46: {  	_ =	shalt  }
0x47: {  	_ =	shalt  }
0x48: {  	_ =	shalt  }
0x49: {  	_ =	shalt  }
0x4a: {  	_ =	shalt  }
0x4b: {  	_ =	shalt  }
0x4c: {  	_ =	shalt  }
0x4d: {  	_ =	shalt  }
0x4e: {  	_ =	shalt  }
0x4f: {  	_ =	shalt  }
0x50: {  	_ =	shalt  }
0x51: {  	_ =	shalt  }
0x52: {  	_ =	shalt  }
0x53: {  	_ =	shalt  }
0x54: {  	_ =	shalt  }
0x55: {  	_ =	shalt  }
0x56: {  	_ =	shalt  }
0x57: {  	_ =	shalt  }
0x58: {  	_ =	shalt  }
0x59: {  	_ =	shalt  }
0x5a: {  	_ =	shalt  }
0x5b: {  	_ =	shalt  }
0x5c: {  	_ =	shalt  }
0x5d: {  	_ =	shalt  }
0x5e: {  	_ =	shalt  }
0x5f: {  	_ =	shalt  }
0x60: {  	_ =	shalt  }
0x61: {  	_ =	shalt  }
0x62: {  	_ =	shalt  }
0x63: {  	_ =	shalt  }
0x64: {  	_ =	shalt  }
0x65: {  	_ =	shalt  }
0x66: {  	_ =	shalt  }
0x67: {  	_ =	shalt  }
0x68: {  	_ =	shalt  }
0x69: {  	_ =	shalt  }
0x6a: {  	_ =	shalt  }
0x6b: {  	_ =	shalt  }
0x6c: {  	_ =	shalt  }
0x6d: {  	_ =	shalt  }
0x6e: {  	_ =	shalt  }
0x6f: {  	_ =	shalt  }
0x70: {  	_ =	shalt  }
0x71: {  	_ =	shalt  }
0x72: {  	_ =	shalt  }
0x73: {  	_ =	shalt  }
0x74: {  	_ =	shalt  }
0x75: {  	_ =	shalt  }
0x76: {  	_ =	shalt  }
0x77: {  	_ =	shalt  }
0x78: {  	_ =	shalt  }
0x79: {  	_ =	shalt  }
0x7a: {  	_ =	shalt  }
0x7b: {  	_ =	shalt  }
0x7c: {  	_ =	shalt  }
0x7d: {  	_ =	shalt  }
0x7e: {  	_ =	shalt  }
0x7f: {  	_ =	shalt  }
0x80: {  	_ =	shalt  }
0x81: {  	_ =	shalt  }
0x82: {  	_ =	shalt  }
0x83: {  	_ =	shalt  }
0x84: {  	_ =	shalt  }
0x85: {  	_ =	shalt  }
0x86: {  	_ =	shalt  }
0x87: {  	_ =	shalt  }
.Lfunc_end0:
.L_simem_size_0:
called_computation_lowered:
.L_overlay_start_0:
0x88: {  	s2 =	sld [smem:$0x3FD9]  }
0x89: {  	s3 =	sld [smem:$0x3FFE];
	_ =	sdelay $0x1  }
0x8a: {  	s1 =	srdreg.scid  }
0x8b: {  	s0 =	sand.u32 $0x1, s1  }
0x8c: {  	s17 =	sshll.u32 s0, $0xA;
	s2 =	sadd.s32 s3, s2  }
0x8d: {  	s2 =	sadd.s32 s2, s17  }
0x8e: {  	[smem:$0x3FC6] =	sst s2  }
0x8f: {  	_ = 	snop  }
0x90: {  	s2 =	sld [smem:$0x3FD0];
	(tm) =	ssettm $0x1  }
0x91: {  	s18 =	sld [smem:$0x3FFB];
	_ =	sdelay $0x3  }
0x92: {  	_ =	strace s18  }
0x93: {  	s3 =	sld [smem:$0x3FFC];
	_ =	sdelay $0x3  }
0x94: {  	_ =	strace s3  }
0x95: {  	s3 =	sld [smem:$0x3FFD];
	_ =	sdelay $0x3  }
0x96: {  	_ =	strace s3  }
0x97: {  	_ =	strace $0x8FFFFFFF  }
0x98: {  	s19 =	sld [smem:$0x3FDB];
	_ =	sdelay $0x1  }
0x99: {  	s4 =	simm.s32 $_scs_section_size  }
0x9a: {  	s5 =	simm.s32 $_size__tile_overlayer_lowered;
	s6 =	simm.s32 $_tile_overlayer_lowered  }
0x9b: {  	s22 =	simm.s32 $0x1BFF;
	s21 =	sshll.u32 s6, $0x1;
	s3 =	sadd.s32 s4, s19  }
0x9c: {  	s7 =	simm.s32 $0x0;
	s20 =	sshll.u32 s5, $0x1;
	s5 =	sadd.s32 s21, s3  }
0x9d: {  	[timem:s7], [sflag:s22] =	dma.local [hbm:s5], s20  }
0x9e: {  	_ =	swait.ge [sflag:s22], s20  }
0x9f: {  	s4 =	ssub.s32 $0x0, s20;
	[sflag:s22] =	ssyncset.done $0x0  }
0xa0: {  	[sflag:s22] =	ssyncadd.s32 s4;
	_ =	sdelay $0x1  }
0xa1: {  	s23 =	simm.s32 $0x1B8B  }
0xa2: {  	_ =	swait.ge [sflag:s23], $0x1  }
0xa3: {  	[sflag:s23] =	ssyncset.done $0x0  }
0xa4: {  	s25 =	simm.s32 $0x1B8E;
	s24 =	sld [smem:$0x3FFE];
	[sflag:s23] =	ssyncadd.s32 $0xFFFFFFFF  }
0xa5: {  	s26 =	simm.s32 $execute0_lowered;
	[smem:$0x3FD2] =	sst s25  }
0xa6: {  	s5 =	sshll.u32 s26, $0x1;
	_ =	strace $0x80000046;
	[dreg:$0x1] =	wrdreg $0xFFFFFFFF  }
0xa7: {  	s28 =	simm.s32 $_size_execute0_lowered;
	s3 =	sadd.s32 s3, s5;
	[dreg:$0x0] =	wrdreg $0x0  }
0xa8: {  	s5 =	sshll.u32 s28, $0x1;
	[dreg:$0x2] =	wrdreg s3  }
0xa9: {  	[dreg:$0x3] =	wrdreg s5  }
0xaa: {  	[dreg:$0x4] =	wrdreg $0xC0  }
0xab: {  	_ =	task [dreg:s7], $0x5FFFF  }
0xac: {  	[dreg:$0x1] =	wrdreg $0xFFFFFFFF  }
0xad: {  	[dreg:$0x0] =	wrdreg $0x60  }
0xae: {  	[dreg:$0x2] =	wrdreg s24  }
0xaf: {  	[dreg:$0x3] =	wrdreg s2  }
0xb0: {  	[dreg:$0x4] =	wrdreg $0x9  }
0xb1: {  	_ =	task.clear_ibuf [dreg:s7], $0x5FFFF;
	_ =	strace $0x90000046  }
0xb2: {  	s29 =	simm.s32 $0x9;
	_ =	strace $0x80000048  }
0xb3: {  	_ =	swait.ge [sflag:s29], $0x1  }
0xb4: {  	[sflag:s29] =	ssyncadd.s32 $0xFFFFFFFF  }
0xb5: {  	_ =	strace $0x90000048  }
0xb6: {  	_ =	sfence  }
0xb7: {  	s30 =	sld [smem:$0x0];
	_ =	sdelay $0x2  }
0xb8: {  	s31 =	sshll.u32 s1, $0xD;
	s1 =	sshrl.u32 s1, $0x2  }
0xb9: {  	s3 =	sand.u32 $0x4000, s31;
	s1 =	sadd.s32 s1, s30  }
0xba: {  	s0 =	sor.u32 s3, s0;
	s1 =	sshll.u32 s1, $0x11  }
0xbb: {  	s0 =	sor.u32 s1, s0  }
0xbc: {  	s0 =	sadd.s32 $0x8F2B, s0  }
0xbd: {  	[sflag:s0] =	ssyncadd.remote.s32 $0x1  }
0xbe: {  	_ =	sfence.sel $0xFFFF  }
0xbf: {  	[dreg:$0x0] =	wrdreg $0xFFFFFFFF;
	(pc) =	sbr.abs _section_cstart, $3  }
0xc0: {  	[dreg:$0x1] =	wrdreg $0xFFFFFFFF  }
0xc1: {  	_ =	task.clear_ibuf [dreg:s7], $0x2FFFF;
	_ =	strace $0x9FFFFFFF  }
0xc2: {  	(tm) =	ssettm $0x7FFFFFFF  }
0xc3: {  	_ =	shalt  }
tec
execute0_lowered:
.L_overlay_start_1:
0x0: {  	(tag) =	ssettag $0x1  }
0x1: {  	s0 =	rddreg [dreg:$0x0];
	v0 =	vlaneseq.u32  }
0x2: {  	s2 =	rddreg [dreg:$0x1];
	s3 =	simm.s32 $0x0;
	v2 =	vmul.u32 $0x88, v0  }
0x3: {  	s1 =	srdreg.scid;
	[smem:$0x7FF] =	sst s3  }
0x4: {  	s4 =	stileid.u32;
	s19 =	simm.s32 $0x80;
	_ =	strace $0x80000047;
	v0 =	vadd.s32 $0x1987, v2;
	[tilespmem:$0x1FF50] =	vst v2  }
0x5: {  	s20 =	simm.s32 $0x1;
	s22 =	simm.s32 $0x2;
	s24 =	simm.s32 $0x3;
	v13 =	vadd.s32 $0x1982, v2;
	[tilespmem:$0x1FF30] =	vst v0  }
0x6: {  	s25 =	simm.s32 $0x4100;
	s30 =	simm.s32 $0x4;
	s31 =	simm.s32 $0x6300;
	v1 =	vimm.s32 $0x0;
	vm0 =	vcmask $0x300;
	v22 =	vadd.s32 $0x1984, v2;
	[tilespmem:$0x1FF40] =	vst v13  }
0x7: {  	s8 =	simm.s32 $0x8478;
	s18 =	simm.s32 $0x5;
	s1 =	sand.u32 $0x1, s1;
	v1 =	vsel vm0, $0x3, v1;
	v6 =	vor.u32 $0x1, v2;
	[tilespmem:$0x1FF60] =	vst v22  }
0x8: {  	s4 =	sshll.u32 s4, $0x1;
	s6 =	sadd.s32 $0xF42A00, s0;
	s10 =	sadd.s32 $0x4000, s2;
	v3 =	vadd.s32 $0x880, v2;
	v4 =	vadd.s32 $0x1100, v2;
	v10 =	vor.u32 $0x2, v2;
	[tilespmem:$0x1FF70] =	vst v6  }
0x9: {  	s11 =	sadd.s32 $0x8000, s2;
	s12 =	sadd.s32 $0xC000, s2;
	s13 =	sadd.s32 $0x10000, s2;
	v5 =	vadd.s32 $0x1980, v2;
	v7 =	vadd.s32 $0x881, v2;
	v19 =	vor.u32 $0x6, v2;
	[tilespmem:$0x1FF80] =	vst v10  }
0xa: {  	s14 =	sadd.s32 $0x14000, s2;
	s15 =	sadd.s32 $0x18000, s2;
	s5 =	sor.u32 s1, s4;
	v8 =	vadd.s32 $0x1101, v2;
	v9 =	vadd.s32 $0x1981, v2;
	v29 =	vadd.s32 $0x1986, v2;
	[tilespmem:$0x1FF90] =	vst v19  }
0xb: {  	s16 =	sadd.s32 $0x1C000, s2;
	s1 =	ssub.s32 $0x2, s1;
	s7 =	smul.u32 $0xC80, s5;
	v11 =	vadd.s32 $0x882, v2;
	v12 =	vadd.s32 $0x1102, v2;
	v30 =	vor.u32 $0x7, v2;
	[tilespmem:$0x1FFA0] =	vst v29  }
.Ltmp0:
0xc: {  	s4 =	sadd.s32 $0x600, s0;
	s28 =	sshrl.u32 s1, $0x1;
	v14 =	vor.u32 $0x3, v2;
	v15 =	vadd.s32 $0x883, v2;
	v17 =	vadd.s32 $0x1983, v2;
	[tilespmem:$0x1FFB0] =	vst v30;
	(pc) =	sbr.rel .LBB2_1-.Ltmp0, $4  }
0xd: {  	s5 =	smul.u32 $0xC8, s5;
	v16 =	vadd.s32 $0x1103, v2;
	v18 =	vor.u32 $0x4, v2;
	v26 =	vadd.s32 $0x1985, v2;
	s0 =	ssub.s32 s1, s28;
	[tilespmem:$0x1FFC0] =	vst v17;
	s7 =	sadd.s32 s4, s7  }
0xe: {  	v20 =	vadd.s32 $0x884, v2;
	v21 =	vadd.s32 $0x1104, v2;
	v23 =	vor.u32 $0x5, v2;
	s1 =	simm.s32 $0x0;
	[tilespmem:$0x1FFD0] =	vst v26;
	s0 =	smax.u32 s0, $0x1;
	[dreg:$0x3] =	wrdreg s7  }
0xf: {  	v24 =	vadd.s32 $0x885, v2;
	v25 =	vadd.s32 $0x1105, v2;
	v31 =	vadd.s32 $0x887, v2;
	[tilespmem:$0x1FFE0] =	vst v14;
	s9 =	sor.u32 $0x2, s5;
	s29 =	sadd.s32 $0x10, s7;
	[dreg:$0x5] =	wrdreg s0  }
0x10: {  	v27 =	vadd.s32 $0x886, v2;
	v28 =	vadd.s32 $0x1106, v2;
	v32 =	vadd.s32 $0x1107, v2;
	[tilespmem:$0x1FFF0] =	vst v31;
	s17 =	sor.u32 $0x3, s5;
	s7 =	simm.s32 $0x6;
	[dreg:$0x4] =	wrdreg s29  }
.LBB2_8:
0x11: {  	_ =	swait.ge [sflag:s18], $0x400  }
0x12: {  	[sflag:s18] =	ssyncset.done $0x0  }
0x13: {  	[sflag:s18] =	ssyncadd.s32 $0xFFFFFC00  }
0x14: {  	_ =	swait.ge [sflag:s18], $0x400  }
0x15: {  	[sflag:s18] =	ssyncset.done $0x0  }
0x16: {  	[sflag:s18] =	ssyncadd.s32 $0xFFFFFC00  }
0x17: {  	_ =	swait.ge [sflag:s18], $0x400  }
0x18: {  	[sflag:s18] =	ssyncset.done $0x0  }
0x19: {  	[sflag:s18] =	ssyncadd.s32 $0xFFFFFC00  }
0x1a: {  	_ =	swait.ge [sflag:s18], $0x400  }
0x1b: {  	[sflag:s18] =	ssyncset.done $0x0  }
0x1c: {  	[sflag:s18] =	ssyncadd.s32 $0xFFFFFC00  }
0x1d: {  	_ =	swait.ge [sflag:s18], $0x400  }
0x1e: {  	[sflag:s18] =	ssyncset.done $0x0  }
0x1f: {  	[sflag:s18] =	ssyncadd.s32 $0xFFFFFC00  }
0x20: {  	_ =	swait.ge [sflag:s18], $0x400  }
0x21: {  	[sflag:s18] =	ssyncset.done $0x0  }
0x22: {  	[sflag:s18] =	ssyncadd.s32 $0xFFFFFC00  }
0x23: {  	_ =	swait.ge [sflag:s18], $0x400  }
0x24: {  	[sflag:s18] =	ssyncset.done $0x0  }
0x25: {  	[sflag:s18] =	ssyncadd.s32 $0xFFFFFC00  }
0x26: {  	_ =	swait.ge [sflag:s18], $0x400  }
0x27: {  	[sflag:s18] =	ssyncset.done $0x0  }
0x28: {  	[sflag:s18] =	ssyncadd.s32 $0xFFFFFC00  }
0x29: {  	_ =	swait.ge [sflag:s7], $0x400  }
0x2a: {  	[sflag:s7] =	ssyncset.done $0x0  }
0x2b: {  	[sflag:s7] =	ssyncadd.s32 $0xFFFFFC00  }
0x2c: {  	_ =	swait.ge [sflag:s7], $0x400  }
0x2d: {  	[sflag:s7] =	ssyncset.done $0x0  }
0x2e: {  	[sflag:s7] =	ssyncadd.s32 $0xFFFFFC00  }
0x2f: {  	_ =	swait.ge [sflag:s7], $0x400  }
0x30: {  	[sflag:s7] =	ssyncset.done $0x0  }
0x31: {  	[sflag:s7] =	ssyncadd.s32 $0xFFFFFC00  }
0x32: {  	_ =	swait.ge [sflag:s7], $0x400  }
0x33: {  	[sflag:s7] =	ssyncset.done $0x0  }
0x34: {  	[sflag:s7] =	ssyncadd.s32 $0xFFFFFC00  }
0x35: {  	_ =	swait.ge [sflag:s7], $0x400  }
0x36: {  	[sflag:s7] =	ssyncset.done $0x0  }
0x37: {  	[sflag:s7] =	ssyncadd.s32 $0xFFFFFC00  }
0x38: {  	_ =	swait.ge [sflag:s7], $0x400  }
0x39: {  	[sflag:s7] =	ssyncset.done $0x0  }
0x3a: {  	[sflag:s7] =	ssyncadd.s32 $0xFFFFFC00  }
0x3b: {  	_ =	swait.ge [sflag:s7], $0x400  }
0x3c: {  	[sflag:s7] =	ssyncset.done $0x0  }
0x3d: {  	[sflag:s7] =	ssyncadd.s32 $0xFFFFFC00  }
0x3e: {  	_ =	swait.ge [sflag:s7], $0x400  }
0x3f: {  	v2 =	vld [tilespmem:$0x1FF50]  }
0x40: {  	s1 =	rddreg [dreg:$0x6];
	v6 =	vld [tilespmem:$0x1FF70]  }
0x41: {  	s0 =	rddreg [dreg:$0x5];
	v10 =	vld [tilespmem:$0x1FF80];
	s1 =	sadd.s32 $0x1, s1  }
0x42: {  	v13 =	vld [tilespmem:$0x1FF40];
	p0 =	sne.s32 s1, s0  }
.Ltmp1:
0x43: {  	v14 =	vld [tilespmem:$0x1FFE0];
	(pc) =	sbr.rel @!p0 .LBB2_9-.Ltmp1, $4  }
0x44: {  	v22 =	vld [tilespmem:$0x1FF60]  }
0x45: {  	v5 =	vmovc v49;
	v7 =	vmov v54;
	v8 =	vmov v55;
	v9 =	vmov v50;
	v19 =	vld [tilespmem:$0x1FF90]  }
0x46: {  	v11 =	vmovc v57;
	v12 =	vmovc v58;
	v15 =	vmov v60;
	v16 =	vmov v61;
	v18 =	vmov v62;
	[sflag:s7] =	ssyncset.done $0x0;
	v29 =	vld [tilespmem:$0x1FFA0]  }
0x47: {  	v20 =	vmovc v63;
	v21 =	vmovc v52;
	v23 =	vmov v53;
	v24 =	vmov v56;
	v25 =	vmov v51;
	v30 =	vld [tilespmem:$0x1FFB0];
	[sflag:s7] =	ssyncadd.s32 $0xFFFFFC00  }
.LBB2_1:
0x48: {  	[dreg:$0x6] =	wrdreg s1  }
0x49: {  	s0 =	rddreg [dreg:$0x3]  }
0x4a: {  	[tilespmem:s3], [sflag:$0x1] =	stream.linear.gather [hbm4b:s0+s3], $0x80, $0x38;
	[tilespmem:$0x8500] =	vst v63  }
0x4b: {  	s28 =	rddreg [dreg:$0x4]  }
0x4c: {  	[tilespmem:s19], [sflag:$0x2] =	stream.linear.gather [hbm4b:s28+s3], $0x80, $0x38;
	[tilespmem:$0x8500] =	vst v63  }
0x4d: {  	_ =	swait.ge [sflag:s20], $0x80  }
0x4e: {  	[sflag:s20] =	ssyncset.done $0x0  }
0x4f: {  	s29 =	simm.s32 $0x100;
	s21 =	simm.s32 $0x0;
	[sflag:s20] =	ssyncadd.s32 $0xFFFFFF80  }
0x50: {  	[tilespmem:s29], [sflag:$0x3] =	stream.indirect.gather [hbm4b:s6+s19], $0x40, s3, s19, $0xb8;
	[tilespmem:$0x8500] =	vst v63  }
.LBB2_2:
0x51: {  	_ =	swait.ge [sflag:s22], $0x80  }
0x52: {  	s0 =	simm.s32 $0x2100;
	[sflag:s22] =	ssyncset.done $0x0  }
0x53: {  	s26 =	sshll.u32 s21, $0x1;
	p0 =	seq.s32 s21, $0x63;
	[sflag:s22] =	ssyncadd.s32 $0xFFFFFF80  }
0x54: {  	[tilespmem:s0], [sflag:$0x4] =	stream.indirect.gather [hbm4b:s6+s19], $0x40, s19, s19, $0xb8;
	[tilespmem:$0x8500] =	vst v63  }
0x55: {  	s0 =	sadd.s32 @!p0 s26, s9  }
0x56: {  	p1 =	seq.s32 @!p0 s21, $0x0;
	_ =	swait.ge [sflag:s24], $0x2000;
	s0 =	sshll.u32 @!p0 s0, $0x4  }
0x57: {  	s23 =	simm.s32 @!p0 $0x0;
	[sflag:s24] =	ssyncset.done $0x0;
	s0 =	sand.u32 @!p0 $0x1FFFFFE0, s0  }
0x58: {  	p1 =	por p0, !p1;
	[sflag:s24] =	ssyncadd.s32 $0xFFFFE000;
	s0 =	sadd.s32 @!p0 s4, s0  }
0x59: {  	[tilespmem:s23], [sflag:$0x1] =	stream.linear.gather @!p0 [hbm4b:s0+s23], $0x80, $0x38;
	[tilespmem:$0x8500] =	vst v63  }
0x5a: {  	_ =	swait.ge @p1 [sflag:s18], $0x400  }
0x5b: {  	[sflag:s18] =	ssyncset.done @p1 $0x0  }
0x5c: {  	[sflag:s18] =	ssyncadd.s32 @p1 $0xFFFFFC00  }
0x5d: {  	_ =	swait.ge @p1 [sflag:s18], $0x400  }
0x5e: {  	[sflag:s18] =	ssyncset.done @p1 $0x0  }
0x5f: {  	[sflag:s18] =	ssyncadd.s32 @p1 $0xFFFFFC00  }
0x60: {  	_ =	swait.ge @p1 [sflag:s18], $0x400  }
0x61: {  	[sflag:s18] =	ssyncset.done @p1 $0x0  }
0x62: {  	[sflag:s18] =	ssyncadd.s32 @p1 $0xFFFFFC00  }
0x63: {  	_ =	swait.ge @p1 [sflag:s18], $0x400  }
0x64: {  	[sflag:s18] =	ssyncset.done @p1 $0x0  }
0x65: {  	[sflag:s18] =	ssyncadd.s32 @p1 $0xFFFFFC00  }
0x66: {  	_ =	swait.ge @p1 [sflag:s18], $0x400  }
0x67: {  	[sflag:s18] =	ssyncset.done @p1 $0x0  }
0x68: {  	[sflag:s18] =	ssyncadd.s32 @p1 $0xFFFFFC00  }
0x69: {  	_ =	swait.ge @p1 [sflag:s18], $0x400  }
0x6a: {  	[sflag:s18] =	ssyncset.done @p1 $0x0  }
0x6b: {  	[sflag:s18] =	ssyncadd.s32 @p1 $0xFFFFFC00  }
0x6c: {  	s23 =	simm.s32 $0x1;
	_ =	swait.ge @p1 [sflag:s18], $0x400  }
0x6d: {  	s1 =	simm.s32 $0x0;
	v34 =	vmov s23;
	s23 =	simm.s32 $0x4;
	[sflag:s18] =	ssyncset.done @p1 $0x0  }
0x6e: {  	s28 =	simm.s32 $0x3;
	v33 =	vmov s1;
	v37 =	vmov s23;
	s23 =	simm.s32 $0x7;
	[sflag:s18] =	ssyncadd.s32 @p1 $0xFFFFFC00  }
0x6f: {  	s1 =	simm.s32 $0x2;
	v36 =	vmov s28;
	s28 =	simm.s32 $0x6;
	v33 =	vshrl.u32 v33, $0x3;
	v40 =	vmov s23;
	_ =	swait.ge @p1 [sflag:s18], $0x400  }
0x70: {  	v35 =	vmov s1;
	v39 =	vmov s28;
	v40 =	vshrl.u32 v40, $0x3;
	[sflag:s18] =	ssyncset.done @p1 $0x0  }
0x71: {  	s28 =	simm.s32 $0x200;
	v33 =	vshll.u32 v33, v1;
	v35 =	vshrl.u32 v35, $0x3;
	v40 =	vshll.u32 v40, v1;
	[sflag:s18] =	ssyncadd.s32 @p1 $0xFFFFFC00  }
0x72: {  	v42 =	vshrl.u32 v39, $0x3;
	v34 =	vshrl.u32 v34, $0x3;
	v40 =	vbroadcast v40, $0x0;
	v56 =	vld [tilespmem:s28+$0xC0]  }
0x73: {  	v0 =	vbroadcast v33, $0x0;
	v35 =	vshll.u32 v35, v1;
	v34 =	vshll.u32 v34, v1;
	v43 =	vld [tilespmem:s28+$0xFFFFFF00]  }
0x74: {  	v37 =	vshrl.u32 v37, $0x3;
	v39 =	vbroadcast v34, $0x0;
	v46 =	vadd.s32 v30, v40;
	v45 =	vld [tilespmem:s28+$0xFFFFFF40]  }
0x75: {  	s1 =	simm.s32 $0x5;
	v58 =	vadd.s32 v2, v0;
	v44 =	vshll.u32 v37, v1;
	v37 =	vbroadcast v35, $0x0;
	v47 =	vld [tilespmem:s28+$0xFFFFFF80]  }
0x76: {  	v36 =	vshrl.u32 v36, $0x3;
	v38 =	vmov s1;
	v48 =	vadd.s32 v6, v39  }
0x77: {  	v36 =	vshll.u32 v36, v1;
	v50 =	vadd.s32 v10, v37;
	v49 =	vld [tilespmem:s28+$0xFFFFFFC0];
	v59 =	vmul.f32 $8.000000000e+00, v56  }
0x78: {  	v38 =	vshrl.u32 v38, $0x3;
	v36 =	vbroadcast v36, $0x0;
	v51 =	vld [tilespmem:s28+$0x0];
	v43 =	vmul.f32 $8.000000000e+00, v43  }
0x79: {  	v57 =	vshll.u32 v38, v1;
	v53 =	vld [tilespmem:s28+$0x40];
	v45 =	vmul.f32 $8.000000000e+00, v45;
	[tilespmem:v46+s25+$0x0] =	vst.idx.msk $0xffff, v59  }
0x7a: {  	v52 =	vadd.s32 v14, v36;
	v35 =	vbroadcast v44, $0x0;
	v55 =	vld [tilespmem:s28+$0x80];
	v61 =	vmul.f32 $8.000000000e+00, v47;
	[tilespmem:v58+s25+$0x0] =	vst.idx.msk $0xffff, v43  }
0x7b: {  	v42 =	vshll.u32 v42, v1;
	v33 =	vbroadcast v57, $0x0;
	[tilespmem:v48+s25+$0x0] =	vst.idx.msk $0xffff, v45;
	v44 =	vld [tilespmem:s28+$0xD0]  }
0x7c: {  	v34 =	vbroadcast v42, $0x0;
	v54 =	vadd.s32 v18, v35;
	[tilespmem:v50+s25+$0x0] =	vst.idx.msk $0xffff, v61;
	v63 =	vld [tilespmem:s28+$0xFFFFFF10]  }
0x7d: {  	s1 =	simm.s32 $0x8;
	v62 =	vadd.s32 v23, v33;
	v41 =	vmul.f32 $8.000000000e+00, v49;
	v49 =	vld [tilespmem:s28+$0xFFFFFF50];
	[tilespmem:$0x1FF00] =	vst v40  }
0x7e: {  	v60 =	vmov s1;
	v47 =	vadd.s32 v19, v34;
	[tilespmem:$0x1FF10] =	vst v0  }
0x7f: {  	v42 =	vshrl.u32 v60, $0x3;
	v60 =	vmul.f32 $8.000000000e+00, v51;
	v50 =	vadd.s32 v31, v40;
	[tilespmem:v52+s25+$0x0] =	vst.idx.msk $0xffff, v41  }
0x80: {  	v56 =	vadd.s32 v3, v0;
	v61 =	vmul.f32 $8.000000000e+00, v53;
	v57 =	vld [tilespmem:s28+$0xFFFFFF90];
	[tilespmem:$0x1FF20] =	vst v39  }
0x81: {  	v38 =	vmul.f32 $8.000000000e+00, v55;
	v53 =	vadd.s32 v7, v39;
	v58 =	vld [tilespmem:s28+$0xFFFFFFD0];
	[tilespmem:v54+s25+$0x0] =	vst.idx.msk $0xffff, v60  }
0x82: {  	v55 =	vadd.s32 v11, v37;
	[tilespmem:v62+s25+$0x0] =	vst.idx.msk $0xffff, v61;
	v59 =	vld [tilespmem:s28+$0x10];
	v43 =	vmul.f32 $8.000000000e+00, v44  }
0x83: {  	v46 =	vadd.s32 v15, v36;
	[tilespmem:v47+s25+$0x0] =	vst.idx.msk $0xffff, v38;
	v60 =	vld [tilespmem:s28+$0x50];
	v45 =	vmul.f32 $8.000000000e+00, v63  }
0x84: {  	v61 =	vld [tilespmem:s28+$0x90];
	v47 =	vmul.f32 $8.000000000e+00, v49;
	v49 =	vadd.s32 v20, v35;
	[tilespmem:v50+s25+$0x0] =	vst.idx.msk $0xffff, v43  }
0x85: {  	s23 =	simm.s32 $0x9;
	v62 =	vmul.f32 $8.000000000e+00, v57;
	[tilespmem:v56+s25+$0x0] =	vst.idx.msk $0xffff, v45;
	v45 =	vadd.s32 v24, v33;
	v50 =	vld [tilespmem:s28+$0xE0]  }
0x86: {  	v48 =	vmov s23;
	[tilespmem:v53+s25+$0x0] =	vst.idx.msk $0xffff, v47;
	v53 =	vadd.s32 v27, v34;
	v56 =	vld [tilespmem:s28+$0xFFFFFF20];
	v63 =	vmul.f32 $8.000000000e+00, v58  }
0x87: {  	s23 =	simm.s32 $0xB;
	v43 =	vshll.u32 v42, v1;
	v57 =	vld [tilespmem:s28+$0xFFFFFF60];
	[tilespmem:v55+s25+$0x0] =	vst.idx.msk $0xffff, v62;
	v55 =	vadd.s32 v32, v40;
	v42 =	vmul.f32 $8.000000000e+00, v59  }
0x88: {  	v52 =	vmov s23;
	s23 =	simm.s32 $0xD;
	v58 =	vadd.s32 v4, v0;
	v59 =	vld [tilespmem:s28+$0xFFFFFFA0];
	[tilespmem:v46+s25+$0x0] =	vst.idx.msk $0xffff, v63;
	v46 =	vmul.f32 $8.000000000e+00, v60  }
0x89: {  	v44 =	vmov s23;
	v62 =	vadd.s32 v8, v39;
	v47 =	vmul.f32 $8.000000000e+00, v61;
	[tilespmem:v49+s25+$0x0] =	vst.idx.msk $0xffff, v42  }
0x8a: {  	v61 =	vshrl.u32 v44, $0x3;
	v49 =	vadd.s32 v12, v37;
	[tilespmem:v45+s25+$0x0] =	vst.idx.msk $0xffff, v46;
	v44 =	vmul.f32 $8.000000000e+00, v50  }
0x8b: {  	[tilespmem:v53+s25+$0x0] =	vst.idx.msk $0xffff, v47;
	v50 =	vmul.f32 $8.000000000e+00, v56  }
0x8c: {  	v63 =	vld [tilespmem:s28+$0xFFFFFFE0];
	v46 =	vmul.f32 $8.000000000e+00, v57;
	[tilespmem:v55+s25+$0x0] =	vst.idx.msk $0xffff, v44  }
0x8d: {  	v45 =	vmul.f32 $8.000000000e+00, v59;
	[tilespmem:v58+s25+$0x0] =	vst.idx.msk $0xffff, v50  }
0x8e: {  	[tilespmem:v62+s25+$0x0] =	vst.idx.msk $0xffff, v46  }
0x8f: {  	[tilespmem:v49+s25+$0x0] =	vst.idx.msk $0xffff, v45  }
0x90: {  	v0 =	vld [tilespmem:$0x1FF30]  }
0x91: {  	v58 =	vmul.f32 $8.000000000e+00, v63;
	v63 =	vld [tilespmem:$0x1FF00];
	_ =	sdelay $0x3  }
0x92: {  	v56 =	vadd.s32 v16, v36  }
0x93: {  	v53 =	vadd.s32 v0, v63;
	v0 =	vld [tilespmem:$0x1FF10];
	_ =	sdelay $0x1  }
0x94: {  	s1 =	simm.s32 $0xA;
	v39 =	vld [tilespmem:s28+$0x20]  }
0x95: {  	v51 =	vmov s1;
	s1 =	simm.s32 $0xC;
	v40 =	vld [tilespmem:s28+$0x60]  }
0x96: {  	v51 =	vshrl.u32 v51, $0x3;
	v48 =	vshrl.u32 v48, $0x3;
	v54 =	vmov s1;
	v60 =	vld [tilespmem:s28+$0xA0];
	[tilespmem:v56+s25+$0x0] =	vst.idx.msk $0xffff, v58  }
0x97: {  	s1 =	simm.s32 $0xE;
	v47 =	vshll.u32 v48, v1;
	v57 =	vadd.s32 v21, v35;
	v48 =	vadd.s32 v5, v0;
	v0 =	vld [tilespmem:$0x1FF20]  }
0x98: {  	v52 =	vshrl.u32 v52, $0x3;
	v38 =	vmov s1;
	v41 =	vshrl.u32 v54, $0x3;
	v55 =	vld [tilespmem:s28+$0xF0]  }
0x99: {  	v54 =	vadd.s32 v25, v33;
	v42 =	vshrl.u32 v38, $0x3;
	v38 =	vbroadcast v43, $0x0;
	v50 =	vld [tilespmem:s28+$0xFFFFFF30]  }
0x9a: {  	v43 =	vshll.u32 v51, v1;
	v44 =	vshll.u32 v52, v1;
	v52 =	vld [tilespmem:s28+$0xFFFFFF70];
	v62 =	vmul.f32 $8.000000000e+00, v39  }
0x9b: {  	s23 =	sadd.s32 s26, s5;
	v51 =	vadd.s32 v28, v34;
	v46 =	vshll.u32 v41, v1;
	v45 =	vshll.u32 v61, v1;
	v49 =	vld [tilespmem:s28+$0xFFFFFFB0]  }
0x9c: {  	s29 =	simm.s32 $0x10;
	s0 =	simm.s32 $0xF;
	s23 =	sadd.s32 $0x1, s23;
	v39 =	vmul.f32 $8.000000000e+00, v40;
	v40 =	vmul.f32 $8.000000000e+00, v60;
	v56 =	vld [tilespmem:s28+$0xFFFFFFF0];
	[tilespmem:v57+s25+$0x0] =	vst.idx.msk $0xffff, v62;
	v41 =	vadd.s32 v9, v0  }
.LBB2_3:
0x9d: {  	_ = 	snop  }
0x9e: {  	v57 =	vmov s0  }
0x9f: {  	v37 =	vadd.s32 v13, v37;
	v58 =	vld [tilespmem:s28+$0x30];
	v36 =	vadd.s32 v17, v36;
	[tilespmem:v54+s25+$0x0] =	vst.idx.msk $0xffff, v39;
	v60 =	vmul.f32 $8.000000000e+00, v55  }
0xa0: {  	v35 =	vadd.s32 v22, v35;
	v61 =	vshrl.u32 v57, $0x3;
	[tilespmem:v51+s25+$0x0] =	vst.idx.msk $0xffff, v40;
	v62 =	vld [tilespmem:s28+$0x70];
	v50 =	vmul.f32 $8.000000000e+00, v50  }
0xa1: {  	v39 =	vmov v38;
	v38 =	vshll.u32 v61, v1;
	v63 =	vmul.f32 $8.000000000e+00, v52;
	v52 =	vld [tilespmem:s28+$0xB0];
	s28 =	sadd.s32 $0x200, s28;
	[tilespmem:v53+s25+$0x0] =	vst.idx.msk $0xffff, v60  }
0xa2: {  	v33 =	vadd.s32 v26, v33;
	v40 =	vbroadcast v38, $0x0;
	v54 =	vmul.f32 $8.000000000e+00, v49;
	[tilespmem:v48+s25+$0x0] =	vst.idx.msk $0xffff, v50;
	v53 =	vld [tilespmem:s28+$0xC0]  }
0xa3: {  	v42 =	vshll.u32 v42, v1;
	v34 =	vadd.s32 v29, v34;
	v57 =	vmul.f32 $8.000000000e+00, v56;
	[tilespmem:v41+s25+$0x0] =	vst.idx.msk $0xffff, v63;
	v48 =	vld [tilespmem:s28+$0xFFFFFF00]  }
0xa4: {  	v41 =	vbroadcast v47, $0x0;
	v47 =	vadd.s32 v30, v40;
	[tilespmem:v37+s25+$0x0] =	vst.idx.msk $0xffff, v54;
	v60 =	vmul.f32 $8.000000000e+00, v58;
	v59 =	vld [tilespmem:s28+$0xFFFFFF40]  }
0xa5: {  	v51 =	vadd.s32 v2, v39;
	v37 =	vbroadcast v43, $0x0;
	[tilespmem:v36+s25+$0x0] =	vst.idx.msk $0xffff, v57;
	v61 =	vld [tilespmem:s28+$0xFFFFFF80];
	v62 =	vmul.f32 $8.000000000e+00, v62  }
0xa6: {  	v36 =	vbroadcast v44, $0x0;
	v63 =	vld [tilespmem:s28+$0xFFFFFFC0];
	v49 =	vadd.s32 v6, v41;
	[tilespmem:v35+s25+$0x0] =	vst.idx.msk $0xffff, v60;
	v56 =	vmul.f32 $8.000000000e+00, v52  }
0xa7: {  	v44 =	vadd.s32 v10, v37;
	v35 =	vbroadcast v46, $0x0;
	v52 =	vld [tilespmem:s28+$0x0];
	[tilespmem:v33+s25+$0x0] =	vst.idx.msk $0xffff, v62;
	v57 =	vmul.f32 $8.000000000e+00, v53  }
0xa8: {  	v33 =	vbroadcast v45, $0x0;
	[tilespmem:v34+s25+$0x0] =	vst.idx.msk $0xffff, v56;
	v58 =	vmul.f32 $8.000000000e+00, v48;
	v48 =	vadd.s32 v14, v36;
	v53 =	vld [tilespmem:s28+$0x40]  }
0xa9: {  	v45 =	vadd.s32 v18, v35;
	v34 =	vbroadcast v42, $0x0;
	v59 =	vmul.f32 $8.000000000e+00, v59;
	v50 =	vld [tilespmem:s28+$0x80];
	[tilespmem:v47+s25+$0x0] =	vst.idx.msk $0xffff, v57  }
0xaa: {  	v62 =	vadd.s32 v23, v33;
	v61 =	vmul.f32 $8.000000000e+00, v61;
	[tilespmem:v51+s25+$0x0] =	vst.idx.msk $0xffff, v58;
	v47 =	vld [tilespmem:s28+$0xD0]  }
0xab: {  	v60 =	vmov s29;
	v63 =	vmul.f32 $8.000000000e+00, v63;
	[tilespmem:v49+s25+$0x0] =	vst.idx.msk $0xffff, v59;
	v49 =	vadd.s32 v19, v34;
	v51 =	vld [tilespmem:s28+$0xFFFFFF10]  }
0xac: {  	v42 =	vshrl.u32 v60, $0x3;
	[tilespmem:v44+s25+$0x0] =	vst.idx.msk $0xffff, v61;
	v60 =	vmul.f32 $8.000000000e+00, v52;
	v44 =	vadd.s32 v31, v40;
	v55 =	vld [tilespmem:s28+$0xFFFFFF50]  }
0xad: {  	v56 =	vadd.s32 v3, v39;
	v57 =	vld [tilespmem:s28+$0xFFFFFF90];
	[tilespmem:v48+s25+$0x0] =	vst.idx.msk $0xffff, v63;
	v61 =	vmul.f32 $8.000000000e+00, v53  }
0xae: {  	[tilespmem:v45+s25+$0x0] =	vst.idx.msk $0xffff, v60;
	v53 =	vadd.s32 v7, v41;
	v43 =	vmul.f32 $8.000000000e+00, v50;
	v58 =	vld [tilespmem:s28+$0xFFFFFFD0]  }
0xaf: {  	v50 =	vadd.s32 v11, v37;
	[tilespmem:v62+s25+$0x0] =	vst.idx.msk $0xffff, v61;
	v38 =	vmul.f32 $8.000000000e+00, v47  }
0xb0: {  	s1 =	sadd.s32 $0x1, s29;
	v59 =	vld [tilespmem:s28+$0x10];
	[tilespmem:v49+s25+$0x0] =	vst.idx.msk $0xffff, v43;
	v47 =	vmul.f32 $8.000000000e+00, v51;
	v51 =	vadd.s32 v15, v36  }
0xb1: {  	v54 =	vmov s1;
	s1 =	sadd.s32 $0x2, s29;
	v60 =	vld [tilespmem:s28+$0x50];
	v49 =	vmul.f32 $8.000000000e+00, v55;
	[tilespmem:v44+s25+$0x0] =	vst.idx.msk $0xffff, v38  }
0xb2: {  	v52 =	vmov s1;
	s1 =	sadd.s32 $0x3, s29;
	v55 =	vadd.s32 v20, v35;
	v61 =	vld [tilespmem:s28+$0x90];
	v62 =	vmul.f32 $8.000000000e+00, v57;
	[tilespmem:v56+s25+$0x0] =	vst.idx.msk $0xffff, v47  }
0xb3: {  	v48 =	vmov s1;
	s1 =	sadd.s32 $0x4, s29;
	v44 =	vadd.s32 v24, v33;
	[tilespmem:v53+s25+$0x0] =	vst.idx.msk $0xffff, v49;
	v47 =	vld [tilespmem:s28+$0xE0];
	v63 =	vmul.f32 $8.000000000e+00, v58  }
0xb4: {  	v54 =	vshrl.u32 v54, $0x3;
	v45 =	vmov s1;
	v53 =	vadd.s32 v27, v34;
	[tilespmem:v50+s25+$0x0] =	vst.idx.msk $0xffff, v62;
	v56 =	vld [tilespmem:s28+$0xFFFFFF20]  }
0xb5: {  	s1 =	sadd.s32 $0x5, s29;
	v38 =	vshll.u32 v42, v1;
	v42 =	vmul.f32 $8.000000000e+00, v59;
	v50 =	vadd.s32 v32, v40;
	v57 =	vld [tilespmem:s28+$0xFFFFFF60];
	[tilespmem:v51+s25+$0x0] =	vst.idx.msk $0xffff, v63  }
0xb6: {  	v46 =	vmov s1;
	s1 =	sadd.s32 $0x6, s29;
	v58 =	vadd.s32 v4, v39;
	v49 =	vmul.f32 $8.000000000e+00, v60;
	v60 =	vld [tilespmem:s28+$0xFFFFFFE0]  }
0xb7: {  	v52 =	vshrl.u32 v52, $0x3;
	v43 =	vmov s1;
	v59 =	vld [tilespmem:s28+$0xFFFFFFA0];
	[tilespmem:v55+s25+$0x0] =	vst.idx.msk $0xffff, v42;
	v55 =	vmul.f32 $8.000000000e+00, v61  }
0xb8: {  	v51 =	vadd.s32 v8, v41;
	v61 =	vshrl.u32 v46, $0x3;
	v62 =	vld [tilespmem:s28+$0x20];
	[tilespmem:v44+s25+$0x0] =	vst.idx.msk $0xffff, v49;
	v44 =	vmul.f32 $8.000000000e+00, v47  }
0xb9: {  	v46 =	vadd.s32 v12, v37;
	v42 =	vshrl.u32 v43, $0x3;
	[tilespmem:v53+s25+$0x0] =	vst.idx.msk $0xffff, v55;
	v43 =	vmul.f32 $8.000000000e+00, v56;
	v63 =	vld [tilespmem:s28+$0x60]  }
0xba: {  	v48 =	vshrl.u32 v48, $0x3;
	v41 =	vadd.s32 v9, v41;
	v56 =	vadd.s32 v16, v36;
	v0 =	vld [tilespmem:s28+$0xA0];
	[tilespmem:v50+s25+$0x0] =	vst.idx.msk $0xffff, v44  }
0xbb: {  	p2 =	slt.u32 s29, $0x78;
	v49 =	vmul.f32 $8.000000000e+00, v57;
	v57 =	vadd.s32 v21, v35;
	[tilespmem:v58+s25+$0x0] =	vst.idx.msk $0xffff, v43;
	v58 =	vmul.f32 $8.000000000e+00, v60;
	v60 =	vld [tilespmem:$0x1FF30]  }
.Ltmp2:
0xbc: {  	v47 =	vshll.u32 v54, v1;
	v53 =	vmul.f32 $8.000000000e+00, v59;
	v54 =	vadd.s32 v25, v33;
	v55 =	vld [tilespmem:s28+$0xF0];
	(pc) =	sbr.rel @p2 .LBB2_3-.Ltmp2, $4  }
0xbd: {  	v45 =	vshrl.u32 v45, $0x3;
	v43 =	vshll.u32 v52, v1;
	[tilespmem:v51+s25+$0x0] =	vst.idx.msk $0xffff, v49;
	v51 =	vadd.s32 v28, v34;
	v50 =	vld [tilespmem:s28+$0xFFFFFF30]  }
0xbe: {  	v44 =	vshll.u32 v48, v1;
	[tilespmem:v46+s25+$0x0] =	vst.idx.msk $0xffff, v53;
	v46 =	vshll.u32 v45, v1;
	v52 =	vld [tilespmem:s28+$0xFFFFFF70];
	v59 =	vmul.f32 $8.000000000e+00, v62  }
0xbf: {  	v38 =	vbroadcast v38, $0x0;
	v48 =	vadd.s32 v5, v39;
	v45 =	vshll.u32 v61, v1;
	v49 =	vld [tilespmem:s28+$0xFFFFFFB0];
	[tilespmem:v56+s25+$0x0] =	vst.idx.msk $0xffff, v58  }
0xc0: {  	s0 =	sadd.s32 $0x7, s29;
	s29 =	sadd.s32 $0x8, s29;
	v39 =	vmul.f32 $8.000000000e+00, v63;
	[tilespmem:v57+s25+$0x0] =	vst.idx.msk $0xffff, v59;
	v56 =	vld [tilespmem:s28+$0xFFFFFFF0];
	v53 =	vadd.s32 v60, v40;
	v40 =	vmul.f32 $8.000000000e+00, v0  }
0xc1: {  	_ =	sdelay $0x3  }
0xc2: {  	v0 =	vmov s0;
	v37 =	vadd.s32 v13, v37;
	v57 =	vld [tilespmem:s28+$0x30];
	v62 =	vmul.f32 $8.000000000e+00, v55;
	[tilespmem:v54+s25+$0x0] =	vst.idx.msk $0xffff, v39  }
0xc3: {  	v36 =	vadd.s32 v17, v36;
	v0 =	vshrl.u32 v0, $0x3;
	v50 =	vmul.f32 $8.000000000e+00, v50;
	[tilespmem:v51+s25+$0x0] =	vst.idx.msk $0xffff, v40;
	v54 =	vld [tilespmem:s28+$0x70]  }
0xc4: {  	v35 =	vadd.s32 v22, v35;
	v0 =	vshll.u32 v0, v1;
	v63 =	vmul.f32 $8.000000000e+00, v52;
	v51 =	vld [tilespmem:s28+$0xB0];
	[tilespmem:v53+s25+$0x0] =	vst.idx.msk $0xffff, v62;
	s28 =	sadd.s32 $0x200, s28  }
0xc5: {  	v33 =	vadd.s32 v26, v33;
	v39 =	vld [tilespmem:s28+$0xC0];
	v0 =	vbroadcast v0, $0x0;
	[tilespmem:v48+s25+$0x0] =	vst.idx.msk $0xffff, v50;
	v55 =	vmul.f32 $8.000000000e+00, v49  }
0xc6: {  	v42 =	vshll.u32 v42, v1;
	v34 =	vadd.s32 v29, v34;
	v49 =	vld [tilespmem:s28+$0xFFFFFF00];
	[tilespmem:v41+s25+$0x0] =	vst.idx.msk $0xffff, v63;
	v56 =	vmul.f32 $8.000000000e+00, v56  }
0xc7: {  	v47 =	vbroadcast v47, $0x0;
	v58 =	vld [tilespmem:s28+$0xFFFFFF40];
	v50 =	vadd.s32 v30, v0;
	[tilespmem:v37+s25+$0x0] =	vst.idx.msk $0xffff, v55;
	v59 =	vmul.f32 $8.000000000e+00, v57  }
0xc8: {  	v43 =	vbroadcast v43, $0x0;
	v48 =	vadd.s32 v2, v38;
	v52 =	vld [tilespmem:s28+$0xFFFFFF80];
	[tilespmem:v36+s25+$0x0] =	vst.idx.msk $0xffff, v56;
	v61 =	vmul.f32 $8.000000000e+00, v54  }
0xc9: {  	v44 =	vbroadcast v44, $0x0;
	v40 =	vadd.s32 v6, v47;
	v53 =	vld [tilespmem:s28+$0xFFFFFFC0];
	[tilespmem:v35+s25+$0x0] =	vst.idx.msk $0xffff, v59;
	v62 =	vmul.f32 $8.000000000e+00, v51  }
0xca: {  	v46 =	vbroadcast v46, $0x0;
	v63 =	vld [tilespmem:s28+$0x0];
	v37 =	vadd.s32 v10, v43;
	v39 =	vmul.f32 $8.000000000e+00, v39;
	[tilespmem:v33+s25+$0x0] =	vst.idx.msk $0xffff, v61  }
0xcb: {  	v45 =	vbroadcast v45, $0x0;
	v36 =	vadd.s32 v14, v44;
	v56 =	vmul.f32 $8.000000000e+00, v49;
	v49 =	vld [tilespmem:s28+$0x40];
	[tilespmem:v34+s25+$0x0] =	vst.idx.msk $0xffff, v62  }
0xcc: {  	v42 =	vbroadcast v42, $0x0;
	v59 =	vld [tilespmem:s28+$0x80];
	v57 =	vmul.f32 $8.000000000e+00, v58;
	v58 =	vadd.s32 v18, v46;
	[tilespmem:v50+s25+$0x0] =	vst.idx.msk $0xffff, v39  }
0xcd: {  	v61 =	vmul.f32 $8.000000000e+00, v52;
	[tilespmem:v48+s25+$0x0] =	vst.idx.msk $0xffff, v56;
	v39 =	vadd.s32 v23, v45;
	v48 =	vld [tilespmem:s28+$0xD0]  }
0xce: {  	v62 =	vmul.f32 $8.000000000e+00, v53;
	[tilespmem:v40+s25+$0x0] =	vst.idx.msk $0xffff, v57;
	v40 =	vadd.s32 v19, v42;
	v50 =	vld [tilespmem:s28+$0xFFFFFF10]  }
0xcf: {  	v63 =	vmul.f32 $8.000000000e+00, v63;
	v52 =	vld [tilespmem:s28+$0xFFFFFF50];
	[tilespmem:v37+s25+$0x0] =	vst.idx.msk $0xffff, v61;
	v37 =	vadd.s32 v31, v0  }
0xd0: {  	v51 =	vadd.s32 v3, v38;
	[tilespmem:v36+s25+$0x0] =	vst.idx.msk $0xffff, v62;
	v53 =	vld [tilespmem:s28+$0xFFFFFF90];
	v57 =	vmul.f32 $8.000000000e+00, v49  }
0xd1: {  	v36 =	vadd.s32 v7, v47;
	v49 =	vld [tilespmem:s28+$0xFFFFFFD0];
	[tilespmem:v58+s25+$0x0] =	vst.idx.msk $0xffff, v63;
	v58 =	vmul.f32 $8.000000000e+00, v59  }
0xd2: {  	v59 =	vadd.s32 v11, v43;
	v61 =	vld [tilespmem:s28+$0x10];
	[tilespmem:v39+s25+$0x0] =	vst.idx.msk $0xffff, v57;
	v62 =	vmul.f32 $8.000000000e+00, v48  }
0xd3: {  	[tilespmem:v40+s25+$0x0] =	vst.idx.msk $0xffff, v58;
	v63 =	vmul.f32 $8.000000000e+00, v50;
	v48 =	vadd.s32 v15, v44;
	v50 =	vld [tilespmem:s28+$0x50]  }
0xd4: {  	v40 =	vadd.s32 v20, v46;
	v56 =	vmul.f32 $8.000000000e+00, v52;
	v52 =	vld [tilespmem:s28+$0x90];
	[tilespmem:v37+s25+$0x0] =	vst.idx.msk $0xffff, v62  }
0xd5: {  	v57 =	vmul.f32 $8.000000000e+00, v53;
	[tilespmem:v51+s25+$0x0] =	vst.idx.msk $0xffff, v63;
	v37 =	vadd.s32 v24, v45;
	v39 =	vld [tilespmem:s28+$0xE0]  }
0xd6: {  	[tilespmem:v36+s25+$0x0] =	vst.idx.msk $0xffff, v56;
	v58 =	vmul.f32 $8.000000000e+00, v49;
	v36 =	vadd.s32 v27, v42;
	v51 =	vld [tilespmem:s28+$0xFFFFFF20]  }
0xd7: {  	v35 =	vadd.s32 v32, v0;
	v49 =	vld [tilespmem:s28+$0xFFFFFF60];
	[tilespmem:v59+s25+$0x0] =	vst.idx.msk $0xffff, v57;
	v59 =	vmul.f32 $8.000000000e+00, v61  }
0xd8: {  	v41 =	vadd.s32 v4, v38;
	v56 =	vld [tilespmem:s28+$0xFFFFFFA0];
	[tilespmem:v48+s25+$0x0] =	vst.idx.msk $0xffff, v58;
	v57 =	vmul.f32 $8.000000000e+00, v50  }
0xd9: {  	v48 =	vadd.s32 v8, v47;
	[tilespmem:v40+s25+$0x0] =	vst.idx.msk $0xffff, v59;
	v58 =	vmul.f32 $8.000000000e+00, v52;
	v50 =	vld [tilespmem:s28+$0xFFFFFFE0]  }
0xda: {  	v40 =	vadd.s32 v12, v43;
	v52 =	vld [tilespmem:s28+$0x20];
	[tilespmem:v37+s25+$0x0] =	vst.idx.msk $0xffff, v57;
	v59 =	vmul.f32 $8.000000000e+00, v39  }
0xdb: {  	[tilespmem:v36+s25+$0x0] =	vst.idx.msk $0xffff, v58;
	v62 =	vmul.f32 $8.000000000e+00, v51;
	v39 =	vadd.s32 v16, v44;
	v51 =	vld [tilespmem:s28+$0x60]  }
0xdc: {  	v36 =	vadd.s32 v21, v46;
	v63 =	vmul.f32 $8.000000000e+00, v49;
	v54 =	vld [tilespmem:s28+$0xA0];
	[tilespmem:v35+s25+$0x0] =	vst.idx.msk $0xffff, v59  }
0xdd: {  	v57 =	vadd.s32 v25, v45;
	v56 =	vmul.f32 $8.000000000e+00, v56;
	[tilespmem:v41+s25+$0x0] =	vst.idx.msk $0xffff, v62;
	v58 =	vld [tilespmem:s28+$0xF0]  }
0xde: {  	[tilespmem:v48+s25+$0x0] =	vst.idx.msk $0xffff, v63;
	v48 =	vadd.s32 v28, v42;
	v41 =	vld [tilespmem:s28+$0xFFFFFF30];
	v59 =	vmul.f32 $8.000000000e+00, v50  }
0xdf: {  	v0 =	vadd.s32 v60, v0;
	v50 =	vld [tilespmem:s28+$0xFFFFFF70];
	[tilespmem:v40+s25+$0x0] =	vst.idx.msk $0xffff, v56;
	v62 =	vmul.f32 $8.000000000e+00, v52  }
0xe0: {  	v38 =	vadd.s32 v5, v38;
	v40 =	vld [tilespmem:s28+$0xFFFFFFB0];
	[tilespmem:v39+s25+$0x0] =	vst.idx.msk $0xffff, v59;
	v63 =	vmul.f32 $8.000000000e+00, v51  }
0xe1: {  	v39 =	vadd.s32 v9, v47;
	[tilespmem:v36+s25+$0x0] =	vst.idx.msk $0xffff, v62;
	v52 =	vmul.f32 $8.000000000e+00, v54;
	v51 =	vld [tilespmem:s28+$0xFFFFFFF0]  }
0xe2: {  	v53 =	vadd.s32 v13, v43;
	v54 =	vld [tilespmem:s28+$0x30];
	[tilespmem:v57+s25+$0x0] =	vst.idx.msk $0xffff, v63;
	v56 =	vmul.f32 $8.000000000e+00, v58  }
0xe3: {  	[tilespmem:v48+s25+$0x0] =	vst.idx.msk $0xffff, v52;
	v57 =	vmul.f32 $8.000000000e+00, v41;
	v58 =	vadd.s32 v17, v44;
	v59 =	vld [tilespmem:s28+$0x70]  }
0xe4: {  	v62 =	vadd.s32 v22, v46;
	v60 =	vmul.f32 $8.000000000e+00, v50;
	v63 =	vld [tilespmem:s28+$0xB0];
	[tilespmem:v0+s25+$0x0] =	vst.idx.msk $0xffff, v56  }
0xe5: {  	v55 =	vmovc v31;
	v31 =	vmov v29;
	[tilespmem:v38+s25+$0x0] =	vst.idx.msk $0xffff, v57;
	v0 =	vmul.f32 $8.000000000e+00, v40;
	v38 =	vadd.s32 v26, v45  }
0xe6: {  	s1 =	sadd.s32 s5, s26;
	v42 =	vadd.s32 v31, v42;
	[tilespmem:v39+s25+$0x0] =	vst.idx.msk $0xffff, v60;
	v40 =	vmul.f32 $8.000000000e+00, v51  }
0xe7: {  	s28 =	sshll.u32 s1, $0x3;
	[tilespmem:v53+s25+$0x0] =	vst.idx.msk $0xffff, v0;
	v0 =	vmul.f32 $8.000000000e+00, v54  }
0xe8: {  	s0 =	sand.u32 $0x7E, s1;
	s28 =	sand.u32 $0x3FFC00, s28;
	[tilespmem:v58+s25+$0x0] =	vst.idx.msk $0xffff, v40;
	v43 =	vmul.f32 $8.000000000e+00, v59  }
0xe9: {  	s0 =	sor.u32 s0, s28;
	[tilespmem:v62+s25+$0x0] =	vst.idx.msk $0xffff, v0;
	v0 =	vmul.f32 $8.000000000e+00, v63  }
0xea: {  	s28 =	sshll.u32 s0, $0x7;
	[tilespmem:v38+s25+$0x0] =	vst.idx.msk $0xffff, v43  }
0xeb: {  	s0 =	sadd.s32 s2, s28;
	[tilespmem:v42+s25+$0x0] =	vst.idx.msk $0xffff, v0  }
0xec: {  	[hbm4b:s0+s3] =	stream.linear.scatter [tilespmem:s25], [sflag:$0x5], $0x80, $0x38;
	[tilespmem:$0x8500] =	vst v63  }
0xed: {  	s1 =	simm.s32 $0x4188;
	s29 =	sadd.s32 $0x10, s0  }
0xee: {  	[hbm4b:s29+s3] =	stream.linear.scatter [tilespmem:s1], [sflag:$0x5], $0x80, $0x38;
	[tilespmem:$0x8500] =	vst v63  }
0xef: {  	s29 =	sadd.s32 $0x20, s0;
	s1 =	simm.s32 $0x4210  }
0xf0: {  	[hbm4b:s29+s3] =	stream.linear.scatter [tilespmem:s1], [sflag:$0x5], $0x80, $0x38;
	[tilespmem:$0x8500] =	vst v63  }
0xf1: {  	s29 =	sadd.s32 $0x30, s0;
	s1 =	simm.s32 $0x4298  }
0xf2: {  	[hbm4b:s29+s3] =	stream.linear.scatter [tilespmem:s1], [sflag:$0x5], $0x80, $0x38;
	[tilespmem:$0x8500] =	vst v63  }
0xf3: {  	s29 =	sadd.s32 $0x40, s0;
	s1 =	simm.s32 $0x4320  }
0xf4: {  	[hbm4b:s29+s3] =	stream.linear.scatter [tilespmem:s1], [sflag:$0x5], $0x80, $0x38;
	[tilespmem:$0x8500] =	vst v63  }
0xf5: {  	s29 =	sadd.s32 $0x50, s0;
	s1 =	simm.s32 $0x43A8  }
0xf6: {  	[hbm4b:s29+s3] =	stream.linear.scatter [tilespmem:s1], [sflag:$0x5], $0x80, $0x38;
	[tilespmem:$0x8500] =	vst v63  }
0xf7: {  	s29 =	sadd.s32 $0x60, s0;
	s1 =	simm.s32 $0x4430  }
0xf8: {  	[hbm4b:s29+s3] =	stream.linear.scatter [tilespmem:s1], [sflag:$0x5], $0x80, $0x38;
	[tilespmem:$0x8500] =	vst v63  }
0xf9: {  	s0 =	sadd.s32 $0x70, s0;
	s29 =	simm.s32 $0x44B8  }
0xfa: {  	[hbm4b:s0+s3] =	stream.linear.scatter [tilespmem:s29], [sflag:$0x5], $0x80, $0x38;
	[tilespmem:$0x8500] =	vst v63  }
0xfb: {  	s0 =	sadd.s32 s28, s10;
	s29 =	simm.s32 $0x4540  }
0xfc: {  	[hbm4b:s0+s3] =	stream.linear.scatter [tilespmem:s29], [sflag:$0x5], $0x80, $0x38;
	[tilespmem:$0x8500] =	vst v63  }
0xfd: {  	s1 =	simm.s32 $0x45C8;
	s29 =	sadd.s32 $0x10, s0  }
0xfe: {  	[hbm4b:s29+s3] =	stream.linear.scatter [tilespmem:s1], [sflag:$0x5], $0x80, $0x38;
	[tilespmem:$0x8500] =	vst v63  }
0xff: {  	s29 =	sadd.s32 $0x20, s0;
	s1 =	simm.s32 $0x4650  }
0x100: {  	[hbm4b:s29+s3] =	stream.linear.scatter [tilespmem:s1], [sflag:$0x5], $0x80, $0x38;
	[tilespmem:$0x8500] =	vst v63  }
0x101: {  	s29 =	sadd.s32 $0x30, s0;
	s1 =	simm.s32 $0x46D8  }
0x102: {  	[hbm4b:s29+s3] =	stream.linear.scatter [tilespmem:s1], [sflag:$0x5], $0x80, $0x38;
	[tilespmem:$0x8500] =	vst v63  }
0x103: {  	s29 =	sadd.s32 $0x40, s0;
	s1 =	simm.s32 $0x4760  }
0x104: {  	[hbm4b:s29+s3] =	stream.linear.scatter [tilespmem:s1], [sflag:$0x5], $0x80, $0x38;
	[tilespmem:$0x8500] =	vst v63  }
0x105: {  	s29 =	sadd.s32 $0x50, s0;
	s1 =	simm.s32 $0x47E8  }
0x106: {  	[hbm4b:s29+s3] =	stream.linear.scatter [tilespmem:s1], [sflag:$0x5], $0x80, $0x38;
	[tilespmem:$0x8500] =	vst v63  }
0x107: {  	s29 =	sadd.s32 $0x60, s0;
	s1 =	simm.s32 $0x4870  }
0x108: {  	[hbm4b:s29+s3] =	stream.linear.scatter [tilespmem:s1], [sflag:$0x5], $0x80, $0x38;
	[tilespmem:$0x8500] =	vst v63  }
0x109: {  	s0 =	sadd.s32 $0x70, s0;
	s29 =	simm.s32 $0x48F8  }
0x10a: {  	[hbm4b:s0+s3] =	stream.linear.scatter [tilespmem:s29], [sflag:$0x5], $0x80, $0x38;
	[tilespmem:$0x8500] =	vst v63  }
0x10b: {  	s0 =	sadd.s32 s28, s11;
	s29 =	simm.s32 $0x4980  }
0x10c: {  	[hbm4b:s0+s3] =	stream.linear.scatter [tilespmem:s29], [sflag:$0x5], $0x80, $0x38;
	[tilespmem:$0x8500] =	vst v63  }
0x10d: {  	s1 =	simm.s32 $0x4A08;
	s29 =	sadd.s32 $0x10, s0  }
0x10e: {  	[hbm4b:s29+s3] =	stream.linear.scatter [tilespmem:s1], [sflag:$0x5], $0x80, $0x38;
	[tilespmem:$0x8500] =	vst v63  }
0x10f: {  	s29 =	sadd.s32 $0x20, s0;
	s1 =	simm.s32 $0x4A90  }
0x110: {  	[hbm4b:s29+s3] =	stream.linear.scatter [tilespmem:s1], [sflag:$0x5], $0x80, $0x38;
	[tilespmem:$0x8500] =	vst v63  }
0x111: {  	s29 =	sadd.s32 $0x30, s0;
	s1 =	simm.s32 $0x4B18  }
0x112: {  	[hbm4b:s29+s3] =	stream.linear.scatter [tilespmem:s1], [sflag:$0x5], $0x80, $0x38;
	[tilespmem:$0x8500] =	vst v63  }
0x113: {  	s29 =	sadd.s32 $0x40, s0;
	s1 =	simm.s32 $0x4BA0  }
0x114: {  	[hbm4b:s29+s3] =	stream.linear.scatter [tilespmem:s1], [sflag:$0x5], $0x80, $0x38;
	[tilespmem:$0x8500] =	vst v63  }
0x115: {  	s29 =	sadd.s32 $0x50, s0;
	s1 =	simm.s32 $0x4C28  }
0x116: {  	[hbm4b:s29+s3] =	stream.linear.scatter [tilespmem:s1], [sflag:$0x5], $0x80, $0x38;
	[tilespmem:$0x8500] =	vst v63  }
0x117: {  	s29 =	sadd.s32 $0x60, s0;
	s1 =	simm.s32 $0x4CB0  }
0x118: {  	[hbm4b:s29+s3] =	stream.linear.scatter [tilespmem:s1], [sflag:$0x5], $0x80, $0x38;
	[tilespmem:$0x8500] =	vst v63  }
0x119: {  	s0 =	sadd.s32 $0x70, s0;
	s29 =	simm.s32 $0x4D38  }
0x11a: {  	[hbm4b:s0+s3] =	stream.linear.scatter [tilespmem:s29], [sflag:$0x5], $0x80, $0x38;
	[tilespmem:$0x8500] =	vst v63  }
0x11b: {  	s0 =	sadd.s32 s28, s12;
	s29 =	simm.s32 $0x4DC0  }
0x11c: {  	[hbm4b:s0+s3] =	stream.linear.scatter [tilespmem:s29], [sflag:$0x5], $0x80, $0x38;
	[tilespmem:$0x8500] =	vst v63  }
0x11d: {  	s1 =	simm.s32 $0x4E48;
	s29 =	sadd.s32 $0x10, s0  }
0x11e: {  	[hbm4b:s29+s3] =	stream.linear.scatter [tilespmem:s1], [sflag:$0x5], $0x80, $0x38;
	[tilespmem:$0x8500] =	vst v63  }
0x11f: {  	s29 =	sadd.s32 $0x20, s0;
	s1 =	simm.s32 $0x4ED0  }
0x120: {  	[hbm4b:s29+s3] =	stream.linear.scatter [tilespmem:s1], [sflag:$0x5], $0x80, $0x38;
	[tilespmem:$0x8500] =	vst v63  }
0x121: {  	s29 =	sadd.s32 $0x30, s0;
	s1 =	simm.s32 $0x4F58  }
0x122: {  	[hbm4b:s29+s3] =	stream.linear.scatter [tilespmem:s1], [sflag:$0x5], $0x80, $0x38;
	[tilespmem:$0x8500] =	vst v63  }
0x123: {  	s29 =	sadd.s32 $0x40, s0;
	s1 =	simm.s32 $0x4FE0  }
0x124: {  	[hbm4b:s29+s3] =	stream.linear.scatter [tilespmem:s1], [sflag:$0x5], $0x80, $0x38;
	[tilespmem:$0x8500] =	vst v63  }
0x125: {  	s29 =	sadd.s32 $0x50, s0;
	s1 =	simm.s32 $0x5068  }
0x126: {  	[hbm4b:s29+s3] =	stream.linear.scatter [tilespmem:s1], [sflag:$0x5], $0x80, $0x38;
	[tilespmem:$0x8500] =	vst v63  }
0x127: {  	s29 =	sadd.s32 $0x60, s0;
	s1 =	simm.s32 $0x50F0  }
0x128: {  	[hbm4b:s29+s3] =	stream.linear.scatter [tilespmem:s1], [sflag:$0x5], $0x80, $0x38;
	[tilespmem:$0x8500] =	vst v63  }
0x129: {  	s0 =	sadd.s32 $0x70, s0;
	s29 =	simm.s32 $0x5178  }
0x12a: {  	[hbm4b:s0+s3] =	stream.linear.scatter [tilespmem:s29], [sflag:$0x5], $0x80, $0x38;
	[tilespmem:$0x8500] =	vst v63  }
0x12b: {  	s0 =	sadd.s32 s28, s13;
	s29 =	simm.s32 $0x5200  }
0x12c: {  	[hbm4b:s0+s3] =	stream.linear.scatter [tilespmem:s29], [sflag:$0x5], $0x80, $0x38;
	[tilespmem:$0x8500] =	vst v63  }
0x12d: {  	s1 =	simm.s32 $0x5288;
	s29 =	sadd.s32 $0x10, s0  }
0x12e: {  	[hbm4b:s29+s3] =	stream.linear.scatter [tilespmem:s1], [sflag:$0x5], $0x80, $0x38;
	[tilespmem:$0x8500] =	vst v63  }
0x12f: {  	s29 =	sadd.s32 $0x20, s0;
	s1 =	simm.s32 $0x5310  }
0x130: {  	[hbm4b:s29+s3] =	stream.linear.scatter [tilespmem:s1], [sflag:$0x5], $0x80, $0x38;
	[tilespmem:$0x8500] =	vst v63  }
0x131: {  	s29 =	sadd.s32 $0x30, s0;
	s1 =	simm.s32 $0x5398  }
0x132: {  	[hbm4b:s29+s3] =	stream.linear.scatter [tilespmem:s1], [sflag:$0x5], $0x80, $0x38;
	[tilespmem:$0x8500] =	vst v63  }
0x133: {  	s29 =	sadd.s32 $0x40, s0;
	s1 =	simm.s32 $0x5420  }
0x134: {  	[hbm4b:s29+s3] =	stream.linear.scatter [tilespmem:s1], [sflag:$0x5], $0x80, $0x38;
	[tilespmem:$0x8500] =	vst v63  }
0x135: {  	s29 =	sadd.s32 $0x50, s0;
	s1 =	simm.s32 $0x54A8  }
0x136: {  	[hbm4b:s29+s3] =	stream.linear.scatter [tilespmem:s1], [sflag:$0x5], $0x80, $0x38;
	[tilespmem:$0x8500] =	vst v63  }
0x137: {  	s29 =	sadd.s32 $0x60, s0;
	s1 =	simm.s32 $0x5530  }
0x138: {  	[hbm4b:s29+s3] =	stream.linear.scatter [tilespmem:s1], [sflag:$0x5], $0x80, $0x38;
	[tilespmem:$0x8500] =	vst v63  }
0x139: {  	s0 =	sadd.s32 $0x70, s0;
	s29 =	simm.s32 $0x55B8  }
0x13a: {  	[hbm4b:s0+s3] =	stream.linear.scatter [tilespmem:s29], [sflag:$0x5], $0x80, $0x38;
	[tilespmem:$0x8500] =	vst v63  }
0x13b: {  	s0 =	sadd.s32 s28, s14;
	s29 =	simm.s32 $0x5640  }
0x13c: {  	[hbm4b:s0+s3] =	stream.linear.scatter [tilespmem:s29], [sflag:$0x5], $0x80, $0x38;
	[tilespmem:$0x8500] =	vst v63  }
0x13d: {  	s1 =	simm.s32 $0x56C8;
	s29 =	sadd.s32 $0x10, s0  }
0x13e: {  	[hbm4b:s29+s3] =	stream.linear.scatter [tilespmem:s1], [sflag:$0x5], $0x80, $0x38;
	[tilespmem:$0x8500] =	vst v63  }
0x13f: {  	s29 =	sadd.s32 $0x20, s0;
	s1 =	simm.s32 $0x5750  }
0x140: {  	[hbm4b:s29+s3] =	stream.linear.scatter [tilespmem:s1], [sflag:$0x5], $0x80, $0x38;
	[tilespmem:$0x8500] =	vst v63  }
0x141: {  	s29 =	sadd.s32 $0x30, s0;
	s1 =	simm.s32 $0x57D8  }
0x142: {  	[hbm4b:s29+s3] =	stream.linear.scatter [tilespmem:s1], [sflag:$0x5], $0x80, $0x38;
	[tilespmem:$0x8500] =	vst v63  }
0x143: {  	s29 =	sadd.s32 $0x40, s0;
	s1 =	simm.s32 $0x5860  }
0x144: {  	[hbm4b:s29+s3] =	stream.linear.scatter [tilespmem:s1], [sflag:$0x5], $0x80, $0x38;
	[tilespmem:$0x8500] =	vst v63  }
0x145: {  	s29 =	sadd.s32 $0x50, s0;
	s1 =	simm.s32 $0x58E8  }
0x146: {  	[hbm4b:s29+s3] =	stream.linear.scatter [tilespmem:s1], [sflag:$0x5], $0x80, $0x38;
	[tilespmem:$0x8500] =	vst v63  }
0x147: {  	s29 =	sadd.s32 $0x60, s0;
	s1 =	simm.s32 $0x5970  }
0x148: {  	[hbm4b:s29+s3] =	stream.linear.scatter [tilespmem:s1], [sflag:$0x5], $0x80, $0x38;
	[tilespmem:$0x8500] =	vst v63  }
0x149: {  	s0 =	sadd.s32 $0x70, s0;
	s29 =	simm.s32 $0x59F8  }
0x14a: {  	[hbm4b:s0+s3] =	stream.linear.scatter [tilespmem:s29], [sflag:$0x5], $0x80, $0x38;
	[tilespmem:$0x8500] =	vst v63  }
0x14b: {  	s0 =	sadd.s32 s28, s15;
	s29 =	simm.s32 $0x5A80  }
0x14c: {  	[hbm4b:s0+s3] =	stream.linear.scatter [tilespmem:s29], [sflag:$0x5], $0x80, $0x38;
	[tilespmem:$0x8500] =	vst v63  }
0x14d: {  	s1 =	simm.s32 $0x5B08;
	s29 =	sadd.s32 $0x10, s0  }
0x14e: {  	[hbm4b:s29+s3] =	stream.linear.scatter [tilespmem:s1], [sflag:$0x5], $0x80, $0x38;
	[tilespmem:$0x8500] =	vst v63  }
0x14f: {  	s29 =	sadd.s32 $0x20, s0;
	s1 =	simm.s32 $0x5B90  }
0x150: {  	[hbm4b:s29+s3] =	stream.linear.scatter [tilespmem:s1], [sflag:$0x5], $0x80, $0x38;
	[tilespmem:$0x8500] =	vst v63  }
0x151: {  	s29 =	sadd.s32 $0x30, s0;
	s1 =	simm.s32 $0x5C18  }
0x152: {  	[hbm4b:s29+s3] =	stream.linear.scatter [tilespmem:s1], [sflag:$0x5], $0x80, $0x38;
	[tilespmem:$0x8500] =	vst v63  }
0x153: {  	s29 =	sadd.s32 $0x40, s0;
	s1 =	simm.s32 $0x5CA0  }
0x154: {  	[hbm4b:s29+s3] =	stream.linear.scatter [tilespmem:s1], [sflag:$0x5], $0x80, $0x38;
	[tilespmem:$0x8500] =	vst v63  }
0x155: {  	s29 =	sadd.s32 $0x50, s0;
	s1 =	simm.s32 $0x5D28  }
0x156: {  	[hbm4b:s29+s3] =	stream.linear.scatter [tilespmem:s1], [sflag:$0x5], $0x80, $0x38;
	[tilespmem:$0x8500] =	vst v63  }
0x157: {  	s29 =	sadd.s32 $0x60, s0;
	s1 =	simm.s32 $0x5DB0  }
0x158: {  	[hbm4b:s29+s3] =	stream.linear.scatter [tilespmem:s1], [sflag:$0x5], $0x80, $0x38;
	[tilespmem:$0x8500] =	vst v63  }
0x159: {  	s0 =	sadd.s32 $0x70, s0;
	s29 =	simm.s32 $0x5E38  }
0x15a: {  	[hbm4b:s0+s3] =	stream.linear.scatter [tilespmem:s29], [sflag:$0x5], $0x80, $0x38;
	[tilespmem:$0x8500] =	vst v63  }
0x15b: {  	s0 =	sadd.s32 s28, s16;
	s29 =	simm.s32 $0x5EC0  }
0x15c: {  	[hbm4b:s0+s3] =	stream.linear.scatter [tilespmem:s29], [sflag:$0x5], $0x80, $0x38;
	[tilespmem:$0x8500] =	vst v63  }
0x15d: {  	s28 =	sadd.s32 $0x10, s0;
	s29 =	simm.s32 $0x5F48  }
0x15e: {  	[hbm4b:s28+s3] =	stream.linear.scatter [tilespmem:s29], [sflag:$0x5], $0x80, $0x38;
	[tilespmem:$0x8500] =	vst v63  }
0x15f: {  	s28 =	sadd.s32 $0x20, s0;
	s29 =	simm.s32 $0x5FD0  }
0x160: {  	[hbm4b:s28+s3] =	stream.linear.scatter [tilespmem:s29], [sflag:$0x5], $0x80, $0x38;
	[tilespmem:$0x8500] =	vst v63  }
0x161: {  	s28 =	sadd.s32 $0x30, s0;
	s29 =	simm.s32 $0x6058  }
0x162: {  	[hbm4b:s28+s3] =	stream.linear.scatter [tilespmem:s29], [sflag:$0x5], $0x80, $0x38;
	[tilespmem:$0x8500] =	vst v63  }
0x163: {  	s28 =	sadd.s32 $0x40, s0;
	s29 =	simm.s32 $0x60E0  }
0x164: {  	[hbm4b:s28+s3] =	stream.linear.scatter [tilespmem:s29], [sflag:$0x5], $0x80, $0x38;
	[tilespmem:$0x8500] =	vst v63  }
0x165: {  	s28 =	sadd.s32 $0x50, s0;
	s29 =	simm.s32 $0x6168  }
0x166: {  	[hbm4b:s28+s3] =	stream.linear.scatter [tilespmem:s29], [sflag:$0x5], $0x80, $0x38;
	[tilespmem:$0x8500] =	vst v63  }
0x167: {  	s28 =	sadd.s32 $0x60, s0;
	s29 =	simm.s32 $0x61F0  }
0x168: {  	[hbm4b:s28+s3] =	stream.linear.scatter [tilespmem:s29], [sflag:$0x5], $0x80, $0x38;
	[tilespmem:$0x8500] =	vst v63  }
0x169: {  	s0 =	sadd.s32 $0x70, s0;
	s29 =	simm.s32 $0x6278  }
0x16a: {  	[hbm4b:s0+s3] =	stream.linear.scatter [tilespmem:s29], [sflag:$0x5], $0x80, $0x38;
	[tilespmem:$0x8500] =	vst v63  }
0x16b: {  	s0 =	sadd.s32 @!p0 s26, s17  }
0x16c: {  	_ =	swait.ge [sflag:s30], $0x2000;
	s0 =	sshll.u32 @!p0 s0, $0x4  }
0x16d: {  	s28 =	simm.s32 @!p0 $0x80;
	[sflag:s30] =	ssyncset.done $0x0;
	s0 =	sand.u32 @!p0 $0x1FFFFFF0, s0  }
0x16e: {  	s26 =	simm.s32 @!p0 $0x0;
	[sflag:s30] =	ssyncadd.s32 $0xFFFFE000;
	s0 =	sadd.s32 @!p0 s4, s0  }
0x16f: {  	[tilespmem:s28], [sflag:$0x2] =	stream.linear.gather @!p0 [hbm4b:s0+s26], $0x80, $0x38;
	[tilespmem:$0x8500] =	vst v63  }
0x170: {  	_ =	swait.ge @p1 [sflag:s7], $0x400  }
0x171: {  	[sflag:s7] =	ssyncset.done @p1 $0x0  }
0x172: {  	[sflag:s7] =	ssyncadd.s32 @p1 $0xFFFFFC00  }
0x173: {  	_ =	swait.ge @p1 [sflag:s7], $0x400  }
0x174: {  	[sflag:s7] =	ssyncset.done @p1 $0x0  }
0x175: {  	[sflag:s7] =	ssyncadd.s32 @p1 $0xFFFFFC00  }
0x176: {  	_ =	swait.ge @p1 [sflag:s7], $0x400  }
0x177: {  	[sflag:s7] =	ssyncset.done @p1 $0x0  }
0x178: {  	[sflag:s7] =	ssyncadd.s32 @p1 $0xFFFFFC00  }
0x179: {  	_ =	swait.ge @p1 [sflag:s7], $0x400  }
0x17a: {  	[sflag:s7] =	ssyncset.done @p1 $0x0  }
0x17b: {  	[sflag:s7] =	ssyncadd.s32 @p1 $0xFFFFFC00  }
0x17c: {  	_ =	swait.ge @p1 [sflag:s7], $0x400  }
0x17d: {  	[sflag:s7] =	ssyncset.done @p1 $0x0  }
0x17e: {  	[sflag:s7] =	ssyncadd.s32 @p1 $0xFFFFFC00  }
0x17f: {  	_ =	swait.ge @p1 [sflag:s7], $0x400  }
0x180: {  	[sflag:s7] =	ssyncset.done @p1 $0x0  }
0x181: {  	[sflag:s7] =	ssyncadd.s32 @p1 $0xFFFFFC00  }
0x182: {  	_ =	swait.ge @p1 [sflag:s7], $0x400  }
0x183: {  	[sflag:s7] =	ssyncset.done @p1 $0x0  }
0x184: {  	s26 =	simm.s32 $0x0;
	[sflag:s7] =	ssyncadd.s32 @p1 $0xFFFFFC00  }
0x185: {  	s29 =	simm.s32 $0x1;
	v0 =	vmov s26;
	_ =	swait.ge @p1 [sflag:s7], $0x400  }
0x186: {  	v44 =	vmov s29;
	s26 =	simm.s32 $0x7;
	v0 =	vshrl.u32 v0, $0x3;
	[sflag:s7] =	ssyncset.done @p1 $0x0  }
0x187: {  	v33 =	vshrl.u32 v44, $0x3;
	v50 =	vmov s26;
	s26 =	simm.s32 $0x2200;
	v0 =	vshll.u32 v0, v1;
	v13 =	vld [tilespmem:$0x1FFB0];
	[sflag:s7] =	ssyncadd.s32 @p1 $0xFFFFFC00  }
0x188: {  	s1 =	simm.s32 $0x2;
	v33 =	vshll.u32 v33, v1;
	v39 =	vshrl.u32 v50, $0x3;
	v22 =	vbroadcast v0, $0x0;
	v52 =	vld [tilespmem:s26+$0xFFFFFF00]  }
0x189: {  	v45 =	vmov s1;
	s1 =	simm.s32 $0x5;
	v26 =	vbroadcast v33, $0x0;
	v51 =	vshll.u32 v39, v1;
	v44 =	vld [tilespmem:s26+$0xFFFFFF40]  }
0x18a: {  	v29 =	vmovc v27;
	v48 =	vmov s1;
	v27 =	vbroadcast v51, $0x0;
	v62 =	vadd.s32 v2, v22;
	v0 =	vld [tilespmem:s26+$0xC0]  }
0x18b: {  	v34 =	vshrl.u32 v45, $0x3;
	v37 =	vshrl.u32 v48, $0x3;
	v57 =	vadd.s32 v6, v26  }
0x18c: {  	v34 =	vshll.u32 v34, v1;
	v54 =	vshll.u32 v37, v1;
	s28 =	simm.s32 $0x3;
	v45 =	vadd.s32 v13, v27  }
0x18d: {  	v37 =	vbroadcast v34, $0x0;
	s29 =	simm.s32 $0x4;
	v46 =	vmov s28;
	v63 =	vld [tilespmem:s26+$0xFFFFFF80];
	v42 =	vmul.f32 $8.000000000e+00, v52  }
0x18e: {  	v47 =	vmov s29;
	v35 =	vshrl.u32 v46, $0x3;
	v58 =	vld [tilespmem:s26+$0xFFFFFFC0];
	v44 =	vmul.f32 $8.000000000e+00, v44  }
0x18f: {  	v36 =	vshrl.u32 v47, $0x3;
	v35 =	vshll.u32 v35, v1;
	v60 =	vld [tilespmem:s26+$0x0];
	v0 =	vmul.f32 $8.000000000e+00, v0;
	[tilespmem:v62+s31+$0x0] =	vst.idx.msk $0xffff, v42  }
0x190: {  	v59 =	vadd.s32 v10, v37;
	v53 =	vshll.u32 v36, v1;
	s28 =	simm.s32 $0x6;
	v36 =	vbroadcast v35, $0x0;
	v51 =	vld [tilespmem:s26+$0x40];
	[tilespmem:v57+s31+$0x0] =	vst.idx.msk $0xffff, v44  }
0x191: {  	v49 =	vmov s28;
	v35 =	vbroadcast v53, $0x0;
	v53 =	vld [tilespmem:s26+$0x80];
	[tilespmem:v45+s31+$0x0] =	vst.idx.msk $0xffff, v0  }
0x192: {  	v33 =	vbroadcast v54, $0x0;
	v38 =	vshrl.u32 v49, $0x3;
	v43 =	vadd.s32 v14, v36;
	v13 =	vld [tilespmem:$0x1FF90]  }
0x193: {  	v61 =	vmovc v32;
	v56 =	vshll.u32 v38, v1;
	v52 =	vadd.s32 v18, v35;
	v62 =	vmul.f32 $8.000000000e+00, v63;
	v32 =	vld [tilespmem:s26+$0xFFFFFF50]  }
0x194: {  	v34 =	vbroadcast v56, $0x0;
	v45 =	vadd.s32 v23, v33;
	v46 =	vld [tilespmem:s26+$0xD0]  }
0x195: {  	v63 =	vmul.f32 $8.000000000e+00, v58;
	v47 =	vld [tilespmem:s26+$0xFFFFFF10];
	[tilespmem:v59+s31+$0x0] =	vst.idx.msk $0xffff, v62;
	v62 =	vmul.f32 $8.000000000e+00, v51;
	v51 =	vadd.s32 v7, v26  }
0x196: {  	v49 =	vadd.s32 v55, v27;
	v60 =	vmul.f32 $8.000000000e+00, v60;
	v56 =	vld [tilespmem:s26+$0xFFFFFF90]  }
0x197: {  	[tilespmem:v43+s31+$0x0] =	vst.idx.msk $0xffff, v63;
	v44 =	vadd.s32 v13, v34  }
0x198: {  	v55 =	vadd.s32 v3, v22;
	v57 =	vld [tilespmem:s26+$0xFFFFFFD0];
	[tilespmem:v52+s31+$0x0] =	vst.idx.msk $0xffff, v60;
	v32 =	vmul.f32 $8.000000000e+00, v32  }
0x199: {  	v58 =	vld [tilespmem:s26+$0x10];
	[tilespmem:v45+s31+$0x0] =	vst.idx.msk $0xffff, v62;
	v38 =	vmul.f32 $8.000000000e+00, v46  }
0x19a: {  	s29 =	simm.s32 $0x8;
	v54 =	vadd.s32 v20, v35;
	v63 =	vmul.f32 $8.000000000e+00, v53;
	v53 =	vadd.s32 v11, v37;
	v59 =	vld [tilespmem:s26+$0x50];
	[tilespmem:v51+s31+$0x0] =	vst.idx.msk $0xffff, v32  }
0x19b: {  	v0 =	vmov s29;
	s29 =	simm.s32 $0xA;
	v46 =	vmul.f32 $8.000000000e+00, v47;
	v62 =	vmul.f32 $8.000000000e+00, v56;
	[tilespmem:v49+s31+$0x0] =	vst.idx.msk $0xffff, v38;
	v56 =	vld [tilespmem:s26+$0xFFFFFF60]  }
0x19c: {  	v50 =	vmov s29;
	s29 =	simm.s32 $0xC;
	v47 =	vadd.s32 v15, v36;
	v49 =	vld [tilespmem:s26+$0xE0];
	[tilespmem:v44+s31+$0x0] =	vst.idx.msk $0xffff, v63  }
0x19d: {  	v52 =	vmov s29;
	[tilespmem:v55+s31+$0x0] =	vst.idx.msk $0xffff, v46;
	v46 =	vadd.s32 v24, v33;
	v60 =	vld [tilespmem:s26+$0x90]  }
0x19e: {  	v41 =	vshrl.u32 v52, $0x3;
	v52 =	vadd.s32 v8, v26;
	v38 =	vmul.f32 $8.000000000e+00, v58;
	v55 =	vld [tilespmem:s26+$0xFFFFFF20]  }
0x19f: {  	v0 =	vshrl.u32 v0, $0x3;
	[tilespmem:v53+s31+$0x0] =	vst.idx.msk $0xffff, v62;
	v53 =	vadd.s32 v61, v27;
	v63 =	vmul.f32 $8.000000000e+00, v57  }
0x1a0: {  	v39 =	vshll.u32 v0, v1;
	v58 =	vld [tilespmem:s26+$0xFFFFFFA0];
	[tilespmem:v54+s31+$0x0] =	vst.idx.msk $0xffff, v38;
	v57 =	vadd.s32 v4, v22;
	v44 =	vmul.f32 $8.000000000e+00, v59  }
0x1a1: {  	v51 =	vadd.s32 v29, v34;
	v38 =	vbroadcast v39, $0x0;
	v62 =	vld [tilespmem:s26+$0x20];
	[tilespmem:v47+s31+$0x0] =	vst.idx.msk $0xffff, v63;
	v39 =	vmul.f32 $8.000000000e+00, v56  }
0x1a2: {  	v32 =	vmovc v61;
	[tilespmem:v46+s31+$0x0] =	vst.idx.msk $0xffff, v44;
	v61 =	vld [tilespmem:s26+$0xFFFFFFE0];
	v49 =	vmul.f32 $8.000000000e+00, v49;
	v59 =	vmul.f32 $8.000000000e+00, v60;
	v60 =	vadd.s32 v12, v37  }
0x1a3: {  	v55 =	vmul.f32 $8.000000000e+00, v55;
	v0 =	vld [tilespmem:s26+$0x60];
	[tilespmem:v52+s31+$0x0] =	vst.idx.msk $0xffff, v39  }
0x1a4: {  	v63 =	vadd.s32 v16, v36;
	[tilespmem:v53+s31+$0x0] =	vst.idx.msk $0xffff, v49;
	v52 =	vld [tilespmem:s26+$0xFFFFFF70]  }
0x1a5: {  	s1 =	simm.s32 $0x9;
	v40 =	vadd.s32 v21, v35;
	v50 =	vshrl.u32 v50, $0x3;
	v46 =	vmul.f32 $8.000000000e+00, v58;
	[tilespmem:v57+s31+$0x0] =	vst.idx.msk $0xffff, v55;
	v56 =	vld [tilespmem:s26+$0xF0]  }
0x1a6: {  	v48 =	vmov s1;
	s1 =	simm.s32 $0xB;
	v44 =	vshll.u32 v50, v1;
	v50 =	vld [tilespmem:s26+$0xFFFFFF30];
	[tilespmem:v51+s31+$0x0] =	vst.idx.msk $0xffff, v59  }
0x1a7: {  	v43 =	vmov s1;
	s1 =	simm.s32 $0xD;
	v61 =	vmul.f32 $8.000000000e+00, v61;
	v59 =	vld [tilespmem:s26+$0xA0];
	[tilespmem:v60+s31+$0x0] =	vst.idx.msk $0xffff, v46  }
0x1a8: {  	v30 =	vmov v29;
	v45 =	vmov s1;
	v62 =	vmul.f32 $8.000000000e+00, v62;
	v29 =	vld [tilespmem:$0x1FF30]  }
0x1a9: {  	v43 =	vshrl.u32 v43, $0x3;
	v54 =	vshrl.u32 v45, $0x3;
	v49 =	vld [tilespmem:s26+$0xFFFFFFB0];
	[tilespmem:v63+s31+$0x0] =	vst.idx.msk $0xffff, v61  }
0x1aa: {  	v45 =	vshll.u32 v43, v1;
	v43 =	vshll.u32 v54, v1;
	[tilespmem:v40+s31+$0x0] =	vst.idx.msk $0xffff, v62;
	v54 =	vld [tilespmem:s26+$0xFFFFFFF0]  }
0x1ab: {  	v48 =	vshrl.u32 v48, $0x3;
	s29 =	simm.s32 $0xE;
	v17 =	vld [tilespmem:$0x1FF40]  }
0x1ac: {  	v42 =	vmov s29;
	v47 =	vshll.u32 v48, v1;
	v48 =	vadd.s32 v5, v22;
	v22 =	vld [tilespmem:$0x1FFC0]  }
0x1ad: {  	v19 =	vmovc v28;
	v55 =	vadd.s32 v25, v33;
	v46 =	vshll.u32 v41, v1;
	v41 =	vadd.s32 v9, v26;
	v26 =	vld [tilespmem:$0x1FF60]  }
0x1ae: {  	v28 =	vmov v3;
	v42 =	vshrl.u32 v42, $0x3;
	v51 =	vadd.s32 v19, v34;
	v13 =	vld [tilespmem:$0x1FFD0]  }
0x1af: {  	s0 =	simm.s32 $0xF;
	s28 =	simm.s32 $0x10;
	v39 =	vmul.f32 $8.000000000e+00, v0;
	v31 =	vld [tilespmem:$0x1FFA0];
	v40 =	vmul.f32 $8.000000000e+00, v59;
	v53 =	vadd.s32 v29, v27;
	v27 =	vmovc v4;
	v4 =	vmovc v2  }
.LBB2_5:
0x1b0: {  	v0 =	vmov s0;
	v2 =	vld [tilespmem:$0x1FFB0]  }
0x1b1: {  	v0 =	vshrl.u32 v0, $0x3  }
0x1b2: {  	v57 =	vld [tilespmem:s26+$0x30];
	[tilespmem:v55+s31+$0x0] =	vst.idx.msk $0xffff, v39;
	v0 =	vshll.u32 v0, v1  }
0x1b3: {  	v37 =	vadd.s32 v17, v37;
	[tilespmem:v51+s31+$0x0] =	vst.idx.msk $0xffff, v40;
	v61 =	vld [tilespmem:s26+$0x70];
	v40 =	vbroadcast v0, $0x0;
	v59 =	vmul.f32 $8.000000000e+00, v56  }
0x1b4: {  	v36 =	vadd.s32 v22, v36;
	v63 =	vld [tilespmem:s26+$0xB0];
	v62 =	vmul.f32 $8.000000000e+00, v52  }
0x1b5: {  	v35 =	vadd.s32 v26, v35;
	s26 =	sadd.s32 $0x200, s26;
	v60 =	vmul.f32 $8.000000000e+00, v50;
	[tilespmem:v53+s31+$0x0] =	vst.idx.msk $0xffff, v59;
	v59 =	vadd.s32 v2, v40;
	v2 =	vld [tilespmem:$0x1FF90]  }
0x1b6: {  	v33 =	vadd.s32 v13, v33;
	v0 =	vmul.f32 $8.000000000e+00, v49;
	[tilespmem:v41+s31+$0x0] =	vst.idx.msk $0xffff, v62;
	v53 =	vld [tilespmem:s26+$0xC0]  }
0x1b7: {  	v34 =	vadd.s32 v31, v34;
	v58 =	vmul.f32 $8.000000000e+00, v54;
	[tilespmem:v48+s31+$0x0] =	vst.idx.msk $0xffff, v60;
	v41 =	vbroadcast v47, $0x0;
	v49 =	vld [tilespmem:s26+$0xFFFFFF40]  }
0x1b8: {  	v39 =	vmov v38;
	[tilespmem:v37+s31+$0x0] =	vst.idx.msk $0xffff, v0;
	v0 =	vmul.f32 $8.000000000e+00, v57;
	v38 =	vld [tilespmem:s26+$0xFFFFFF00]  }
0x1b9: {  	v37 =	vbroadcast v44, $0x0;
	[tilespmem:v36+s31+$0x0] =	vst.idx.msk $0xffff, v58;
	v54 =	vld [tilespmem:s26+$0xFFFFFF80];
	v60 =	vmul.f32 $8.000000000e+00, v61;
	v61 =	vadd.s32 v6, v41  }
0x1ba: {  	v51 =	vadd.s32 v4, v39;
	v36 =	vbroadcast v45, $0x0;
	v62 =	vld [tilespmem:s26+$0xFFFFFFC0];
	[tilespmem:v35+s31+$0x0] =	vst.idx.msk $0xffff, v0;
	v0 =	vmul.f32 $8.000000000e+00, v63  }
0x1bb: {  	v42 =	vshll.u32 v42, v1;
	v35 =	vbroadcast v46, $0x0;
	v57 =	vld [tilespmem:s26+$0x0];
	[tilespmem:v33+s31+$0x0] =	vst.idx.msk $0xffff, v60;
	v58 =	vmul.f32 $8.000000000e+00, v53  }
0x1bc: {  	v63 =	vadd.s32 v10, v37;
	[tilespmem:v34+s31+$0x0] =	vst.idx.msk $0xffff, v0;
	v34 =	vbroadcast v42, $0x0;
	v53 =	vld [tilespmem:s26+$0x40];
	v0 =	vmul.f32 $8.000000000e+00, v49  }
0x1bd: {  	v44 =	vadd.s32 v14, v36;
	v38 =	vmul.f32 $8.000000000e+00, v38;
	v49 =	vld [tilespmem:s26+$0x80];
	[tilespmem:v59+s31+$0x0] =	vst.idx.msk $0xffff, v58  }
0x1be: {  	v33 =	vbroadcast v43, $0x0;
	v43 =	vadd.s32 v18, v35;
	[tilespmem:v61+s31+$0x0] =	vst.idx.msk $0xffff, v0;
	v61 =	vadd.s32 v2, v34;
	v2 =	vld [tilespmem:$0x1FFF0]  }
0x1bf: {  	v60 =	vmul.f32 $8.000000000e+00, v54;
	[tilespmem:v51+s31+$0x0] =	vst.idx.msk $0xffff, v38;
	v47 =	vld [tilespmem:s26+$0xD0]  }
0x1c0: {  	v46 =	vadd.s32 v23, v33;
	v0 =	vmul.f32 $8.000000000e+00, v62;
	v51 =	vld [tilespmem:s26+$0xFFFFFF10]  }
0x1c1: {  	s1 =	sadd.s32 $0x1, s28;
	[tilespmem:v63+s31+$0x0] =	vst.idx.msk $0xffff, v60;
	v63 =	vmul.f32 $8.000000000e+00, v57;
	v62 =	vld [tilespmem:s26+$0xFFFFFF50]  }
0x1c2: {  	s29 =	sadd.s32 $0x2, s28;
	v55 =	vadd.s32 v28, v39;
	v50 =	vmov s1;
	v56 =	vld [tilespmem:s26+$0xFFFFFF90];
	[tilespmem:v44+s31+$0x0] =	vst.idx.msk $0xffff, v0  }
0x1c3: {  	v52 =	vmov s29;
	[tilespmem:v43+s31+$0x0] =	vst.idx.msk $0xffff, v63;
	v0 =	vmul.f32 $8.000000000e+00, v53;
	v53 =	vadd.s32 v7, v41  }
0x1c4: {  	v50 =	vshrl.u32 v50, $0x3;
	v60 =	vmul.f32 $8.000000000e+00, v49;
	v49 =	vadd.s32 v11, v37;
	v58 =	vld [tilespmem:s26+$0x10]  }
0x1c5: {  	v57 =	vld [tilespmem:s26+$0xFFFFFFD0];
	v45 =	vadd.s32 v2, v40;
	[tilespmem:v46+s31+$0x0] =	vst.idx.msk $0xffff, v0;
	v0 =	vmul.f32 $8.000000000e+00, v47;
	v47 =	vmul.f32 $8.000000000e+00, v51  }
0x1c6: {  	v52 =	vshrl.u32 v52, $0x3;
	v54 =	vadd.s32 v20, v35;
	[tilespmem:v61+s31+$0x0] =	vst.idx.msk $0xffff, v60;
	v48 =	vmul.f32 $8.000000000e+00, v62  }
0x1c7: {  	s1 =	sadd.s32 $0x3, s28;
	s29 =	sadd.s32 $0x4, s28;
	v59 =	vmov s28;
	v51 =	vadd.s32 v15, v36;
	v60 =	vld [tilespmem:s26+$0x90];
	v61 =	vmul.f32 $8.000000000e+00, v56;
	[tilespmem:v55+s31+$0x0] =	vst.idx.msk $0xffff, v47  }
0x1c8: {  	v42 =	vshrl.u32 v59, $0x3;
	v44 =	vmov s1;
	v43 =	vmov s29;
	s29 =	sadd.s32 $0x6, s28;
	v59 =	vld [tilespmem:s26+$0x50];
	[tilespmem:v53+s31+$0x0] =	vst.idx.msk $0xffff, v48  }
0x1c9: {  	v38 =	vmov s29;
	v53 =	vadd.s32 v30, v34;
	[tilespmem:v49+s31+$0x0] =	vst.idx.msk $0xffff, v61;
	v63 =	vmul.f32 $8.000000000e+00, v58;
	v55 =	vld [tilespmem:s26+$0xFFFFFF20]  }
0x1ca: {  	s1 =	sadd.s32 $0x5, s28;
	v43 =	vshrl.u32 v43, $0x3;
	v62 =	vmul.f32 $8.000000000e+00, v57;
	v56 =	vld [tilespmem:s26+$0xFFFFFF60];
	[tilespmem:v45+s31+$0x0] =	vst.idx.msk $0xffff, v0;
	v45 =	vadd.s32 v24, v33  }
0x1cb: {  	v46 =	vmov s1;
	v57 =	vshrl.u32 v44, $0x3;
	v44 =	vadd.s32 v27, v39;
	v58 =	vld [tilespmem:s26+$0xFFFFFFA0];
	[tilespmem:v54+s31+$0x0] =	vst.idx.msk $0xffff, v63  }
0x1cc: {  	v49 =	vadd.s32 v32, v40;
	v47 =	vld [tilespmem:s26+$0xE0];
	[tilespmem:v51+s31+$0x0] =	vst.idx.msk $0xffff, v62;
	v51 =	vadd.s32 v8, v41;
	v54 =	vmul.f32 $8.000000000e+00, v60  }
0x1cd: {  	v48 =	vmul.f32 $8.000000000e+00, v59;
	v60 =	vshrl.u32 v46, $0x3;
	v46 =	vadd.s32 v12, v37;
	v59 =	vld [tilespmem:s26+$0xFFFFFFE0]  }
0x1ce: {  	v0 =	vshll.u32 v42, v1;
	v42 =	vshrl.u32 v38, $0x3;
	v61 =	vld [tilespmem:s26+$0x20];
	[tilespmem:v53+s31+$0x0] =	vst.idx.msk $0xffff, v54;
	v55 =	vmul.f32 $8.000000000e+00, v55  }
0x1cf: {  	v62 =	vadd.s32 v16, v36;
	v38 =	vbroadcast v0, $0x0;
	v0 =	vmul.f32 $8.000000000e+00, v56;
	v3 =	vld [tilespmem:s26+$0xA0];
	[tilespmem:v45+s31+$0x0] =	vst.idx.msk $0xffff, v48  }
0x1d0: {  	p1 =	slt.u32 s28, $0x78;
	v2 =	vadd.s32 v21, v35;
	v41 =	vadd.s32 v9, v41;
	v48 =	vmul.f32 $8.000000000e+00, v58;
	v63 =	vld [tilespmem:s26+$0x60];
	[tilespmem:v44+s31+$0x0] =	vst.idx.msk $0xffff, v55  }
.Ltmp3:
0x1d1: {  	v53 =	vadd.s32 v29, v40;
	v45 =	vmul.f32 $8.000000000e+00, v47;
	v47 =	vshll.u32 v50, v1;
	[tilespmem:v51+s31+$0x0] =	vst.idx.msk $0xffff, v0;
	v50 =	vld [tilespmem:s26+$0xFFFFFF30];
	(pc) =	sbr.rel @p1 .LBB2_5-.Ltmp3, $4  }
0x1d2: {  	v55 =	vadd.s32 v25, v33;
	v44 =	vshll.u32 v52, v1;
	v0 =	vmul.f32 $8.000000000e+00, v59;
	v52 =	vld [tilespmem:s26+$0xFFFFFF70];
	[tilespmem:v46+s31+$0x0] =	vst.idx.msk $0xffff, v48  }
0x1d3: {  	v51 =	vadd.s32 v19, v34;
	v61 =	vmul.f32 $8.000000000e+00, v61;
	v46 =	vshll.u32 v43, v1;
	[tilespmem:v49+s31+$0x0] =	vst.idx.msk $0xffff, v45;
	v49 =	vld [tilespmem:s26+$0xFFFFFFB0]  }
0x1d4: {  	v48 =	vadd.s32 v5, v39;
	v43 =	vshll.u32 v60, v1;
	v56 =	vld [tilespmem:s26+$0xF0];
	[tilespmem:v62+s31+$0x0] =	vst.idx.msk $0xffff, v0  }
0x1d5: {  	s0 =	sadd.s32 $0x7, s28;
	s28 =	sadd.s32 $0x8, s28;
	v45 =	vshll.u32 v57, v1;
	[tilespmem:v2+s31+$0x0] =	vst.idx.msk $0xffff, v61;
	v40 =	vmul.f32 $8.000000000e+00, v3;
	v54 =	vld [tilespmem:s26+$0xFFFFFFF0];
	v39 =	vmul.f32 $8.000000000e+00, v63  }
0x1d6: {  	_ =	sdelay $0x3  }
0x1d7: {  	v62 =	vmul.f32 $8.000000000e+00, v50;
	[tilespmem:v55+s31+$0x0] =	vst.idx.msk $0xffff, v39  }
0x1d8: {  	[tilespmem:v51+s31+$0x0] =	vst.idx.msk $0xffff, v40;
	v61 =	vmul.f32 $8.000000000e+00, v56  }
0x1d9: {  	v3 =	vld [tilespmem:s26+$0x30];
	[tilespmem:v48+s31+$0x0] =	vst.idx.msk $0xffff, v62;
	v56 =	vmul.f32 $8.000000000e+00, v52  }
0x1da: {  	v2 =	vadd.s32 v17, v37;
	v63 =	vld [tilespmem:s26+$0x70];
	[tilespmem:v53+s31+$0x0] =	vst.idx.msk $0xffff, v61  }
0x1db: {  	v36 =	vadd.s32 v22, v36;
	v51 =	vld [tilespmem:s26+$0xB0];
	[tilespmem:v41+s31+$0x0] =	vst.idx.msk $0xffff, v56  }
0x1dc: {  	v0 =	vmov s0;
	v35 =	vadd.s32 v26, v35;
	s1 =	sadd.s32 $0x200, s26;
	v33 =	vadd.s32 v13, v33;
	v53 =	vld [tilespmem:$0x1FFB0]  }
0x1dd: {  	v34 =	vadd.s32 v31, v34;
	v0 =	vshrl.u32 v0, $0x3;
	v60 =	vld [tilespmem:s1+$0xFFFFFF00];
	v58 =	vmul.f32 $8.000000000e+00, v49  }
0x1de: {  	v47 =	vbroadcast v47, $0x0;
	v0 =	vshll.u32 v0, v1;
	v62 =	vld [tilespmem:s1+$0xFFFFFF40];
	v61 =	vmul.f32 $8.000000000e+00, v54  }
0x1df: {  	v57 =	vld [tilespmem:s1+$0xC0];
	v0 =	vbroadcast v0, $0x0;
	[tilespmem:v2+s31+$0x0] =	vst.idx.msk $0xffff, v58;
	v2 =	vmul.f32 $8.000000000e+00, v3;
	v3 =	vadd.s32 v4, v38  }
0x1e0: {  	v40 =	vadd.s32 v6, v47;
	[tilespmem:v36+s31+$0x0] =	vst.idx.msk $0xffff, v61;
	v63 =	vmul.f32 $8.000000000e+00, v63  }
0x1e1: {  	v44 =	vbroadcast v44, $0x0;
	v55 =	vld [tilespmem:s1+$0xFFFFFF80];
	[tilespmem:v35+s31+$0x0] =	vst.idx.msk $0xffff, v2;
	v2 =	vmul.f32 $8.000000000e+00, v51;
	v54 =	vadd.s32 v53, v0  }
0x1e2: {  	v56 =	vmul.f32 $8.000000000e+00, v60;
	[tilespmem:v33+s31+$0x0] =	vst.idx.msk $0xffff, v63  }
0x1e3: {  	v35 =	vadd.s32 v10, v44;
	[tilespmem:v34+s31+$0x0] =	vst.idx.msk $0xffff, v2;
	v2 =	vmul.f32 $8.000000000e+00, v62  }
0x1e4: {  	v37 =	vmul.f32 $8.000000000e+00, v57;
	[tilespmem:v3+s31+$0x0] =	vst.idx.msk $0xffff, v56  }
0x1e5: {  	v59 =	vmov v22;
	v22 =	vmov v13;
	v13 =	vld [tilespmem:s1+$0xFFFFFFC0];
	[tilespmem:v40+s31+$0x0] =	vst.idx.msk $0xffff, v2  }
0x1e6: {  	v58 =	vld [tilespmem:s1+$0x40];
	v3 =	vmul.f32 $8.000000000e+00, v55;
	[tilespmem:v54+s31+$0x0] =	vst.idx.msk $0xffff, v37  }
0x1e7: {  	v45 =	vbroadcast v45, $0x0;
	v4 =	vld [tilespmem:$0x1FF90]  }
0x1e8: {  	v46 =	vbroadcast v46, $0x0;
	v51 =	vld [tilespmem:s1+$0x0];
	[tilespmem:v35+s31+$0x0] =	vst.idx.msk $0xffff, v3  }
0x1e9: {  	v42 =	vshll.u32 v42, v1;
	v43 =	vbroadcast v43, $0x0;
	v57 =	vadd.s32 v14, v45;
	v6 =	vld [tilespmem:$0x1FFF0]  }
0x1ea: {  	v42 =	vbroadcast v42, $0x0;
	v60 =	vadd.s32 v18, v46;
	v61 =	vld [tilespmem:s1+$0x80]  }
0x1eb: {  	v63 =	vadd.s32 v23, v43;
	v10 =	vld [tilespmem:s1+$0xFFFFFF10]  }
0x1ec: {  	v2 =	vmul.f32 $8.000000000e+00, v13;
	v37 =	vld [tilespmem:s1+$0xD0];
	v40 =	vadd.s32 v4, v42  }
0x1ed: {  	v50 =	vadd.s32 v28, v38;
	v13 =	vld [tilespmem:s1+$0xFFFFFF50];
	v3 =	vmul.f32 $8.000000000e+00, v51  }
0x1ee: {  	v14 =	vld [tilespmem:s1+$0xFFFFFF90];
	[tilespmem:v57+s31+$0x0] =	vst.idx.msk $0xffff, v2;
	v2 =	vmul.f32 $8.000000000e+00, v58;
	v35 =	vadd.s32 v6, v0  }
0x1ef: {  	v36 =	vadd.s32 v7, v47;
	v48 =	vld [tilespmem:s1+$0xFFFFFFD0];
	[tilespmem:v60+s31+$0x0] =	vst.idx.msk $0xffff, v3;
	v3 =	vmul.f32 $8.000000000e+00, v61  }
0x1f0: {  	v53 =	vmov v23;
	v23 =	vadd.s32 v11, v44;
	v58 =	vmul.f32 $8.000000000e+00, v10;
	v52 =	vld [tilespmem:s1+$0x10];
	[tilespmem:v63+s31+$0x0] =	vst.idx.msk $0xffff, v2  }
0x1f1: {  	v10 =	vld [tilespmem:s1+$0x50];
	v2 =	vmul.f32 $8.000000000e+00, v37;
	v37 =	vadd.s32 v15, v45;
	[tilespmem:v40+s31+$0x0] =	vst.idx.msk $0xffff, v3  }
0x1f2: {  	v57 =	vmov v11;
	v11 =	vadd.s32 v20, v46;
	[tilespmem:v50+s31+$0x0] =	vst.idx.msk $0xffff, v58;
	v3 =	vmul.f32 $8.000000000e+00, v13;
	v13 =	vld [tilespmem:s1+$0x90]  }
0x1f3: {  	v50 =	vld [tilespmem:s1+$0xFFFFFF20];
	[tilespmem:v35+s31+$0x0] =	vst.idx.msk $0xffff, v2;
	v2 =	vmul.f32 $8.000000000e+00, v14;
	v14 =	vadd.s32 v24, v43  }
0x1f4: {  	v35 =	vld [tilespmem:s1+$0xE0];
	[tilespmem:v36+s31+$0x0] =	vst.idx.msk $0xffff, v3;
	v3 =	vmul.f32 $8.000000000e+00, v48;
	v36 =	vadd.s32 v30, v42  }
0x1f5: {  	v41 =	vadd.s32 v27, v38;
	v63 =	vmov v20;
	v20 =	vld [tilespmem:s1+$0xFFFFFF60];
	[tilespmem:v23+s31+$0x0] =	vst.idx.msk $0xffff, v2;
	v2 =	vmul.f32 $8.000000000e+00, v52  }
0x1f6: {  	v34 =	vadd.s32 v32, v0;
	v23 =	vld [tilespmem:s1+$0xFFFFFFA0];
	[tilespmem:v37+s31+$0x0] =	vst.idx.msk $0xffff, v3;
	v3 =	vmul.f32 $8.000000000e+00, v10  }
0x1f7: {  	v55 =	vmov v8;
	v37 =	vadd.s32 v8, v47;
	v8 =	vld [tilespmem:s1+$0xFFFFFFE0];
	[tilespmem:v11+s31+$0x0] =	vst.idx.msk $0xffff, v2;
	v2 =	vmul.f32 $8.000000000e+00, v13  }
0x1f8: {  	v58 =	vmov v12;
	v10 =	vadd.s32 v12, v44;
	v12 =	vmul.f32 $8.000000000e+00, v50;
	v11 =	vld [tilespmem:s1+$0x20];
	[tilespmem:v14+s31+$0x0] =	vst.idx.msk $0xffff, v3  }
0x1f9: {  	v13 =	vadd.s32 v16, v45;
	v3 =	vmul.f32 $8.000000000e+00, v35;
	v14 =	vld [tilespmem:s1+$0x60];
	[tilespmem:v36+s31+$0x0] =	vst.idx.msk $0xffff, v2  }
0x1fa: {  	v52 =	vmov v21;
	[tilespmem:v41+s31+$0x0] =	vst.idx.msk $0xffff, v12;
	v2 =	vmul.f32 $8.000000000e+00, v20;
	v20 =	vadd.s32 v21, v46;
	v21 =	vld [tilespmem:s1+$0xA0]  }
0x1fb: {  	v41 =	vld [tilespmem:s1+$0xFFFFFF30];
	[tilespmem:v34+s31+$0x0] =	vst.idx.msk $0xffff, v3;
	v3 =	vmul.f32 $8.000000000e+00, v23;
	v23 =	vadd.s32 v25, v43  }
0x1fc: {  	v34 =	vld [tilespmem:s1+$0xF0];
	[tilespmem:v37+s31+$0x0] =	vst.idx.msk $0xffff, v2;
	v2 =	vmul.f32 $8.000000000e+00, v8;
	v37 =	vadd.s32 v19, v42  }
0x1fd: {  	v8 =	vld [tilespmem:s1+$0xFFFFFF70];
	[tilespmem:v10+s31+$0x0] =	vst.idx.msk $0xffff, v3;
	v3 =	vmul.f32 $8.000000000e+00, v11;
	v10 =	vadd.s32 v5, v38  }
0x1fe: {  	v0 =	vadd.s32 v29, v0;
	v40 =	vld [tilespmem:s1+$0xFFFFFFB0];
	[tilespmem:v13+s31+$0x0] =	vst.idx.msk $0xffff, v2;
	v2 =	vmul.f32 $8.000000000e+00, v14  }
0x1ff: {  	v11 =	vadd.s32 v9, v47;
	v12 =	vld [tilespmem:s1+$0xFFFFFFF0];
	[tilespmem:v20+s31+$0x0] =	vst.idx.msk $0xffff, v3;
	v3 =	vmul.f32 $8.000000000e+00, v21  }
0x200: {  	v13 =	vadd.s32 v17, v44;
	v20 =	vmul.f32 $8.000000000e+00, v41;
	v14 =	vld [tilespmem:s1+$0x30];
	[tilespmem:v23+s31+$0x0] =	vst.idx.msk $0xffff, v2  }
0x201: {  	v21 =	vadd.s32 v59, v45;
	v2 =	vmul.f32 $8.000000000e+00, v34;
	v23 =	vld [tilespmem:s1+$0x70];
	[tilespmem:v37+s31+$0x0] =	vst.idx.msk $0xffff, v3  }
0x202: {  	v45 =	vadd.s32 v26, v46;
	v3 =	vmul.f32 $8.000000000e+00, v8;
	[tilespmem:v10+s31+$0x0] =	vst.idx.msk $0xffff, v20;
	v46 =	vld [tilespmem:s1+$0xB0]  }
0x203: {  	[tilespmem:v0+s31+$0x0] =	vst.idx.msk $0xffff, v2;
	v0 =	vmul.f32 $8.000000000e+00, v40;
	v2 =	vadd.s32 v22, v43  }
0x204: {  	v48 =	vadd.s32 v31, v42;
	[tilespmem:v11+s31+$0x0] =	vst.idx.msk $0xffff, v3;
	v3 =	vmul.f32 $8.000000000e+00, v12  }
0x205: {  	s26 =	sshll.u32 s23, $0x3;
	[tilespmem:v13+s31+$0x0] =	vst.idx.msk $0xffff, v0;
	v0 =	vmul.f32 $8.000000000e+00, v14  }
0x206: {  	s28 =	sand.u32 $0x7F, s23;
	s0 =	sand.u32 $0x3FFC00, s26;
	[tilespmem:v21+s31+$0x0] =	vst.idx.msk $0xffff, v3;
	v3 =	vmul.f32 $8.000000000e+00, v23  }
0x207: {  	s0 =	sor.u32 s28, s0;
	[tilespmem:v45+s31+$0x0] =	vst.idx.msk $0xffff, v0;
	v0 =	vmul.f32 $8.000000000e+00, v46  }
0x208: {  	s23 =	sshll.u32 s0, $0x7;
	[tilespmem:v2+s31+$0x0] =	vst.idx.msk $0xffff, v3  }
0x209: {  	s0 =	sadd.s32 s2, s23;
	[tilespmem:v48+s31+$0x0] =	vst.idx.msk $0xffff, v0  }
0x20a: {  	[hbm4b:s0+s3] =	stream.linear.scatter [tilespmem:s31], [sflag:$0x6], $0x80, $0x38;
	[tilespmem:$0x8500] =	vst v63  }
0x20b: {  	s29 =	sadd.s32 $0x10, s0;
	s1 =	simm.s32 $0x6388  }
0x20c: {  	[hbm4b:s29+s3] =	stream.linear.scatter [tilespmem:s1], [sflag:$0x6], $0x80, $0x38;
	[tilespmem:$0x8500] =	vst v63  }
0x20d: {  	s28 =	sadd.s32 $0x20, s0;
	s29 =	simm.s32 $0x6410  }
0x20e: {  	[hbm4b:s28+s3] =	stream.linear.scatter [tilespmem:s29], [sflag:$0x6], $0x80, $0x38;
	[tilespmem:$0x8500] =	vst v63  }
0x20f: {  	s28 =	sadd.s32 $0x30, s0;
	s29 =	simm.s32 $0x6498  }
0x210: {  	[hbm4b:s28+s3] =	stream.linear.scatter [tilespmem:s29], [sflag:$0x6], $0x80, $0x38;
	[tilespmem:$0x8500] =	vst v63  }
0x211: {  	s28 =	sadd.s32 $0x40, s0;
	s29 =	simm.s32 $0x6520  }
0x212: {  	[hbm4b:s28+s3] =	stream.linear.scatter [tilespmem:s29], [sflag:$0x6], $0x80, $0x38;
	[tilespmem:$0x8500] =	vst v63  }
0x213: {  	s28 =	sadd.s32 $0x50, s0;
	s29 =	simm.s32 $0x65A8  }
0x214: {  	[hbm4b:s28+s3] =	stream.linear.scatter [tilespmem:s29], [sflag:$0x6], $0x80, $0x38;
	[tilespmem:$0x8500] =	vst v63  }
0x215: {  	s1 =	sadd.s32 $0x60, s0;
	s28 =	simm.s32 $0x6630  }
0x216: {  	[hbm4b:s1+s3] =	stream.linear.scatter [tilespmem:s28], [sflag:$0x6], $0x80, $0x38;
	[tilespmem:$0x8500] =	vst v63  }
0x217: {  	s0 =	sadd.s32 $0x70, s0;
	s29 =	simm.s32 $0x66B8  }
0x218: {  	[hbm4b:s0+s3] =	stream.linear.scatter [tilespmem:s29], [sflag:$0x6], $0x80, $0x38;
	[tilespmem:$0x8500] =	vst v63  }
0x219: {  	s26 =	simm.s32 $0x6740;
	s0 =	sadd.s32 s23, s10  }
0x21a: {  	[hbm4b:s0+s3] =	stream.linear.scatter [tilespmem:s26], [sflag:$0x6], $0x80, $0x38;
	[tilespmem:$0x8500] =	vst v63  }
0x21b: {  	s29 =	simm.s32 $0x67C8;
	s28 =	sadd.s32 $0x10, s0  }
0x21c: {  	[hbm4b:s28+s3] =	stream.linear.scatter [tilespmem:s29], [sflag:$0x6], $0x80, $0x38;
	[tilespmem:$0x8500] =	vst v63  }
0x21d: {  	s28 =	sadd.s32 $0x20, s0;
	s29 =	simm.s32 $0x6850  }
0x21e: {  	[hbm4b:s28+s3] =	stream.linear.scatter [tilespmem:s29], [sflag:$0x6], $0x80, $0x38;
	[tilespmem:$0x8500] =	vst v63  }
0x21f: {  	s28 =	sadd.s32 $0x30, s0;
	s29 =	simm.s32 $0x68D8  }
0x220: {  	[hbm4b:s28+s3] =	stream.linear.scatter [tilespmem:s29], [sflag:$0x6], $0x80, $0x38;
	[tilespmem:$0x8500] =	vst v63  }
0x221: {  	s28 =	sadd.s32 $0x40, s0;
	s29 =	simm.s32 $0x6960  }
0x222: {  	[hbm4b:s28+s3] =	stream.linear.scatter [tilespmem:s29], [sflag:$0x6], $0x80, $0x38;
	[tilespmem:$0x8500] =	vst v63  }
0x223: {  	s28 =	sadd.s32 $0x50, s0;
	s29 =	simm.s32 $0x69E8  }
0x224: {  	[hbm4b:s28+s3] =	stream.linear.scatter [tilespmem:s29], [sflag:$0x6], $0x80, $0x38;
	[tilespmem:$0x8500] =	vst v63  }
0x225: {  	s1 =	sadd.s32 $0x60, s0;
	s28 =	simm.s32 $0x6A70  }
0x226: {  	[hbm4b:s1+s3] =	stream.linear.scatter [tilespmem:s28], [sflag:$0x6], $0x80, $0x38;
	[tilespmem:$0x8500] =	vst v63  }
0x227: {  	s0 =	sadd.s32 $0x70, s0;
	s29 =	simm.s32 $0x6AF8  }
0x228: {  	[hbm4b:s0+s3] =	stream.linear.scatter [tilespmem:s29], [sflag:$0x6], $0x80, $0x38;
	[tilespmem:$0x8500] =	vst v63  }
0x229: {  	s26 =	simm.s32 $0x6B80;
	s0 =	sadd.s32 s23, s11  }
0x22a: {  	[hbm4b:s0+s3] =	stream.linear.scatter [tilespmem:s26], [sflag:$0x6], $0x80, $0x38;
	[tilespmem:$0x8500] =	vst v63  }
0x22b: {  	s29 =	simm.s32 $0x6C08;
	s28 =	sadd.s32 $0x10, s0  }
0x22c: {  	[hbm4b:s28+s3] =	stream.linear.scatter [tilespmem:s29], [sflag:$0x6], $0x80, $0x38;
	[tilespmem:$0x8500] =	vst v63  }
0x22d: {  	s28 =	sadd.s32 $0x20, s0;
	s29 =	simm.s32 $0x6C90  }
0x22e: {  	[hbm4b:s28+s3] =	stream.linear.scatter [tilespmem:s29], [sflag:$0x6], $0x80, $0x38;
	[tilespmem:$0x8500] =	vst v63  }
0x22f: {  	s28 =	sadd.s32 $0x30, s0;
	s29 =	simm.s32 $0x6D18  }
0x230: {  	[hbm4b:s28+s3] =	stream.linear.scatter [tilespmem:s29], [sflag:$0x6], $0x80, $0x38;
	[tilespmem:$0x8500] =	vst v63  }
0x231: {  	s28 =	sadd.s32 $0x40, s0;
	s29 =	simm.s32 $0x6DA0  }
0x232: {  	[hbm4b:s28+s3] =	stream.linear.scatter [tilespmem:s29], [sflag:$0x6], $0x80, $0x38;
	[tilespmem:$0x8500] =	vst v63  }
0x233: {  	s28 =	sadd.s32 $0x50, s0;
	s29 =	simm.s32 $0x6E28  }
0x234: {  	[hbm4b:s28+s3] =	stream.linear.scatter [tilespmem:s29], [sflag:$0x6], $0x80, $0x38;
	[tilespmem:$0x8500] =	vst v63  }
0x235: {  	s1 =	sadd.s32 $0x60, s0;
	s28 =	simm.s32 $0x6EB0  }
0x236: {  	[hbm4b:s1+s3] =	stream.linear.scatter [tilespmem:s28], [sflag:$0x6], $0x80, $0x38;
	[tilespmem:$0x8500] =	vst v63  }
0x237: {  	s0 =	sadd.s32 $0x70, s0;
	s29 =	simm.s32 $0x6F38  }
0x238: {  	[hbm4b:s0+s3] =	stream.linear.scatter [tilespmem:s29], [sflag:$0x6], $0x80, $0x38;
	[tilespmem:$0x8500] =	vst v63  }
0x239: {  	s26 =	simm.s32 $0x6FC0;
	s0 =	sadd.s32 s23, s12  }
0x23a: {  	[hbm4b:s0+s3] =	stream.linear.scatter [tilespmem:s26], [sflag:$0x6], $0x80, $0x38;
	[tilespmem:$0x8500] =	vst v63  }
0x23b: {  	s29 =	simm.s32 $0x7048;
	s28 =	sadd.s32 $0x10, s0  }
0x23c: {  	[hbm4b:s28+s3] =	stream.linear.scatter [tilespmem:s29], [sflag:$0x6], $0x80, $0x38;
	[tilespmem:$0x8500] =	vst v63  }
0x23d: {  	s28 =	sadd.s32 $0x20, s0;
	s29 =	simm.s32 $0x70D0  }
0x23e: {  	[hbm4b:s28+s3] =	stream.linear.scatter [tilespmem:s29], [sflag:$0x6], $0x80, $0x38;
	[tilespmem:$0x8500] =	vst v63  }
0x23f: {  	s28 =	sadd.s32 $0x30, s0;
	s29 =	simm.s32 $0x7158  }
0x240: {  	[hbm4b:s28+s3] =	stream.linear.scatter [tilespmem:s29], [sflag:$0x6], $0x80, $0x38;
	[tilespmem:$0x8500] =	vst v63  }
0x241: {  	s28 =	sadd.s32 $0x40, s0;
	s29 =	simm.s32 $0x71E0  }
0x242: {  	[hbm4b:s28+s3] =	stream.linear.scatter [tilespmem:s29], [sflag:$0x6], $0x80, $0x38;
	[tilespmem:$0x8500] =	vst v63  }
0x243: {  	s28 =	sadd.s32 $0x50, s0;
	s29 =	simm.s32 $0x7268  }
0x244: {  	[hbm4b:s28+s3] =	stream.linear.scatter [tilespmem:s29], [sflag:$0x6], $0x80, $0x38;
	[tilespmem:$0x8500] =	vst v63  }
0x245: {  	s1 =	sadd.s32 $0x60, s0;
	s28 =	simm.s32 $0x72F0  }
0x246: {  	[hbm4b:s1+s3] =	stream.linear.scatter [tilespmem:s28], [sflag:$0x6], $0x80, $0x38;
	[tilespmem:$0x8500] =	vst v63  }
0x247: {  	s0 =	sadd.s32 $0x70, s0;
	s29 =	simm.s32 $0x7378  }
0x248: {  	[hbm4b:s0+s3] =	stream.linear.scatter [tilespmem:s29], [sflag:$0x6], $0x80, $0x38;
	[tilespmem:$0x8500] =	vst v63  }
0x249: {  	s26 =	simm.s32 $0x7400;
	s0 =	sadd.s32 s23, s13  }
0x24a: {  	[hbm4b:s0+s3] =	stream.linear.scatter [tilespmem:s26], [sflag:$0x6], $0x80, $0x38;
	[tilespmem:$0x8500] =	vst v63  }
0x24b: {  	s29 =	simm.s32 $0x7488;
	s28 =	sadd.s32 $0x10, s0  }
0x24c: {  	[hbm4b:s28+s3] =	stream.linear.scatter [tilespmem:s29], [sflag:$0x6], $0x80, $0x38;
	[tilespmem:$0x8500] =	vst v63  }
0x24d: {  	s28 =	sadd.s32 $0x20, s0;
	s29 =	simm.s32 $0x7510  }
0x24e: {  	[hbm4b:s28+s3] =	stream.linear.scatter [tilespmem:s29], [sflag:$0x6], $0x80, $0x38;
	[tilespmem:$0x8500] =	vst v63  }
0x24f: {  	s28 =	sadd.s32 $0x30, s0;
	s29 =	simm.s32 $0x7598  }
0x250: {  	[hbm4b:s28+s3] =	stream.linear.scatter [tilespmem:s29], [sflag:$0x6], $0x80, $0x38;
	[tilespmem:$0x8500] =	vst v63  }
0x251: {  	s28 =	sadd.s32 $0x40, s0;
	s29 =	simm.s32 $0x7620  }
0x252: {  	[hbm4b:s28+s3] =	stream.linear.scatter [tilespmem:s29], [sflag:$0x6], $0x80, $0x38;
	[tilespmem:$0x8500] =	vst v63  }
0x253: {  	s28 =	sadd.s32 $0x50, s0;
	s29 =	simm.s32 $0x76A8  }
0x254: {  	[hbm4b:s28+s3] =	stream.linear.scatter [tilespmem:s29], [sflag:$0x6], $0x80, $0x38;
	[tilespmem:$0x8500] =	vst v63  }
0x255: {  	s1 =	sadd.s32 $0x60, s0;
	s28 =	simm.s32 $0x7730  }
0x256: {  	[hbm4b:s1+s3] =	stream.linear.scatter [tilespmem:s28], [sflag:$0x6], $0x80, $0x38;
	[tilespmem:$0x8500] =	vst v63  }
0x257: {  	s0 =	sadd.s32 $0x70, s0;
	s29 =	simm.s32 $0x77B8  }
0x258: {  	[hbm4b:s0+s3] =	stream.linear.scatter [tilespmem:s29], [sflag:$0x6], $0x80, $0x38;
	[tilespmem:$0x8500] =	vst v63  }
0x259: {  	s26 =	simm.s32 $0x7840;
	s0 =	sadd.s32 s23, s14  }
0x25a: {  	[hbm4b:s0+s3] =	stream.linear.scatter [tilespmem:s26], [sflag:$0x6], $0x80, $0x38;
	[tilespmem:$0x8500] =	vst v63  }
0x25b: {  	s29 =	simm.s32 $0x78C8;
	s28 =	sadd.s32 $0x10, s0  }
0x25c: {  	[hbm4b:s28+s3] =	stream.linear.scatter [tilespmem:s29], [sflag:$0x6], $0x80, $0x38;
	[tilespmem:$0x8500] =	vst v63  }
0x25d: {  	s28 =	sadd.s32 $0x20, s0;
	s29 =	simm.s32 $0x7950  }
0x25e: {  	[hbm4b:s28+s3] =	stream.linear.scatter [tilespmem:s29], [sflag:$0x6], $0x80, $0x38;
	[tilespmem:$0x8500] =	vst v63  }
0x25f: {  	s28 =	sadd.s32 $0x30, s0;
	s29 =	simm.s32 $0x79D8  }
0x260: {  	[hbm4b:s28+s3] =	stream.linear.scatter [tilespmem:s29], [sflag:$0x6], $0x80, $0x38;
	[tilespmem:$0x8500] =	vst v63  }
0x261: {  	s28 =	sadd.s32 $0x40, s0;
	s29 =	simm.s32 $0x7A60  }
0x262: {  	[hbm4b:s28+s3] =	stream.linear.scatter [tilespmem:s29], [sflag:$0x6], $0x80, $0x38;
	[tilespmem:$0x8500] =	vst v63  }
0x263: {  	s28 =	sadd.s32 $0x50, s0;
	s29 =	simm.s32 $0x7AE8  }
0x264: {  	[hbm4b:s28+s3] =	stream.linear.scatter [tilespmem:s29], [sflag:$0x6], $0x80, $0x38;
	[tilespmem:$0x8500] =	vst v63  }
0x265: {  	s1 =	sadd.s32 $0x60, s0;
	s28 =	simm.s32 $0x7B70  }
0x266: {  	[hbm4b:s1+s3] =	stream.linear.scatter [tilespmem:s28], [sflag:$0x6], $0x80, $0x38;
	[tilespmem:$0x8500] =	vst v63  }
0x267: {  	s0 =	sadd.s32 $0x70, s0;
	s29 =	simm.s32 $0x7BF8  }
0x268: {  	[hbm4b:s0+s3] =	stream.linear.scatter [tilespmem:s29], [sflag:$0x6], $0x80, $0x38;
	[tilespmem:$0x8500] =	vst v63  }
0x269: {  	s26 =	simm.s32 $0x7C80;
	s0 =	sadd.s32 s23, s15  }
0x26a: {  	[hbm4b:s0+s3] =	stream.linear.scatter [tilespmem:s26], [sflag:$0x6], $0x80, $0x38;
	[tilespmem:$0x8500] =	vst v63  }
0x26b: {  	s29 =	simm.s32 $0x7D08;
	s28 =	sadd.s32 $0x10, s0  }
0x26c: {  	[hbm4b:s28+s3] =	stream.linear.scatter [tilespmem:s29], [sflag:$0x6], $0x80, $0x38;
	[tilespmem:$0x8500] =	vst v63  }
0x26d: {  	s28 =	sadd.s32 $0x20, s0;
	s29 =	simm.s32 $0x7D90  }
0x26e: {  	[hbm4b:s28+s3] =	stream.linear.scatter [tilespmem:s29], [sflag:$0x6], $0x80, $0x38;
	[tilespmem:$0x8500] =	vst v63  }
0x26f: {  	s28 =	sadd.s32 $0x30, s0;
	s29 =	simm.s32 $0x7E18  }
0x270: {  	[hbm4b:s28+s3] =	stream.linear.scatter [tilespmem:s29], [sflag:$0x6], $0x80, $0x38;
	[tilespmem:$0x8500] =	vst v63  }
0x271: {  	s28 =	sadd.s32 $0x40, s0;
	s29 =	simm.s32 $0x7EA0  }
0x272: {  	[hbm4b:s28+s3] =	stream.linear.scatter [tilespmem:s29], [sflag:$0x6], $0x80, $0x38;
	[tilespmem:$0x8500] =	vst v63  }
0x273: {  	s28 =	sadd.s32 $0x50, s0;
	s29 =	simm.s32 $0x7F28  }
0x274: {  	[hbm4b:s28+s3] =	stream.linear.scatter [tilespmem:s29], [sflag:$0x6], $0x80, $0x38;
	[tilespmem:$0x8500] =	vst v63  }
0x275: {  	s1 =	sadd.s32 $0x60, s0;
	s28 =	simm.s32 $0x7FB0  }
0x276: {  	[hbm4b:s1+s3] =	stream.linear.scatter [tilespmem:s28], [sflag:$0x6], $0x80, $0x38;
	[tilespmem:$0x8500] =	vst v63  }
0x277: {  	s0 =	sadd.s32 $0x70, s0;
	s29 =	simm.s32 $0x8038  }
0x278: {  	[hbm4b:s0+s3] =	stream.linear.scatter [tilespmem:s29], [sflag:$0x6], $0x80, $0x38;
	[tilespmem:$0x8500] =	vst v63  }
0x279: {  	s0 =	sadd.s32 s23, s16;
	s23 =	simm.s32 $0x80C0  }
0x27a: {  	[hbm4b:s0+s3] =	stream.linear.scatter [tilespmem:s23], [sflag:$0x6], $0x80, $0x38;
	[tilespmem:$0x8500] =	vst v63  }
0x27b: {  	s26 =	simm.s32 $0x8148;
	s23 =	sadd.s32 $0x10, s0  }
0x27c: {  	[hbm4b:s23+s3] =	stream.linear.scatter [tilespmem:s26], [sflag:$0x6], $0x80, $0x38;
	[tilespmem:$0x8500] =	vst v63  }
0x27d: {  	s29 =	simm.s32 $0x81D0;
	s28 =	sadd.s32 $0x20, s0  }
0x27e: {  	[hbm4b:s28+s3] =	stream.linear.scatter [tilespmem:s29], [sflag:$0x6], $0x80, $0x38;
	[tilespmem:$0x8500] =	vst v63  }
0x27f: {  	s1 =	sadd.s32 $0x30, s0;
	s26 =	simm.s32 $0x8258  }
0x280: {  	[hbm4b:s1+s3] =	stream.linear.scatter [tilespmem:s26], [sflag:$0x6], $0x80, $0x38;
	[tilespmem:$0x8500] =	vst v63  }
0x281: {  	s28 =	sadd.s32 $0x40, s0;
	s29 =	simm.s32 $0x82E0  }
0x282: {  	[hbm4b:s28+s3] =	stream.linear.scatter [tilespmem:s29], [sflag:$0x6], $0x80, $0x38;
	[tilespmem:$0x8500] =	vst v63  }
0x283: {  	s1 =	sadd.s32 $0x50, s0;
	s26 =	simm.s32 $0x8368  }
0x284: {  	[hbm4b:s1+s3] =	stream.linear.scatter [tilespmem:s26], [sflag:$0x6], $0x80, $0x38;
	[tilespmem:$0x8500] =	vst v63  }
.Ltmp4:
0x285: {  	_ = 	snop;
	(pc) =	sbr.rel @p0 .LBB2_8-.Ltmp4, $4  }
0x286: {  	s28 =	sadd.s32 $0x60, s0;
	s29 =	simm.s32 $0x83F0  }
0x287: {  	v49 =	vmovc v5;
	v62 =	vmovc v18;
	v56 =	vmov v24;
	v54 =	vmov v7;
	v51 =	vmov v25;
	[hbm4b:s28+s3] =	stream.linear.scatter [tilespmem:s29], [sflag:$0x6], $0x80, $0x38;
	[tilespmem:$0x8500] =	vst v63  }
0x288: {  	v60 =	vmovc v15;
	v61 =	vmovc v16;
	v4 =	vmov v27;
	v27 =	vmov v30;
	v31 =	vmov v6;
	s0 =	sadd.s32 $0x70, s0  }
0x289: {  	v50 =	vmovc v9;
	v17 =	vmovc v59;
	v26 =	vmov v22;
	v3 =	vmov v28;
	v28 =	vmov v19;
	[hbm4b:s0+s3] =	stream.linear.scatter [tilespmem:s8], [sflag:$0x6], $0x80, $0x38;
	[tilespmem:$0x8500] =	vst v63  }
0x28a: {  	_ =	swait.ge [sflag:s20], $0x80  }
0x28b: {  	v2 =	vld [tilespmem:$0x1FF50]  }
0x28c: {  	v6 =	vld [tilespmem:$0x1FF70]  }
0x28d: {  	v10 =	vld [tilespmem:$0x1FF80]  }
0x28e: {  	v13 =	vld [tilespmem:$0x1FF40]  }
.Ltmp5:
0x28f: {  	v14 =	vld [tilespmem:$0x1FFE0];
	(pc) =	sbr.rel .LBB2_2-.Ltmp5, $4  }
0x290: {  	v22 =	vld [tilespmem:$0x1FF60]  }
0x291: {  	v5 =	vmovc v49;
	v7 =	vmov v54;
	v8 =	vmov v55;
	v9 =	vmov v50;
	[sflag:s20] =	ssyncset.done $0x0;
	v19 =	vld [tilespmem:$0x1FF90]  }
0x292: {  	s0 =	simm.s32 $0x100;
	s21 =	sadd.s32 $0x1, s21;
	v11 =	vmovc v57;
	v12 =	vmovc v58;
	v15 =	vmov v60;
	v16 =	vmov v61;
	v18 =	vmov v62;
	v29 =	vld [tilespmem:$0x1FFA0];
	[sflag:s20] =	ssyncadd.s32 $0xFFFFFF80  }
0x293: {  	v20 =	vmovc v63;
	v21 =	vmovc v52;
	v23 =	vmov v53;
	v24 =	vmov v56;
	v25 =	vmov v51;
	v30 =	vld [tilespmem:$0x1FFB0];
	[tilespmem:s0], [sflag:$0x3] =	stream.indirect.gather [hbm4b:s6+s19], $0x40, s3, s19, $0xb8  }
.LBB2_9:
0x294: {  	_ =	sfence.sel $0x180000  }
0x295: {  	[bflag:$0x0] =	sbarrier.arrive $0xFFFF  }
0x296: {  	_ =	strace $0x90000047  }
0x297: {  	s0 =	stileid.u32;
	[bflag:$0x2] =	sbarrier.arrive $0xFFFF  }
0x298: {  	p0 =	sne.s32 s0, $0x0;
	s0 =	rddreg [dreg:$0x2]  }
0x299: {  	s0 =	sadd.s32 @!p0 $0x100000, s0  }
0x29a: {  	[sflag:s0] =	ssyncadd.tile.s32 @!p0 $0x1;
	_ =	shalt  }
.Lfunc_end2:
_tile_overlayer_lowered:
.L_overlay_start_2:
0x29b: {  	(tag) =	ssettag $0x2  }
0x29c: {  	s0 =	rddreg [dreg:$0x0];
	s2 =	stileid.u32  }
0x29d: {  	s1 =	rddreg [dreg:$0x1];
	p0 =	sne.s32 s2, $0x0  }
0x29e: {  	s3 =	rddreg [dreg:$0x2];
	[bflag:$0x3] =	sbarrier.arrive $0xFFFF;
	s2 =	simm.s32 @!p0 $0x1C07  }
0x29f: {  	[timem:s3], [sflag:s2] =	dma.local @!p0 [hbm:s0], s1  }
0x2a0: {  	s0 =	simm.s32 @!p0 $0x7  }
0x2a1: {  	_ =	swait.ge @!p0 [sflag:s0], s1  }
0x2a2: {  	s1 =	ssub.s32 @!p0 $0x0, s1;
	[sflag:s0] =	ssyncset.done @!p0 $0x0  }
0x2a3: {  	[sflag:s0] =	ssyncadd.s32 @!p0 s1  }
0x2a4: {  	[bflag:$0x3] =	sbarrier.arrive $0xFFFF  }
0x2a5: {  	_ =	shalt  }

</sc_bundles>
